<compile_context>
chip_gen: v7x
topology: tpu7x:2x2x1
jax: 0.10.2.dev20260603
libtpu: 0.0.44.dev20260713+nightly
codegen_flags: <defaults>
</compile_context>

<pallas_src>
import jax
import jax.numpy as jnp
from jax import lax
from jax.experimental import pallas as pl
from jax.experimental.pallas import tpu as pltpu
from jax.experimental.pallas import tpu_sc as plsc

N = 10000
P = 10240
E = 320000
D = 128
C = 16
NC, NS = 2, 16
NW = NC * NS
CHUNK = 80
EPT = E // NW
NCH = EPT // CHUNK
ROWS_T = P // NS

_mesh = plsc.VectorSubcoreMesh(
    core_axis_name="c", subcore_axis_name="s", num_cores=NC, num_subcores=NS)


DEG_INFLIGHT = 8


def _deg_body(dst3, ones_h, zeros_h, deg_out, didx, ones_v, dacc, ssem):
    cid = lax.axis_index("c")
    sid = lax.axis_index("s")
    wid = cid * NS + sid

    pltpu.async_copy(dst3.at[wid], didx, ssem)
    pltpu.async_copy(ones_h, ones_v, ssem)
    pltpu.sync_copy(zeros_h.at[pl.ds(sid * ROWS_T, ROWS_T)],
                    dacc.at[pl.ds(sid * ROWS_T, ROWS_T)])
    pltpu.make_async_copy(dst3.at[wid], didx, ssem).wait()
    pltpu.make_async_copy(ones_h, ones_v, ssem).wait()
    plsc.subcore_barrier()

    def body(j, _):
        pltpu.async_copy(ones_v, dacc.at[didx.at[j]], ssem, add=True)

        @pl.when(j >= DEG_INFLIGHT)
        def _():
            pltpu.make_async_copy(ones_v, dacc.at[didx.at[0]], ssem).wait()

        return 0

    lax.fori_loop(0, NCH, body, 0)

    def drain(j, _):
        pltpu.make_async_copy(ones_v, dacc.at[didx.at[0]], ssem).wait()
        return 0

    lax.fori_loop(0, DEG_INFLIGHT, drain, 0)
    plsc.subcore_barrier()
    pltpu.sync_copy(dacc.at[pl.ds(sid * ROWS_T, ROWS_T)],
                    deg_out.at[cid, pl.ds(sid * ROWS_T, ROWS_T)])


_deg_call = pl.kernel(
    _deg_body,
    out_type=jax.ShapeDtypeStruct((NC, P, D), jnp.float32),
    mesh=_mesh,
    scratch_types=[
        pltpu.VMEM((NCH, CHUNK), jnp.int32),
        pltpu.VMEM((CHUNK, D), jnp.float32),
        pltpu.VMEM_SHARED((P, D), jnp.float32),
        pltpu.SemaphoreType.DMA,
    ],
)


def _spmm_body(hs, src3, dst3, zeros_h, acc_out, sidx, didx, rows, acc,
               gsem, ssem, isem):
    cid = lax.axis_index("c")
    sid = lax.axis_index("s")
    wid = cid * NS + sid

    pltpu.sync_copy(src3.at[wid, 0], sidx.at[0])
    pltpu.sync_copy(dst3.at[wid, 0], didx.at[0])
    pltpu.sync_copy(src3.at[wid, 1], sidx.at[1])
    pltpu.sync_copy(dst3.at[wid, 1], didx.at[1])
    pltpu.async_copy(hs.at[sidx.at[0]], rows.at[0], gsem)
    pltpu.async_copy(hs.at[sidx.at[1]], rows.at[1], gsem)

    pltpu.sync_copy(zeros_h.at[pl.ds(sid * ROWS_T, ROWS_T)],
                    acc.at[pl.ds(sid * ROWS_T, ROWS_T)])
    plsc.subcore_barrier()

    def body(j, _):
        s0 = lax.rem(j, 3)
        s2 = lax.rem(j + 2, 3)

        @pl.when(j >= 1)
        def _():
            pltpu.make_async_copy(rows.at[s2], acc.at[didx.at[s2]],
                                  ssem).wait()

        @pl.when(j + 2 < NCH)
        def _():
            pltpu.async_copy(src3.at[wid, j + 2], sidx.at[s2], isem)
            pltpu.async_copy(dst3.at[wid, j + 2], didx.at[s2], isem)

        pltpu.make_async_copy(hs.at[sidx.at[s0]], rows.at[s0], gsem).wait()

        @pl.when(j + 2 < NCH)
        def _():
            pltpu.make_async_copy(src3.at[wid, j + 2], sidx.at[s2],
                                  isem).wait()
            pltpu.make_async_copy(dst3.at[wid, j + 2], didx.at[s2],
                                  isem).wait()
            pltpu.async_copy(hs.at[sidx.at[s2]], rows.at[s2], gsem)

        pltpu.async_copy(rows.at[s0], acc.at[didx.at[s0]], ssem, add=True)
        return 0

    lax.fori_loop(0, NCH, body, 0)
    last = lax.rem(NCH - 1, 3)
    pltpu.make_async_copy(rows.at[last], acc.at[didx.at[last]], ssem).wait()
    plsc.subcore_barrier()
    pltpu.sync_copy(acc.at[pl.ds(sid * ROWS_T, ROWS_T)],
                    acc_out.at[cid, pl.ds(sid * ROWS_T, ROWS_T)])


_spmm_call = pl.kernel(
    _spmm_body,
    out_type=jax.ShapeDtypeStruct((NC, P, D), jnp.float32),
    mesh=_mesh,
    scratch_types=[
        pltpu.VMEM((3, CHUNK), jnp.int32),
        pltpu.VMEM((3, CHUNK), jnp.int32),
        pltpu.VMEM((3, CHUNK, D), jnp.float32),
        pltpu.VMEM_SHARED((P, D), jnp.float32),
        pltpu.SemaphoreType.DMA,
        pltpu.SemaphoreType.DMA,
        pltpu.SemaphoreType.DMA,
    ],
)


BLK = 1024
GRID = P // BLK


def _first_body(x_ref, w_ref, deg_ref, hs_ref, dinv_ref):
    dinv = lax.rsqrt(deg_ref[0][:, 0:1] + deg_ref[1][:, 0:1] + 1.0)
    h = jnp.dot(x_ref[...], w_ref[...], preferred_element_type=jnp.float32)
    hs_ref[...] = h * dinv
    dinv_ref[...] = dinv


def _tc_first(xp, w1, deg):
    return pl.pallas_call(
        _first_body,
        grid=(GRID,),
        in_specs=[
            pl.BlockSpec((BLK, D), lambda i: (i, 0)),
            pl.BlockSpec((D, D), lambda i: (0, 0)),
            pl.BlockSpec((NC, BLK, D), lambda i: (0, i, 0)),
        ],
        out_specs=[
            pl.BlockSpec((BLK, D), lambda i: (i, 0)),
            pl.BlockSpec((BLK, 1), lambda i: (i, 0)),
        ],
        out_shape=[
            jax.ShapeDtypeStruct((P, D), jnp.float32),
            jax.ShapeDtypeStruct((P, 1), jnp.float32),
        ],
    )(xp, w1, deg)


def _mid_body(acc_ref, hsp_ref, dinv_ref, b_ref, w_ref, out_ref):
    t = acc_ref[0] + acc_ref[1] + hsp_ref[...]
    y = jnp.maximum(t * dinv_ref[...] + b_ref[...], 0.0)
    out_ref[...] = jnp.dot(
        y, w_ref[...], preferred_element_type=jnp.float32) * dinv_ref[...]


def _tc_mid(accp, hsp, dinv, b_prev, w_next):
    return pl.pallas_call(
        _mid_body,
        grid=(GRID,),
        in_specs=[
            pl.BlockSpec((NC, BLK, D), lambda i: (0, i, 0)),
            pl.BlockSpec((BLK, D), lambda i: (i, 0)),
            pl.BlockSpec((BLK, 1), lambda i: (i, 0)),
            pl.BlockSpec((1, D), lambda i: (0, 0)),
            pl.BlockSpec((D, D), lambda i: (0, 0)),
        ],
        out_specs=pl.BlockSpec((BLK, D), lambda i: (i, 0)),
        out_shape=jax.ShapeDtypeStruct((P, D), jnp.float32),
    )(accp, hsp, dinv, b_prev, w_next)


def _head_body(acc_ref, hsp_ref, dinv_ref, b3_ref, wf1_ref, bf1_ref,
               wf2_ref, bf2_ref, wf3_ref, bf3_ref, out_ref):
    t = acc_ref[0] + acc_ref[1] + hsp_ref[...]
    y = jnp.maximum(t * dinv_ref[...] + b3_ref[...], 0.0)
    y = jnp.maximum(
        jnp.dot(y, wf1_ref[...], preferred_element_type=jnp.float32)
        + bf1_ref[...], 0.0)
    y = jnp.maximum(
        jnp.dot(y, wf2_ref[...], preferred_element_type=jnp.float32)
        + bf2_ref[...], 0.0)
    z = jnp.dot(y, wf3_ref[...], preferred_element_type=jnp.float32) + bf3_ref[...]
    z = z - jnp.max(z, axis=1, keepdims=True)
    out_ref[...] = z - jnp.log(jnp.sum(jnp.exp(z), axis=1, keepdims=True))


def _tc_head(accp, hsp, dinv, b3, wf1, bf1, wf2, bf2, wf3, bf3):
    return pl.pallas_call(
        _head_body,
        grid=(GRID,),
        in_specs=[
            pl.BlockSpec((NC, BLK, D), lambda i: (0, i, 0)),
            pl.BlockSpec((BLK, D), lambda i: (i, 0)),
            pl.BlockSpec((BLK, 1), lambda i: (i, 0)),
            pl.BlockSpec((1, D), lambda i: (0, 0)),
            pl.BlockSpec((D, D), lambda i: (0, 0)),
            pl.BlockSpec((1, D), lambda i: (0, 0)),
            pl.BlockSpec((D, D), lambda i: (0, 0)),
            pl.BlockSpec((1, D), lambda i: (0, 0)),
            pl.BlockSpec((D, C), lambda i: (0, 0)),
            pl.BlockSpec((1, C), lambda i: (0, 0)),
        ],
        out_specs=pl.BlockSpec((BLK, C), lambda i: (i, 0)),
        out_shape=jax.ShapeDtypeStruct((P, C), jnp.float32),
    )(accp, hsp, dinv, b3, wf1, bf1, wf2, bf2, wf3, bf3)


def kernel(TRAIN, x, edge_index, W1, b1, W2, b2, W3, b3,
           Wf1, bf1, Wf2, bf2, Wf3, bf3):
    del TRAIN
    src = edge_index[0].astype(jnp.int32)
    dst = edge_index[1].astype(jnp.int32)
    src3 = src.reshape(NW, NCH, CHUNK)
    dst3 = dst.reshape(NW, NCH, CHUNK)

    xp = jnp.zeros((P, D), jnp.float32).at[:N].set(x)
    zeros_pd = jnp.zeros((P, D), jnp.float32)
    ones_c = jnp.ones((CHUNK, D), jnp.float32)

    deg = _deg_call(dst3, ones_c, zeros_pd)
    hs1, dinv = _tc_first(xp, W1, deg)
    acc1 = _spmm_call(hs1, src3, dst3, zeros_pd)
    hs2 = _tc_mid(acc1, hs1, dinv, b1.reshape(1, D), W2)
    acc2 = _spmm_call(hs2, src3, dst3, zeros_pd)
    hs3 = _tc_mid(acc2, hs2, dinv, b2.reshape(1, D), W3)
    acc3 = _spmm_call(hs3, src3, dst3, zeros_pd)
    out = _tc_head(acc3, hs3, dinv, b3.reshape(1, D),
                   Wf1, bf1.reshape(1, D), Wf2, bf2.reshape(1, D),
                   Wf3, bf3.reshape(1, C))
    return out[:N]

# --- scband reference (transcript-rebuilt; emitter-appended) ---
"""Pipeline reference for scband-net-80496277062111 (READ-ONLY COPY).

The authoritative reference and input builder live on the scoring server;
editing this copy changes nothing except your own understanding.
"""

import jax, jax.numpy as jnp
import numpy as np

N_NODES = 10000
N_EDGES = 320000
N_FEAT = 128
N_HIDDEN = 128
N_CLASSES = 16


def gcn_conv(x, W, b, src, dst, n):
    # GCNConv: linear transform, add self-loops, sym-normalized scatter-add, bias
    h = x @ W
    loop = jnp.arange(n, dtype=src.dtype)
    src2 = jnp.concatenate([src, loop])
    dst2 = jnp.concatenate([dst, loop])
    deg = jnp.zeros((n,), dtype=h.dtype).at[dst2].add(1.0)
    dinv = jnp.where(deg > 0, deg ** -0.5, 0.0)
    norm = dinv[src2] * dinv[dst2]
    msg = h[src2] * norm[:, None]
    out = jnp.zeros_like(h).at[dst2].add(msg)
    return out + b


def setup_inputs(seed: int = 0) -> dict:
    key = jax.random.key(seed)
    ks = jax.random.split(key, 16)
    x = jax.random.normal(ks[0], (N_NODES, N_FEAT), dtype=jnp.float32)
    edge_index = jax.random.randint(ks[1], (2, N_EDGES), 0, N_NODES, dtype=jnp.int64 if jax.config.jax_enable_x64 else jnp.int32)
    sc = 1.0 / np.sqrt(N_HIDDEN)
    W1 = jax.random.normal(ks[2], (N_FEAT, N_HIDDEN), dtype=jnp.float32) * sc
    b1 = jnp.zeros((N_HIDDEN,), dtype=jnp.float32)
    W2 = jax.random.normal(ks[3], (N_HIDDEN, N_HIDDEN), dtype=jnp.float32) * sc
    b2 = jnp.zeros((N_HIDDEN,), dtype=jnp.float32)
    W3 = jax.random.normal(ks[4], (N_HIDDEN, N_HIDDEN), dtype=jnp.float32) * sc
    b3 = jnp.zeros((N_HIDDEN,), dtype=jnp.float32)
    Wf1 = jax.random.normal(ks[5], (N_HIDDEN, N_HIDDEN), dtype=jnp.float32) * sc
    bf1 = jnp.zeros((N_HIDDEN,), dtype=jnp.float32)
    Wf2 = jax.random.normal(ks[6], (N_HIDDEN, N_HIDDEN), dtype=jnp.float32) * sc
    bf2 = jnp.zeros((N_HIDDEN,), dtype=jnp.float32)
    Wf3 = jax.random.normal(ks[7], (N_HIDDEN, N_CLASSES), dtype=jnp.float32) * sc
    bf3 = jnp.zeros((N_CLASSES,), dtype=jnp.float32)
    return {"TRAIN": 0, "x": x, "edge_index": edge_index,
            "W1": W1, "b1": b1, "W2": W2, "b2": b2, "W3": W3, "b3": b3,
            "Wf1": Wf1, "bf1": bf1, "Wf2": Wf2, "bf2": bf2, "Wf3": Wf3, "bf3": bf3}


def reference(TRAIN, x, edge_index, W1, b1, W2, b2, W3, b3, Wf1, bf1, Wf2, bf2, Wf3, bf3):
    # Eval path (TRAIN == False) of the original module: 3x GCNConv + 3x Linear + log_softmax
    src = edge_index[0]
    dst = edge_index[1]
    n = x.shape[0]
    y = jax.nn.relu(gcn_conv(x, W1, b1, src, dst, n))
    y = jax.nn.relu(gcn_conv(y, W2, b2, src, dst, n))
    y = jax.nn.relu(gcn_conv(y, W3, b3, src, dst, n))
    y = jax.nn.relu(y @ Wf1 + bf1)
    y = jax.nn.relu(y @ Wf2 + bf2)
    y = y @ Wf3 + bf3
    return jax.nn.log_softmax(y, axis=1)

if __name__ == "__main__":
    import jax
    _d = setup_inputs()
    print(jax.jit(kernel)(*tuple(_d.values())))

</pallas_src>

<mosaic_0001>
#map = affine_map<(d0, d1) -> (0, 0)>
#map1 = affine_map<(d0, d1) -> (0, 0, 0)>
module attributes {stable_mosaic.version = 14 : i64} {
  func.func @_spmm_body(%arg0: i32, %arg1: i32, %arg2: memref<10240x128xf32, #tpu.memory_space<hbm>>, %arg3: memref<32x125x80xi32, #tpu.memory_space<hbm>>, %arg4: memref<32x125x80xi32, #tpu.memory_space<hbm>>, %arg5: memref<10240x128xf32, #tpu.memory_space<hbm>>, %arg6: memref<2x10240x128xf32, #tpu.memory_space<hbm>>, %arg7: memref<3x80xi32, #tpu.memory_space<vmem>>, %arg8: memref<3x80xi32, #tpu.memory_space<vmem>>, %arg9: memref<3x80x128xf32, #tpu.memory_space<vmem>>, %arg10: memref<10240x128xf32, #tpu.memory_space<vmem_shared>>, %arg11: memref<!tpu.dma_semaphore, #tpu.memory_space<semaphore_mem>>, %arg12: memref<!tpu.dma_semaphore, #tpu.memory_space<semaphore_mem>>, %arg13: memref<!tpu.dma_semaphore, #tpu.memory_space<semaphore_mem>>) attributes {dimension_semantics = [#tpu.dimension_semantics<core_parallel>, #tpu.dimension_semantics<subcore_parallel>], iteration_bounds = array<i64: 2, 16>, scalar_prefetch = 0 : i64, scratch_operands = 7 : i64, tpu.core_type = #tpu.core_type<sc_vector_subcore>, window_params = [{transform_indices = #map}, {transform_indices = #map1}, {transform_indices = #map1}, {transform_indices = #map}, {transform_indices = #map1}]} {
    %mul3A = arith.constant 16 : i32
    %mul3A_0 = arith.muli %arg0, %mul3A : i32
    %add3A = arith.addi %mul3A_0, %arg1 : i32
    %run_scoped3A = arith.constant 0 : i32
    %run_scoped3A_1 = arith.constant 0 : i32
    "tpu.region"() ({
      %run_scoped3A_57 = tpu.sem_alloc : memref<!tpu.dma_semaphore, #tpu.memory_space<semaphore_mem>>
      %dma_start3A_58 = arith.constant 0 : i32
      %dma_start3A_59 = tpu.memref_slice %arg7[%run_scoped3A_1, %dma_start3A_58] : memref<3x80xi32, #tpu.memory_space<vmem>> -> memref<1x80xi32, #tpu.memory_space<vmem>>
      %dma_start3A_60 = tpu.memref_squeeze %dma_start3A_59 : memref<1x80xi32, #tpu.memory_space<vmem>> -> memref<80xi32, #tpu.memory_space<vmem>>
      %dma_start3A_61 = arith.constant 0 : i32
      %dma_start3A_62 = tpu.memref_slice %arg3[%add3A, %run_scoped3A, %dma_start3A_61] : memref<32x125x80xi32, #tpu.memory_space<hbm>> -> memref<1x1x80xi32, #tpu.memory_space<hbm>>
      %dma_start3A_63 = tpu.memref_squeeze %dma_start3A_62 : memref<1x1x80xi32, #tpu.memory_space<hbm>> -> memref<80xi32, #tpu.memory_space<hbm>>
      %dma_start3A_64 = arith.constant 0 : i32
      %dma_start3A_65 = tpu.memref_slice %arg7[%run_scoped3A_1, %dma_start3A_64] : memref<3x80xi32, #tpu.memory_space<vmem>> -> memref<1x80xi32, #tpu.memory_space<vmem>>
      %dma_start3A_66 = tpu.memref_squeeze %dma_start3A_65 : memref<1x80xi32, #tpu.memory_space<vmem>> -> memref<80xi32, #tpu.memory_space<vmem>>
      %dma_start3A_67 = arith.constant 0 : i32
      %dma_start3A_68 = tpu.memref_slice %arg3[%add3A, %run_scoped3A, %dma_start3A_67] : memref<32x125x80xi32, #tpu.memory_space<hbm>> -> memref<1x1x80xi32, #tpu.memory_space<hbm>>
      %dma_start3A_69 = tpu.memref_squeeze %dma_start3A_68 : memref<1x1x80xi32, #tpu.memory_space<hbm>> -> memref<80xi32, #tpu.memory_space<hbm>>
      tpu.enqueue_dma source(%dma_start3A_69 : memref<80xi32, #tpu.memory_space<hbm>>) target(%dma_start3A_66 : memref<80xi32, #tpu.memory_space<vmem>>) target_semaphore(%run_scoped3A_57 : memref<!tpu.dma_semaphore, #tpu.memory_space<semaphore_mem>>)
      %dma_wait3A_70 = arith.constant 0 : i32
      %dma_wait3A_71 = tpu.memref_slice %arg7[%run_scoped3A_1, %dma_wait3A_70] : memref<3x80xi32, #tpu.memory_space<vmem>> -> memref<1x80xi32, #tpu.memory_space<vmem>>
      %dma_wait3A_72 = tpu.memref_squeeze %dma_wait3A_71 : memref<1x80xi32, #tpu.memory_space<vmem>> -> memref<80xi32, #tpu.memory_space<vmem>>
      %dma_wait3A_73 = arith.constant 0 : i32
      %dma_wait3A_74 = tpu.memref_slice %arg3[%add3A, %run_scoped3A, %dma_wait3A_73] : memref<32x125x80xi32, #tpu.memory_space<hbm>> -> memref<1x1x80xi32, #tpu.memory_space<hbm>>
      %dma_wait3A_75 = tpu.memref_squeeze %dma_wait3A_74 : memref<1x1x80xi32, #tpu.memory_space<hbm>> -> memref<80xi32, #tpu.memory_space<hbm>>
      %dma_wait3A_76 = arith.constant 0 : i32
      %dma_wait3A_77 = tpu.memref_slice %arg7[%run_scoped3A_1, %dma_wait3A_76] : memref<3x80xi32, #tpu.memory_space<vmem>> -> memref<1x80xi32, #tpu.memory_space<vmem>>
      %dma_wait3A_78 = tpu.memref_squeeze %dma_wait3A_77 : memref<1x80xi32, #tpu.memory_space<vmem>> -> memref<80xi32, #tpu.memory_space<vmem>>
      %dma_wait3A_79 = arith.constant 0 : i32
      %dma_wait3A_80 = tpu.memref_slice %arg3[%add3A, %run_scoped3A, %dma_wait3A_79] : memref<32x125x80xi32, #tpu.memory_space<hbm>> -> memref<1x1x80xi32, #tpu.memory_space<hbm>>
      %dma_wait3A_81 = tpu.memref_squeeze %dma_wait3A_80 : memref<1x1x80xi32, #tpu.memory_space<hbm>> -> memref<80xi32, #tpu.memory_space<hbm>>
      tpu.wait_dma2 semaphore(%run_scoped3A_57 : memref<!tpu.dma_semaphore, #tpu.memory_space<semaphore_mem>>) src(%dma_wait3A_81 : memref<80xi32, #tpu.memory_space<hbm>>) dst(%dma_wait3A_78 : memref<80xi32, #tpu.memory_space<vmem>>)
      tpu.yield
    }) : () -> ()
    %run_scoped3A_2 = arith.constant 0 : i32
    %run_scoped3A_3 = arith.constant 0 : i32
    "tpu.region"() ({
      %run_scoped3A_57 = tpu.sem_alloc : memref<!tpu.dma_semaphore, #tpu.memory_space<semaphore_mem>>
      %dma_start3A_58 = arith.constant 0 : i32
      %dma_start3A_59 = tpu.memref_slice %arg8[%run_scoped3A_3, %dma_start3A_58] : memref<3x80xi32, #tpu.memory_space<vmem>> -> memref<1x80xi32, #tpu.memory_space<vmem>>
      %dma_start3A_60 = tpu.memref_squeeze %dma_start3A_59 : memref<1x80xi32, #tpu.memory_space<vmem>> -> memref<80xi32, #tpu.memory_space<vmem>>
      %dma_start3A_61 = arith.constant 0 : i32
      %dma_start3A_62 = tpu.memref_slice %arg4[%add3A, %run_scoped3A_2, %dma_start3A_61] : memref<32x125x80xi32, #tpu.memory_space<hbm>> -> memref<1x1x80xi32, #tpu.memory_space<hbm>>
      %dma_start3A_63 = tpu.memref_squeeze %dma_start3A_62 : memref<1x1x80xi32, #tpu.memory_space<hbm>> -> memref<80xi32, #tpu.memory_space<hbm>>
      %dma_start3A_64 = arith.constant 0 : i32
      %dma_start3A_65 = tpu.memref_slice %arg8[%run_scoped3A_3, %dma_start3A_64] : memref<3x80xi32, #tpu.memory_space<vmem>> -> memref<1x80xi32, #tpu.memory_space<vmem>>
      %dma_start3A_66 = tpu.memref_squeeze %dma_start3A_65 : memref<1x80xi32, #tpu.memory_space<vmem>> -> memref<80xi32, #tpu.memory_space<vmem>>
      %dma_start3A_67 = arith.constant 0 : i32
      %dma_start3A_68 = tpu.memref_slice %arg4[%add3A, %run_scoped3A_2, %dma_start3A_67] : memref<32x125x80xi32, #tpu.memory_space<hbm>> -> memref<1x1x80xi32, #tpu.memory_space<hbm>>
      %dma_start3A_69 = tpu.memref_squeeze %dma_start3A_68 : memref<1x1x80xi32, #tpu.memory_space<hbm>> -> memref<80xi32, #tpu.memory_space<hbm>>
      tpu.enqueue_dma source(%dma_start3A_69 : memref<80xi32, #tpu.memory_space<hbm>>) target(%dma_start3A_66 : memref<80xi32, #tpu.memory_space<vmem>>) target_semaphore(%run_scoped3A_57 : memref<!tpu.dma_semaphore, #tpu.memory_space<semaphore_mem>>)
      %dma_wait3A_70 = arith.constant 0 : i32
      %dma_wait3A_71 = tpu.memref_slice %arg8[%run_scoped3A_3, %dma_wait3A_70] : memref<3x80xi32, #tpu.memory_space<vmem>> -> memref<1x80xi32, #tpu.memory_space<vmem>>
      %dma_wait3A_72 = tpu.memref_squeeze %dma_wait3A_71 : memref<1x80xi32, #tpu.memory_space<vmem>> -> memref<80xi32, #tpu.memory_space<vmem>>
      %dma_wait3A_73 = arith.constant 0 : i32
      %dma_wait3A_74 = tpu.memref_slice %arg4[%add3A, %run_scoped3A_2, %dma_wait3A_73] : memref<32x125x80xi32, #tpu.memory_space<hbm>> -> memref<1x1x80xi32, #tpu.memory_space<hbm>>
      %dma_wait3A_75 = tpu.memref_squeeze %dma_wait3A_74 : memref<1x1x80xi32, #tpu.memory_space<hbm>> -> memref<80xi32, #tpu.memory_space<hbm>>
      %dma_wait3A_76 = arith.constant 0 : i32
      %dma_wait3A_77 = tpu.memref_slice %arg8[%run_scoped3A_3, %dma_wait3A_76] : memref<3x80xi32, #tpu.memory_space<vmem>> -> memref<1x80xi32, #tpu.memory_space<vmem>>
      %dma_wait3A_78 = tpu.memref_squeeze %dma_wait3A_77 : memref<1x80xi32, #tpu.memory_space<vmem>> -> memref<80xi32, #tpu.memory_space<vmem>>
      %dma_wait3A_79 = arith.constant 0 : i32
      %dma_wait3A_80 = tpu.memref_slice %arg4[%add3A, %run_scoped3A_2, %dma_wait3A_79] : memref<32x125x80xi32, #tpu.memory_space<hbm>> -> memref<1x1x80xi32, #tpu.memory_space<hbm>>
      %dma_wait3A_81 = tpu.memref_squeeze %dma_wait3A_80 : memref<1x1x80xi32, #tpu.memory_space<hbm>> -> memref<80xi32, #tpu.memory_space<hbm>>
      tpu.wait_dma2 semaphore(%run_scoped3A_57 : memref<!tpu.dma_semaphore, #tpu.memory_space<semaphore_mem>>) src(%dma_wait3A_81 : memref<80xi32, #tpu.memory_space<hbm>>) dst(%dma_wait3A_78 : memref<80xi32, #tpu.memory_space<vmem>>)
      tpu.yield
    }) : () -> ()
    %run_scoped3A_4 = arith.constant 1 : i32
    %run_scoped3A_5 = arith.constant 1 : i32
    "tpu.region"() ({
      %run_scoped3A_57 = tpu.sem_alloc : memref<!tpu.dma_semaphore, #tpu.memory_space<semaphore_mem>>
      %dma_start3A_58 = arith.constant 0 : i32
      %dma_start3A_59 = tpu.memref_slice %arg7[%run_scoped3A_5, %dma_start3A_58] : memref<3x80xi32, #tpu.memory_space<vmem>> -> memref<1x80xi32, #tpu.memory_space<vmem>>
      %dma_start3A_60 = tpu.memref_squeeze %dma_start3A_59 : memref<1x80xi32, #tpu.memory_space<vmem>> -> memref<80xi32, #tpu.memory_space<vmem>>
      %dma_start3A_61 = arith.constant 0 : i32
      %dma_start3A_62 = tpu.memref_slice %arg3[%add3A, %run_scoped3A_4, %dma_start3A_61] : memref<32x125x80xi32, #tpu.memory_space<hbm>> -> memref<1x1x80xi32, #tpu.memory_space<hbm>>
      %dma_start3A_63 = tpu.memref_squeeze %dma_start3A_62 : memref<1x1x80xi32, #tpu.memory_space<hbm>> -> memref<80xi32, #tpu.memory_space<hbm>>
      %dma_start3A_64 = arith.constant 0 : i32
      %dma_start3A_65 = tpu.memref_slice %arg7[%run_scoped3A_5, %dma_start3A_64] : memref<3x80xi32, #tpu.memory_space<vmem>> -> memref<1x80xi32, #tpu.memory_space<vmem>>
      %dma_start3A_66 = tpu.memref_squeeze %dma_start3A_65 : memref<1x80xi32, #tpu.memory_space<vmem>> -> memref<80xi32, #tpu.memory_space<vmem>>
      %dma_start3A_67 = arith.constant 0 : i32
      %dma_start3A_68 = tpu.memref_slice %arg3[%add3A, %run_scoped3A_4, %dma_start3A_67] : memref<32x125x80xi32, #tpu.memory_space<hbm>> -> memref<1x1x80xi32, #tpu.memory_space<hbm>>
      %dma_start3A_69 = tpu.memref_squeeze %dma_start3A_68 : memref<1x1x80xi32, #tpu.memory_space<hbm>> -> memref<80xi32, #tpu.memory_space<hbm>>
      tpu.enqueue_dma source(%dma_start3A_69 : memref<80xi32, #tpu.memory_space<hbm>>) target(%dma_start3A_66 : memref<80xi32, #tpu.memory_space<vmem>>) target_semaphore(%run_scoped3A_57 : memref<!tpu.dma_semaphore, #tpu.memory_space<semaphore_mem>>)
      %dma_wait3A_70 = arith.constant 0 : i32
      %dma_wait3A_71 = tpu.memref_slice %arg7[%run_scoped3A_5, %dma_wait3A_70] : memref<3x80xi32, #tpu.memory_space<vmem>> -> memref<1x80xi32, #tpu.memory_space<vmem>>
      %dma_wait3A_72 = tpu.memref_squeeze %dma_wait3A_71 : memref<1x80xi32, #tpu.memory_space<vmem>> -> memref<80xi32, #tpu.memory_space<vmem>>
      %dma_wait3A_73 = arith.constant 0 : i32
      %dma_wait3A_74 = tpu.memref_slice %arg3[%add3A, %run_scoped3A_4, %dma_wait3A_73] : memref<32x125x80xi32, #tpu.memory_space<hbm>> -> memref<1x1x80xi32, #tpu.memory_space<hbm>>
      %dma_wait3A_75 = tpu.memref_squeeze %dma_wait3A_74 : memref<1x1x80xi32, #tpu.memory_space<hbm>> -> memref<80xi32, #tpu.memory_space<hbm>>
      %dma_wait3A_76 = arith.constant 0 : i32
      %dma_wait3A_77 = tpu.memref_slice %arg7[%run_scoped3A_5, %dma_wait3A_76] : memref<3x80xi32, #tpu.memory_space<vmem>> -> memref<1x80xi32, #tpu.memory_space<vmem>>
      %dma_wait3A_78 = tpu.memref_squeeze %dma_wait3A_77 : memref<1x80xi32, #tpu.memory_space<vmem>> -> memref<80xi32, #tpu.memory_space<vmem>>
      %dma_wait3A_79 = arith.constant 0 : i32
      %dma_wait3A_80 = tpu.memref_slice %arg3[%add3A, %run_scoped3A_4, %dma_wait3A_79] : memref<32x125x80xi32, #tpu.memory_space<hbm>> -> memref<1x1x80xi32, #tpu.memory_space<hbm>>
      %dma_wait3A_81 = tpu.memref_squeeze %dma_wait3A_80 : memref<1x1x80xi32, #tpu.memory_space<hbm>> -> memref<80xi32, #tpu.memory_space<hbm>>
      tpu.wait_dma2 semaphore(%run_scoped3A_57 : memref<!tpu.dma_semaphore, #tpu.memory_space<semaphore_mem>>) src(%dma_wait3A_81 : memref<80xi32, #tpu.memory_space<hbm>>) dst(%dma_wait3A_78 : memref<80xi32, #tpu.memory_space<vmem>>)
      tpu.yield
    }) : () -> ()
    %run_scoped3A_6 = arith.constant 1 : i32
    %run_scoped3A_7 = arith.constant 1 : i32
    "tpu.region"() ({
      %run_scoped3A_57 = tpu.sem_alloc : memref<!tpu.dma_semaphore, #tpu.memory_space<semaphore_mem>>
      %dma_start3A_58 = arith.constant 0 : i32
      %dma_start3A_59 = tpu.memref_slice %arg8[%run_scoped3A_7, %dma_start3A_58] : memref<3x80xi32, #tpu.memory_space<vmem>> -> memref<1x80xi32, #tpu.memory_space<vmem>>
      %dma_start3A_60 = tpu.memref_squeeze %dma_start3A_59 : memref<1x80xi32, #tpu.memory_space<vmem>> -> memref<80xi32, #tpu.memory_space<vmem>>
      %dma_start3A_61 = arith.constant 0 : i32
      %dma_start3A_62 = tpu.memref_slice %arg4[%add3A, %run_scoped3A_6, %dma_start3A_61] : memref<32x125x80xi32, #tpu.memory_space<hbm>> -> memref<1x1x80xi32, #tpu.memory_space<hbm>>
      %dma_start3A_63 = tpu.memref_squeeze %dma_start3A_62 : memref<1x1x80xi32, #tpu.memory_space<hbm>> -> memref<80xi32, #tpu.memory_space<hbm>>
      %dma_start3A_64 = arith.constant 0 : i32
      %dma_start3A_65 = tpu.memref_slice %arg8[%run_scoped3A_7, %dma_start3A_64] : memref<3x80xi32, #tpu.memory_space<vmem>> -> memref<1x80xi32, #tpu.memory_space<vmem>>
      %dma_start3A_66 = tpu.memref_squeeze %dma_start3A_65 : memref<1x80xi32, #tpu.memory_space<vmem>> -> memref<80xi32, #tpu.memory_space<vmem>>
      %dma_start3A_67 = arith.constant 0 : i32
      %dma_start3A_68 = tpu.memref_slice %arg4[%add3A, %run_scoped3A_6, %dma_start3A_67] : memref<32x125x80xi32, #tpu.memory_space<hbm>> -> memref<1x1x80xi32, #tpu.memory_space<hbm>>
      %dma_start3A_69 = tpu.memref_squeeze %dma_start3A_68 : memref<1x1x80xi32, #tpu.memory_space<hbm>> -> memref<80xi32, #tpu.memory_space<hbm>>
      tpu.enqueue_dma source(%dma_start3A_69 : memref<80xi32, #tpu.memory_space<hbm>>) target(%dma_start3A_66 : memref<80xi32, #tpu.memory_space<vmem>>) target_semaphore(%run_scoped3A_57 : memref<!tpu.dma_semaphore, #tpu.memory_space<semaphore_mem>>)
      %dma_wait3A_70 = arith.constant 0 : i32
      %dma_wait3A_71 = tpu.memref_slice %arg8[%run_scoped3A_7, %dma_wait3A_70] : memref<3x80xi32, #tpu.memory_space<vmem>> -> memref<1x80xi32, #tpu.memory_space<vmem>>
      %dma_wait3A_72 = tpu.memref_squeeze %dma_wait3A_71 : memref<1x80xi32, #tpu.memory_space<vmem>> -> memref<80xi32, #tpu.memory_space<vmem>>
      %dma_wait3A_73 = arith.constant 0 : i32
      %dma_wait3A_74 = tpu.memref_slice %arg4[%add3A, %run_scoped3A_6, %dma_wait3A_73] : memref<32x125x80xi32, #tpu.memory_space<hbm>> -> memref<1x1x80xi32, #tpu.memory_space<hbm>>
      %dma_wait3A_75 = tpu.memref_squeeze %dma_wait3A_74 : memref<1x1x80xi32, #tpu.memory_space<hbm>> -> memref<80xi32, #tpu.memory_space<hbm>>
      %dma_wait3A_76 = arith.constant 0 : i32
      %dma_wait3A_77 = tpu.memref_slice %arg8[%run_scoped3A_7, %dma_wait3A_76] : memref<3x80xi32, #tpu.memory_space<vmem>> -> memref<1x80xi32, #tpu.memory_space<vmem>>
      %dma_wait3A_78 = tpu.memref_squeeze %dma_wait3A_77 : memref<1x80xi32, #tpu.memory_space<vmem>> -> memref<80xi32, #tpu.memory_space<vmem>>
      %dma_wait3A_79 = arith.constant 0 : i32
      %dma_wait3A_80 = tpu.memref_slice %arg4[%add3A, %run_scoped3A_6, %dma_wait3A_79] : memref<32x125x80xi32, #tpu.memory_space<hbm>> -> memref<1x1x80xi32, #tpu.memory_space<hbm>>
      %dma_wait3A_81 = tpu.memref_squeeze %dma_wait3A_80 : memref<1x1x80xi32, #tpu.memory_space<hbm>> -> memref<80xi32, #tpu.memory_space<hbm>>
      tpu.wait_dma2 semaphore(%run_scoped3A_57 : memref<!tpu.dma_semaphore, #tpu.memory_space<semaphore_mem>>) src(%dma_wait3A_81 : memref<80xi32, #tpu.memory_space<hbm>>) dst(%dma_wait3A_78 : memref<80xi32, #tpu.memory_space<vmem>>)
      tpu.yield
    }) : () -> ()
    %dma_start3A = arith.constant 0 : i32
    %dma_start3A_8 = arith.constant 0 : i32
    %dma_start3A_9 = arith.constant 0 : i32
    %dma_start3A_10 = arith.constant 0 : i32
    %dma_start3A_11 = tpu.memref_slice %arg9[%dma_start3A_8, %dma_start3A_9, %dma_start3A_10] : memref<3x80x128xf32, #tpu.memory_space<vmem>> -> memref<1x80x128xf32, #tpu.memory_space<vmem>>
    %dma_start3A_12 = tpu.memref_squeeze %dma_start3A_11 : memref<1x80x128xf32, #tpu.memory_space<vmem>> -> memref<80x128xf32, #tpu.memory_space<vmem>>
    %dma_start3A_13 = arith.constant 0 : i32
    %dma_start3A_14 = tpu.memref_slice %arg7[%dma_start3A, %dma_start3A_13] : memref<3x80xi32, #tpu.memory_space<vmem>> -> memref<1x80xi32, #tpu.memory_space<vmem>>
    %dma_start3A_15 = tpu.memref_squeeze %dma_start3A_14 : memref<1x80xi32, #tpu.memory_space<vmem>> -> memref<80xi32, #tpu.memory_space<vmem>>
    %dma_start3A_16 = arith.constant 0 : i32
    %dma_start3A_17 = arith.constant 0 : i32
    %dma_start3A_18 = tpu.memref_slice %arg2[%dma_start3A_16, %dma_start3A_17] : memref<10240x128xf32, #tpu.memory_space<hbm>> -> memref<10240x128xf32, #tpu.memory_space<hbm>>
    tpu.enqueue_indirect_dma source(%dma_start3A_18 : memref<10240x128xf32, #tpu.memory_space<hbm>>) target(%dma_start3A_12 : memref<80x128xf32, #tpu.memory_space<vmem>>) offsets(%dma_start3A_15 : memref<80xi32, #tpu.memory_space<vmem>>) semaphore(%arg11 : memref<!tpu.dma_semaphore, #tpu.memory_space<semaphore_mem>>)
    %dma_start3A_19 = arith.constant 1 : i32
    %dma_start3A_20 = arith.constant 1 : i32
    %dma_start3A_21 = arith.constant 0 : i32
    %dma_start3A_22 = arith.constant 0 : i32
    %dma_start3A_23 = tpu.memref_slice %arg9[%dma_start3A_20, %dma_start3A_21, %dma_start3A_22] : memref<3x80x128xf32, #tpu.memory_space<vmem>> -> memref<1x80x128xf32, #tpu.memory_space<vmem>>
    %dma_start3A_24 = tpu.memref_squeeze %dma_start3A_23 : memref<1x80x128xf32, #tpu.memory_space<vmem>> -> memref<80x128xf32, #tpu.memory_space<vmem>>
    %dma_start3A_25 = arith.constant 0 : i32
    %dma_start3A_26 = tpu.memref_slice %arg7[%dma_start3A_19, %dma_start3A_25] : memref<3x80xi32, #tpu.memory_space<vmem>> -> memref<1x80xi32, #tpu.memory_space<vmem>>
    %dma_start3A_27 = tpu.memref_squeeze %dma_start3A_26 : memref<1x80xi32, #tpu.memory_space<vmem>> -> memref<80xi32, #tpu.memory_space<vmem>>
    %dma_start3A_28 = arith.constant 0 : i32
    %dma_start3A_29 = arith.constant 0 : i32
    %dma_start3A_30 = tpu.memref_slice %arg2[%dma_start3A_28, %dma_start3A_29] : memref<10240x128xf32, #tpu.memory_space<hbm>> -> memref<10240x128xf32, #tpu.memory_space<hbm>>
    tpu.enqueue_indirect_dma source(%dma_start3A_30 : memref<10240x128xf32, #tpu.memory_space<hbm>>) target(%dma_start3A_24 : memref<80x128xf32, #tpu.memory_space<vmem>>) offsets(%dma_start3A_27 : memref<80xi32, #tpu.memory_space<vmem>>) semaphore(%arg11 : memref<!tpu.dma_semaphore, #tpu.memory_space<semaphore_mem>>)
    %mul3A_31 = arith.constant 640 : i32
    %mul3A_32 = arith.muli %arg1, %mul3A_31 : i32
    %mul3A_33 = arith.constant 640 : i32
    %mul3A_34 = arith.muli %arg1, %mul3A_33 : i32
    "tpu.region"() ({
      %run_scoped3A_57 = tpu.sem_alloc : memref<!tpu.dma_semaphore, #tpu.memory_space<semaphore_mem>>
      %dma_start3A_58 = arith.constant 0 : i32
      %dma_start3A_59 = tpu.memref_slice %arg10[%mul3A_34, %dma_start3A_58] : memref<10240x128xf32, #tpu.memory_space<vmem_shared>> -> memref<640x128xf32, #tpu.memory_space<vmem_shared>>
      %dma_start3A_60 = arith.constant 0 : i32
      %dma_start3A_61 = tpu.memref_slice %arg5[%mul3A_32, %dma_start3A_60] : memref<10240x128xf32, #tpu.memory_space<hbm>> -> memref<640x128xf32, #tpu.memory_space<hbm>>
      tpu.enqueue_dma source(%dma_start3A_61 : memref<640x128xf32, #tpu.memory_space<hbm>>) target(%dma_start3A_59 : memref<640x128xf32, #tpu.memory_space<vmem_shared>>) target_semaphore(%run_scoped3A_57 : memref<!tpu.dma_semaphore, #tpu.memory_space<semaphore_mem>>)
      %dma_wait3A_62 = arith.constant 0 : i32
      %dma_wait3A_63 = tpu.memref_slice %arg10[%mul3A_34, %dma_wait3A_62] : memref<10240x128xf32, #tpu.memory_space<vmem_shared>> -> memref<640x128xf32, #tpu.memory_space<vmem_shared>>
      %dma_wait3A_64 = arith.constant 0 : i32
      %dma_wait3A_65 = tpu.memref_slice %arg5[%mul3A_32, %dma_wait3A_64] : memref<10240x128xf32, #tpu.memory_space<hbm>> -> memref<640x128xf32, #tpu.memory_space<hbm>>
      tpu.wait_dma2 semaphore(%run_scoped3A_57 : memref<!tpu.dma_semaphore, #tpu.memory_space<semaphore_mem>>) src(%dma_wait3A_65 : memref<640x128xf32, #tpu.memory_space<hbm>>) dst(%dma_wait3A_63 : memref<640x128xf32, #tpu.memory_space<vmem_shared>>)
      tpu.yield
    }) : () -> ()
    %barrier3A = arith.constant 0 : index
    tpu.barrier barrier_id(%barrier3A)
    %scan3A = arith.constant 0 : i32
    %scan3A_35 = arith.constant 0 : i32
    %scan3A_36 = arith.constant 125 : i32
    %scan3A_37 = arith.addi %scan3A_35, %scan3A_36 : i32
    %scan3A_38 = arith.constant 1 : i32
    %scan3A_39 = scf.for %scan3A_57 = %scan3A_35 to %scan3A_37 step %scan3A_38 iter_args(%scan3A_58 = %scan3A) -> (i32)  : i32 {
      %rem3A_59 = arith.constant 3 : i32
      %rem3A_60 = arith.remsi %scan3A_57, %rem3A_59 : i32
      %add3A_61 = arith.constant 2 : i32
      %add3A_62 = arith.addi %scan3A_57, %add3A_61 : i32
      %rem3A_63 = arith.constant 3 : i32
      %rem3A_64 = arith.remsi %add3A_62, %rem3A_63 : i32
      %ge3A = arith.constant 1 : i32
      %ge3A_65 = arith.cmpi sge, %scan3A_57, %ge3A : i32
      %convert_element_type3A = arith.extui %ge3A_65 : i1 to i32
      %cond3A = arith.constant 0 : i32
      %cond3A_66 = arith.cmpi ne, %convert_element_type3A, %cond3A : i32
      scf.if %cond3A_66 {
        %dma_wait3A_101 = arith.constant 0 : i32
        %dma_wait3A_102 = arith.constant 0 : i32
        %dma_wait3A_103 = tpu.memref_slice %arg9[%rem3A_64, %dma_wait3A_101, %dma_wait3A_102] : memref<3x80x128xf32, #tpu.memory_space<vmem>> -> memref<1x80x128xf32, #tpu.memory_space<vmem>>
        %dma_wait3A_104 = tpu.memref_squeeze %dma_wait3A_103 : memref<1x80x128xf32, #tpu.memory_space<vmem>> -> memref<80x128xf32, #tpu.memory_space<vmem>>
        %dma_wait3A_105 = arith.constant 0 : i32
        %dma_wait3A_106 = tpu.memref_slice %arg8[%rem3A_64, %dma_wait3A_105] : memref<3x80xi32, #tpu.memory_space<vmem>> -> memref<1x80xi32, #tpu.memory_space<vmem>>
        %dma_wait3A_107 = tpu.memref_squeeze %dma_wait3A_106 : memref<1x80xi32, #tpu.memory_space<vmem>> -> memref<80xi32, #tpu.memory_space<vmem>>
        %dma_wait3A_108 = arith.constant 0 : i32
        %dma_wait3A_109 = arith.constant 0 : i32
        %dma_wait3A_110 = tpu.memref_slice %arg10[%dma_wait3A_108, %dma_wait3A_109] : memref<10240x128xf32, #tpu.memory_space<vmem_shared>> -> memref<10240x128xf32, #tpu.memory_space<vmem_shared>>
        tpu.wait_indirect_dma semaphore(%arg12 : memref<!tpu.dma_semaphore, #tpu.memory_space<semaphore_mem>>) src(%dma_wait3A_104 : memref<80x128xf32, #tpu.memory_space<vmem>>) dst(%dma_wait3A_110 : memref<10240x128xf32, #tpu.memory_space<vmem_shared>>)
      } else {
      }
      %add3A_67 = arith.constant 2 : i32
      %add3A_68 = arith.addi %scan3A_57, %add3A_67 : i32
      %lt3A = arith.constant 125 : i32
      %lt3A_69 = arith.cmpi slt, %add3A_68, %lt3A : i32
      %convert_element_type3A_70 = arith.extui %lt3A_69 : i1 to i32
      %cond3A_71 = arith.constant 0 : i32
      %cond3A_72 = arith.cmpi ne, %convert_element_type3A_70, %cond3A_71 : i32
      scf.if %cond3A_72 {
        %add3A_101 = arith.constant 2 : i32
        %add3A_102 = arith.addi %scan3A_57, %add3A_101 : i32
        %dma_start3A_103 = arith.constant 0 : i32
        %dma_start3A_104 = tpu.memref_slice %arg7[%rem3A_64, %dma_start3A_103] : memref<3x80xi32, #tpu.memory_space<vmem>> -> memref<1x80xi32, #tpu.memory_space<vmem>>
        %dma_start3A_105 = tpu.memref_squeeze %dma_start3A_104 : memref<1x80xi32, #tpu.memory_space<vmem>> -> memref<80xi32, #tpu.memory_space<vmem>>
        %dma_start3A_106 = arith.constant 0 : i32
        %dma_start3A_107 = tpu.memref_slice %arg3[%add3A, %add3A_102, %dma_start3A_106] : memref<32x125x80xi32, #tpu.memory_space<hbm>> -> memref<1x1x80xi32, #tpu.memory_space<hbm>>
        %dma_start3A_108 = tpu.memref_squeeze %dma_start3A_107 : memref<1x1x80xi32, #tpu.memory_space<hbm>> -> memref<80xi32, #tpu.memory_space<hbm>>
        %dma_start3A_109 = arith.constant 0 : i32
        %dma_start3A_110 = tpu.memref_slice %arg7[%rem3A_64, %dma_start3A_109] : memref<3x80xi32, #tpu.memory_space<vmem>> -> memref<1x80xi32, #tpu.memory_space<vmem>>
        %dma_start3A_111 = tpu.memref_squeeze %dma_start3A_110 : memref<1x80xi32, #tpu.memory_space<vmem>> -> memref<80xi32, #tpu.memory_space<vmem>>
        %dma_start3A_112 = arith.constant 0 : i32
        %dma_start3A_113 = tpu.memref_slice %arg3[%add3A, %add3A_102, %dma_start3A_112] : memref<32x125x80xi32, #tpu.memory_space<hbm>> -> memref<1x1x80xi32, #tpu.memory_space<hbm>>
        %dma_start3A_114 = tpu.memref_squeeze %dma_start3A_113 : memref<1x1x80xi32, #tpu.memory_space<hbm>> -> memref<80xi32, #tpu.memory_space<hbm>>
        tpu.enqueue_dma source(%dma_start3A_114 : memref<80xi32, #tpu.memory_space<hbm>>) target(%dma_start3A_111 : memref<80xi32, #tpu.memory_space<vmem>>) target_semaphore(%arg13 : memref<!tpu.dma_semaphore, #tpu.memory_space<semaphore_mem>>)
        %add3A_115 = arith.constant 2 : i32
        %add3A_116 = arith.addi %scan3A_57, %add3A_115 : i32
        %dma_start3A_117 = arith.constant 0 : i32
        %dma_start3A_118 = tpu.memref_slice %arg8[%rem3A_64, %dma_start3A_117] : memref<3x80xi32, #tpu.memory_space<vmem>> -> memref<1x80xi32, #tpu.memory_space<vmem>>
        %dma_start3A_119 = tpu.memref_squeeze %dma_start3A_118 : memref<1x80xi32, #tpu.memory_space<vmem>> -> memref<80xi32, #tpu.memory_space<vmem>>
        %dma_start3A_120 = arith.constant 0 : i32
        %dma_start3A_121 = tpu.memref_slice %arg4[%add3A, %add3A_116, %dma_start3A_120] : memref<32x125x80xi32, #tpu.memory_space<hbm>> -> memref<1x1x80xi32, #tpu.memory_space<hbm>>
        %dma_start3A_122 = tpu.memref_squeeze %dma_start3A_121 : memref<1x1x80xi32, #tpu.memory_space<hbm>> -> memref<80xi32, #tpu.memory_space<hbm>>
        %dma_start3A_123 = arith.constant 0 : i32
        %dma_start3A_124 = tpu.memref_slice %arg8[%rem3A_64, %dma_start3A_123] : memref<3x80xi32, #tpu.memory_space<vmem>> -> memref<1x80xi32, #tpu.memory_space<vmem>>
        %dma_start3A_125 = tpu.memref_squeeze %dma_start3A_124 : memref<1x80xi32, #tpu.memory_space<vmem>> -> memref<80xi32, #tpu.memory_space<vmem>>
        %dma_start3A_126 = arith.constant 0 : i32
        %dma_start3A_127 = tpu.memref_slice %arg4[%add3A, %add3A_116, %dma_start3A_126] : memref<32x125x80xi32, #tpu.memory_space<hbm>> -> memref<1x1x80xi32, #tpu.memory_space<hbm>>
        %dma_start3A_128 = tpu.memref_squeeze %dma_start3A_127 : memref<1x1x80xi32, #tpu.memory_space<hbm>> -> memref<80xi32, #tpu.memory_space<hbm>>
        tpu.enqueue_dma source(%dma_start3A_128 : memref<80xi32, #tpu.memory_space<hbm>>) target(%dma_start3A_125 : memref<80xi32, #tpu.memory_space<vmem>>) target_semaphore(%arg13 : memref<!tpu.dma_semaphore, #tpu.memory_space<semaphore_mem>>)
      } else {
      }
      %dma_wait3A_73 = arith.constant 0 : i32
      %dma_wait3A_74 = arith.constant 0 : i32
      %dma_wait3A_75 = tpu.memref_slice %arg9[%rem3A_60, %dma_wait3A_73, %dma_wait3A_74] : memref<3x80x128xf32, #tpu.memory_space<vmem>> -> memref<1x80x128xf32, #tpu.memory_space<vmem>>
      %dma_wait3A_76 = tpu.memref_squeeze %dma_wait3A_75 : memref<1x80x128xf32, #tpu.memory_space<vmem>> -> memref<80x128xf32, #tpu.memory_space<vmem>>
      %dma_wait3A_77 = arith.constant 0 : i32
      %dma_wait3A_78 = tpu.memref_slice %arg7[%rem3A_60, %dma_wait3A_77] : memref<3x80xi32, #tpu.memory_space<vmem>> -> memref<1x80xi32, #tpu.memory_space<vmem>>
      %dma_wait3A_79 = tpu.memref_squeeze %dma_wait3A_78 : memref<1x80xi32, #tpu.memory_space<vmem>> -> memref<80xi32, #tpu.memory_space<vmem>>
      %dma_wait3A_80 = arith.constant 0 : i32
      %dma_wait3A_81 = arith.constant 0 : i32
      %dma_wait3A_82 = tpu.memref_slice %arg2[%dma_wait3A_80, %dma_wait3A_81] : memref<10240x128xf32, #tpu.memory_space<hbm>> -> memref<10240x128xf32, #tpu.memory_space<hbm>>
      tpu.wait_indirect_dma semaphore(%arg11 : memref<!tpu.dma_semaphore, #tpu.memory_space<semaphore_mem>>) src(%dma_wait3A_82 : memref<10240x128xf32, #tpu.memory_space<hbm>>) dst(%dma_wait3A_76 : memref<80x128xf32, #tpu.memory_space<vmem>>)
      %add3A_83 = arith.constant 2 : i32
      %add3A_84 = arith.addi %scan3A_57, %add3A_83 : i32
      %lt3A_85 = arith.constant 125 : i32
      %lt3A_86 = arith.cmpi slt, %add3A_84, %lt3A_85 : i32
      %convert_element_type3A_87 = arith.extui %lt3A_86 : i1 to i32
      %cond3A_88 = arith.constant 0 : i32
      %cond3A_89 = arith.cmpi ne, %convert_element_type3A_87, %cond3A_88 : i32
      scf.if %cond3A_89 {
        %add3A_101 = arith.constant 2 : i32
        %add3A_102 = arith.addi %scan3A_57, %add3A_101 : i32
        %dma_wait3A_103 = arith.constant 0 : i32
        %dma_wait3A_104 = tpu.memref_slice %arg7[%rem3A_64, %dma_wait3A_103] : memref<3x80xi32, #tpu.memory_space<vmem>> -> memref<1x80xi32, #tpu.memory_space<vmem>>
        %dma_wait3A_105 = tpu.memref_squeeze %dma_wait3A_104 : memref<1x80xi32, #tpu.memory_space<vmem>> -> memref<80xi32, #tpu.memory_space<vmem>>
        %dma_wait3A_106 = arith.constant 0 : i32
        %dma_wait3A_107 = tpu.memref_slice %arg3[%add3A, %add3A_102, %dma_wait3A_106] : memref<32x125x80xi32, #tpu.memory_space<hbm>> -> memref<1x1x80xi32, #tpu.memory_space<hbm>>
        %dma_wait3A_108 = tpu.memref_squeeze %dma_wait3A_107 : memref<1x1x80xi32, #tpu.memory_space<hbm>> -> memref<80xi32, #tpu.memory_space<hbm>>
        %dma_wait3A_109 = arith.constant 0 : i32
        %dma_wait3A_110 = tpu.memref_slice %arg7[%rem3A_64, %dma_wait3A_109] : memref<3x80xi32, #tpu.memory_space<vmem>> -> memref<1x80xi32, #tpu.memory_space<vmem>>
        %dma_wait3A_111 = tpu.memref_squeeze %dma_wait3A_110 : memref<1x80xi32, #tpu.memory_space<vmem>> -> memref<80xi32, #tpu.memory_space<vmem>>
        %dma_wait3A_112 = arith.constant 0 : i32
        %dma_wait3A_113 = tpu.memref_slice %arg3[%add3A, %add3A_102, %dma_wait3A_112] : memref<32x125x80xi32, #tpu.memory_space<hbm>> -> memref<1x1x80xi32, #tpu.memory_space<hbm>>
        %dma_wait3A_114 = tpu.memref_squeeze %dma_wait3A_113 : memref<1x1x80xi32, #tpu.memory_space<hbm>> -> memref<80xi32, #tpu.memory_space<hbm>>
        tpu.wait_dma2 semaphore(%arg13 : memref<!tpu.dma_semaphore, #tpu.memory_space<semaphore_mem>>) src(%dma_wait3A_114 : memref<80xi32, #tpu.memory_space<hbm>>) dst(%dma_wait3A_111 : memref<80xi32, #tpu.memory_space<vmem>>)
        %add3A_115 = arith.constant 2 : i32
        %add3A_116 = arith.addi %scan3A_57, %add3A_115 : i32
        %dma_wait3A_117 = arith.constant 0 : i32
        %dma_wait3A_118 = tpu.memref_slice %arg8[%rem3A_64, %dma_wait3A_117] : memref<3x80xi32, #tpu.memory_space<vmem>> -> memref<1x80xi32, #tpu.memory_space<vmem>>
        %dma_wait3A_119 = tpu.memref_squeeze %dma_wait3A_118 : memref<1x80xi32, #tpu.memory_space<vmem>> -> memref<80xi32, #tpu.memory_space<vmem>>
        %dma_wait3A_120 = arith.constant 0 : i32
        %dma_wait3A_121 = tpu.memref_slice %arg4[%add3A, %add3A_116, %dma_wait3A_120] : memref<32x125x80xi32, #tpu.memory_space<hbm>> -> memref<1x1x80xi32, #tpu.memory_space<hbm>>
        %dma_wait3A_122 = tpu.memref_squeeze %dma_wait3A_121 : memref<1x1x80xi32, #tpu.memory_space<hbm>> -> memref<80xi32, #tpu.memory_space<hbm>>
        %dma_wait3A_123 = arith.constant 0 : i32
        %dma_wait3A_124 = tpu.memref_slice %arg8[%rem3A_64, %dma_wait3A_123] : memref<3x80xi32, #tpu.memory_space<vmem>> -> memref<1x80xi32, #tpu.memory_space<vmem>>
        %dma_wait3A_125 = tpu.memref_squeeze %dma_wait3A_124 : memref<1x80xi32, #tpu.memory_space<vmem>> -> memref<80xi32, #tpu.memory_space<vmem>>
        %dma_wait3A_126 = arith.constant 0 : i32
        %dma_wait3A_127 = tpu.memref_slice %arg4[%add3A, %add3A_116, %dma_wait3A_126] : memref<32x125x80xi32, #tpu.memory_space<hbm>> -> memref<1x1x80xi32, #tpu.memory_space<hbm>>
        %dma_wait3A_128 = tpu.memref_squeeze %dma_wait3A_127 : memref<1x1x80xi32, #tpu.memory_space<hbm>> -> memref<80xi32, #tpu.memory_space<hbm>>
        tpu.wait_dma2 semaphore(%arg13 : memref<!tpu.dma_semaphore, #tpu.memory_space<semaphore_mem>>) src(%dma_wait3A_128 : memref<80xi32, #tpu.memory_space<hbm>>) dst(%dma_wait3A_125 : memref<80xi32, #tpu.memory_space<vmem>>)
        %dma_start3A_129 = arith.constant 0 : i32
        %dma_start3A_130 = arith.constant 0 : i32
        %dma_start3A_131 = tpu.memref_slice %arg9[%rem3A_64, %dma_start3A_129, %dma_start3A_130] : memref<3x80x128xf32, #tpu.memory_space<vmem>> -> memref<1x80x128xf32, #tpu.memory_space<vmem>>
        %dma_start3A_132 = tpu.memref_squeeze %dma_start3A_131 : memref<1x80x128xf32, #tpu.memory_space<vmem>> -> memref<80x128xf32, #tpu.memory_space<vmem>>
        %dma_start3A_133 = arith.constant 0 : i32
        %dma_start3A_134 = tpu.memref_slice %arg7[%rem3A_64, %dma_start3A_133] : memref<3x80xi32, #tpu.memory_space<vmem>> -> memref<1x80xi32, #tpu.memory_space<vmem>>
        %dma_start3A_135 = tpu.memref_squeeze %dma_start3A_134 : memref<1x80xi32, #tpu.memory_space<vmem>> -> memref<80xi32, #tpu.memory_space<vmem>>
        %dma_start3A_136 = arith.constant 0 : i32
        %dma_start3A_137 = arith.constant 0 : i32
        %dma_start3A_138 = tpu.memref_slice %arg2[%dma_start3A_136, %dma_start3A_137] : memref<10240x128xf32, #tpu.memory_space<hbm>> -> memref<10240x128xf32, #tpu.memory_space<hbm>>
        tpu.enqueue_indirect_dma source(%dma_start3A_138 : memref<10240x128xf32, #tpu.memory_space<hbm>>) target(%dma_start3A_132 : memref<80x128xf32, #tpu.memory_space<vmem>>) offsets(%dma_start3A_135 : memref<80xi32, #tpu.memory_space<vmem>>) semaphore(%arg11 : memref<!tpu.dma_semaphore, #tpu.memory_space<semaphore_mem>>)
      } else {
      }
      %dma_start3A_90 = arith.constant 0 : i32
      %dma_start3A_91 = arith.constant 0 : i32
      %dma_start3A_92 = tpu.memref_slice %arg9[%rem3A_60, %dma_start3A_90, %dma_start3A_91] : memref<3x80x128xf32, #tpu.memory_space<vmem>> -> memref<1x80x128xf32, #tpu.memory_space<vmem>>
      %dma_start3A_93 = tpu.memref_squeeze %dma_start3A_92 : memref<1x80x128xf32, #tpu.memory_space<vmem>> -> memref<80x128xf32, #tpu.memory_space<vmem>>
      %dma_start3A_94 = arith.constant 0 : i32
      %dma_start3A_95 = tpu.memref_slice %arg8[%rem3A_60, %dma_start3A_94] : memref<3x80xi32, #tpu.memory_space<vmem>> -> memref<1x80xi32, #tpu.memory_space<vmem>>
      %dma_start3A_96 = tpu.memref_squeeze %dma_start3A_95 : memref<1x80xi32, #tpu.memory_space<vmem>> -> memref<80xi32, #tpu.memory_space<vmem>>
      %dma_start3A_97 = arith.constant 0 : i32
      %dma_start3A_98 = arith.constant 0 : i32
      %dma_start3A_99 = tpu.memref_slice %arg10[%dma_start3A_97, %dma_start3A_98] : memref<10240x128xf32, #tpu.memory_space<vmem_shared>> -> memref<10240x128xf32, #tpu.memory_space<vmem_shared>>
      tpu.enqueue_indirect_dma source(%dma_start3A_93 : memref<80x128xf32, #tpu.memory_space<vmem>>) target(%dma_start3A_99 : memref<10240x128xf32, #tpu.memory_space<vmem_shared>>) offsets(%dma_start3A_96 : memref<80xi32, #tpu.memory_space<vmem>>) semaphore(%arg12 : memref<!tpu.dma_semaphore, #tpu.memory_space<semaphore_mem>>) {add = true}
      %scan3A_100 = arith.constant 0 : i32
      scf.yield %scan3A_100 : i32
    }
    %scan3A_40 = arith.constant 125 : i32
    %rem3A = arith.constant 124 : i32
    %rem3A_41 = arith.constant 3 : i32
    %rem3A_42 = arith.remsi %rem3A, %rem3A_41 : i32
    %dma_wait3A = arith.constant 0 : i32
    %dma_wait3A_43 = arith.constant 0 : i32
    %dma_wait3A_44 = tpu.memref_slice %arg9[%rem3A_42, %dma_wait3A, %dma_wait3A_43] : memref<3x80x128xf32, #tpu.memory_space<vmem>> -> memref<1x80x128xf32, #tpu.memory_space<vmem>>
    %dma_wait3A_45 = tpu.memref_squeeze %dma_wait3A_44 : memref<1x80x128xf32, #tpu.memory_space<vmem>> -> memref<80x128xf32, #tpu.memory_space<vmem>>
    %dma_wait3A_46 = arith.constant 0 : i32
    %dma_wait3A_47 = tpu.memref_slice %arg8[%rem3A_42, %dma_wait3A_46] : memref<3x80xi32, #tpu.memory_space<vmem>> -> memref<1x80xi32, #tpu.memory_space<vmem>>
    %dma_wait3A_48 = tpu.memref_squeeze %dma_wait3A_47 : memref<1x80xi32, #tpu.memory_space<vmem>> -> memref<80xi32, #tpu.memory_space<vmem>>
    %dma_wait3A_49 = arith.constant 0 : i32
    %dma_wait3A_50 = arith.constant 0 : i32
    %dma_wait3A_51 = tpu.memref_slice %arg10[%dma_wait3A_49, %dma_wait3A_50] : memref<10240x128xf32, #tpu.memory_space<vmem_shared>> -> memref<10240x128xf32, #tpu.memory_space<vmem_shared>>
    tpu.wait_indirect_dma semaphore(%arg12 : memref<!tpu.dma_semaphore, #tpu.memory_space<semaphore_mem>>) src(%dma_wait3A_45 : memref<80x128xf32, #tpu.memory_space<vmem>>) dst(%dma_wait3A_51 : memref<10240x128xf32, #tpu.memory_space<vmem_shared>>)
    %barrier3A_52 = arith.constant 0 : index
    tpu.barrier barrier_id(%barrier3A_52)
    %mul3A_53 = arith.constant 640 : i32
    %mul3A_54 = arith.muli %arg1, %mul3A_53 : i32
    %mul3A_55 = arith.constant 640 : i32
    %mul3A_56 = arith.muli %arg1, %mul3A_55 : i32
    "tpu.region"() ({
      %run_scoped3A_57 = tpu.sem_alloc : memref<!tpu.dma_semaphore, #tpu.memory_space<semaphore_mem>>
      %dma_start3A_58 = arith.constant 0 : i32
      %dma_start3A_59 = tpu.memref_slice %arg6[%arg0, %mul3A_56, %dma_start3A_58] : memref<2x10240x128xf32, #tpu.memory_space<hbm>> -> memref<1x640x128xf32, #tpu.memory_space<hbm>>
      %dma_start3A_60 = tpu.memref_squeeze %dma_start3A_59 : memref<1x640x128xf32, #tpu.memory_space<hbm>> -> memref<640x128xf32, #tpu.memory_space<hbm>>
      %dma_start3A_61 = arith.constant 0 : i32
      %dma_start3A_62 = tpu.memref_slice %arg10[%mul3A_54, %dma_start3A_61] : memref<10240x128xf32, #tpu.memory_space<vmem_shared>> -> memref<640x128xf32, #tpu.memory_space<vmem_shared>>
      tpu.enqueue_dma source(%dma_start3A_62 : memref<640x128xf32, #tpu.memory_space<vmem_shared>>) target(%dma_start3A_60 : memref<640x128xf32, #tpu.memory_space<hbm>>) target_semaphore(%run_scoped3A_57 : memref<!tpu.dma_semaphore, #tpu.memory_space<semaphore_mem>>)
      %dma_wait3A_63 = arith.constant 0 : i32
      %dma_wait3A_64 = tpu.memref_slice %arg6[%arg0, %mul3A_56, %dma_wait3A_63] : memref<2x10240x128xf32, #tpu.memory_space<hbm>> -> memref<1x640x128xf32, #tpu.memory_space<hbm>>
      %dma_wait3A_65 = tpu.memref_squeeze %dma_wait3A_64 : memref<1x640x128xf32, #tpu.memory_space<hbm>> -> memref<640x128xf32, #tpu.memory_space<hbm>>
      %dma_wait3A_66 = arith.constant 0 : i32
      %dma_wait3A_67 = tpu.memref_slice %arg10[%mul3A_54, %dma_wait3A_66] : memref<10240x128xf32, #tpu.memory_space<vmem_shared>> -> memref<640x128xf32, #tpu.memory_space<vmem_shared>>
      tpu.wait_dma2 semaphore(%run_scoped3A_57 : memref<!tpu.dma_semaphore, #tpu.memory_space<semaphore_mem>>) src(%dma_wait3A_67 : memref<640x128xf32, #tpu.memory_space<vmem_shared>>) dst(%dma_wait3A_65 : memref<640x128xf32, #tpu.memory_space<hbm>>)
      tpu.yield
    }) : () -> ()
    return
  }
}

#map = affine_map<(d0, d1) -> (0, 0, 0)>
#map1 = affine_map<(d0, d1) -> (0, 0)>
module attributes {stable_mosaic.version = 14 : i64} {
  func.func @_deg_body(%arg0: i32, %arg1: i32, %arg2: memref<32x125x80xi32, #tpu.memory_space<hbm>>, %arg3: memref<80x128xf32, #tpu.memory_space<hbm>>, %arg4: memref<10240x128xf32, #tpu.memory_space<hbm>>, %arg5: memref<2x10240x128xf32, #tpu.memory_space<hbm>>, %arg6: memref<125x80xi32, #tpu.memory_space<vmem>>, %arg7: memref<80x128xf32, #tpu.memory_space<vmem>>, %arg8: memref<10240x128xf32, #tpu.memory_space<vmem_shared>>, %arg9: memref<!tpu.dma_semaphore, #tpu.memory_space<semaphore_mem>>) attributes {dimension_semantics = [#tpu.dimension_semantics<core_parallel>, #tpu.dimension_semantics<subcore_parallel>], iteration_bounds = array<i64: 2, 16>, scalar_prefetch = 0 : i64, scratch_operands = 4 : i64, tpu.core_type = #tpu.core_type<sc_vector_subcore>, window_params = [{transform_indices = #map}, {transform_indices = #map1}, {transform_indices = #map1}, {transform_indices = #map}]} {
    %mul3A = arith.constant 16 : i32
    %mul3A_0 = arith.muli %arg0, %mul3A : i32
    %add3A = arith.addi %mul3A_0, %arg1 : i32
    %dma_start3A = arith.constant 0 : i32
    %dma_start3A_1 = arith.constant 0 : i32
    %dma_start3A_2 = tpu.memref_slice %arg2[%add3A, %dma_start3A, %dma_start3A_1] : memref<32x125x80xi32, #tpu.memory_space<hbm>> -> memref<1x125x80xi32, #tpu.memory_space<hbm>>
    %dma_start3A_3 = tpu.memref_squeeze %dma_start3A_2 : memref<1x125x80xi32, #tpu.memory_space<hbm>> -> memref<125x80xi32, #tpu.memory_space<hbm>>
    %dma_start3A_4 = arith.constant 0 : i32
    %dma_start3A_5 = arith.constant 0 : i32
    %dma_start3A_6 = tpu.memref_slice %arg2[%add3A, %dma_start3A_4, %dma_start3A_5] : memref<32x125x80xi32, #tpu.memory_space<hbm>> -> memref<1x125x80xi32, #tpu.memory_space<hbm>>
    %dma_start3A_7 = tpu.memref_squeeze %dma_start3A_6 : memref<1x125x80xi32, #tpu.memory_space<hbm>> -> memref<125x80xi32, #tpu.memory_space<hbm>>
    tpu.enqueue_dma source(%dma_start3A_7 : memref<125x80xi32, #tpu.memory_space<hbm>>) target(%arg6 : memref<125x80xi32, #tpu.memory_space<vmem>>) target_semaphore(%arg9 : memref<!tpu.dma_semaphore, #tpu.memory_space<semaphore_mem>>)
    tpu.enqueue_dma source(%arg3 : memref<80x128xf32, #tpu.memory_space<hbm>>) target(%arg7 : memref<80x128xf32, #tpu.memory_space<vmem>>) target_semaphore(%arg9 : memref<!tpu.dma_semaphore, #tpu.memory_space<semaphore_mem>>)
    %mul3A_8 = arith.constant 640 : i32
    %mul3A_9 = arith.muli %arg1, %mul3A_8 : i32
    %mul3A_10 = arith.constant 640 : i32
    %mul3A_11 = arith.muli %arg1, %mul3A_10 : i32
    "tpu.region"() ({
      %run_scoped3A = tpu.sem_alloc : memref<!tpu.dma_semaphore, #tpu.memory_space<semaphore_mem>>
      %dma_start3A_37 = arith.constant 0 : i32
      %dma_start3A_38 = tpu.memref_slice %arg8[%mul3A_11, %dma_start3A_37] : memref<10240x128xf32, #tpu.memory_space<vmem_shared>> -> memref<640x128xf32, #tpu.memory_space<vmem_shared>>
      %dma_start3A_39 = arith.constant 0 : i32
      %dma_start3A_40 = tpu.memref_slice %arg4[%mul3A_9, %dma_start3A_39] : memref<10240x128xf32, #tpu.memory_space<hbm>> -> memref<640x128xf32, #tpu.memory_space<hbm>>
      tpu.enqueue_dma source(%dma_start3A_40 : memref<640x128xf32, #tpu.memory_space<hbm>>) target(%dma_start3A_38 : memref<640x128xf32, #tpu.memory_space<vmem_shared>>) target_semaphore(%run_scoped3A : memref<!tpu.dma_semaphore, #tpu.memory_space<semaphore_mem>>)
      %dma_wait3A_41 = arith.constant 0 : i32
      %dma_wait3A_42 = tpu.memref_slice %arg8[%mul3A_11, %dma_wait3A_41] : memref<10240x128xf32, #tpu.memory_space<vmem_shared>> -> memref<640x128xf32, #tpu.memory_space<vmem_shared>>
      %dma_wait3A_43 = arith.constant 0 : i32
      %dma_wait3A_44 = tpu.memref_slice %arg4[%mul3A_9, %dma_wait3A_43] : memref<10240x128xf32, #tpu.memory_space<hbm>> -> memref<640x128xf32, #tpu.memory_space<hbm>>
      tpu.wait_dma2 semaphore(%run_scoped3A : memref<!tpu.dma_semaphore, #tpu.memory_space<semaphore_mem>>) src(%dma_wait3A_44 : memref<640x128xf32, #tpu.memory_space<hbm>>) dst(%dma_wait3A_42 : memref<640x128xf32, #tpu.memory_space<vmem_shared>>)
      tpu.yield
    }) : () -> ()
    %dma_wait3A = arith.constant 0 : i32
    %dma_wait3A_12 = arith.constant 0 : i32
    %dma_wait3A_13 = tpu.memref_slice %arg2[%add3A, %dma_wait3A, %dma_wait3A_12] : memref<32x125x80xi32, #tpu.memory_space<hbm>> -> memref<1x125x80xi32, #tpu.memory_space<hbm>>
    %dma_wait3A_14 = tpu.memref_squeeze %dma_wait3A_13 : memref<1x125x80xi32, #tpu.memory_space<hbm>> -> memref<125x80xi32, #tpu.memory_space<hbm>>
    %dma_wait3A_15 = arith.constant 0 : i32
    %dma_wait3A_16 = arith.constant 0 : i32
    %dma_wait3A_17 = tpu.memref_slice %arg2[%add3A, %dma_wait3A_15, %dma_wait3A_16] : memref<32x125x80xi32, #tpu.memory_space<hbm>> -> memref<1x125x80xi32, #tpu.memory_space<hbm>>
    %dma_wait3A_18 = tpu.memref_squeeze %dma_wait3A_17 : memref<1x125x80xi32, #tpu.memory_space<hbm>> -> memref<125x80xi32, #tpu.memory_space<hbm>>
    tpu.wait_dma2 semaphore(%arg9 : memref<!tpu.dma_semaphore, #tpu.memory_space<semaphore_mem>>) src(%dma_wait3A_18 : memref<125x80xi32, #tpu.memory_space<hbm>>) dst(%arg6 : memref<125x80xi32, #tpu.memory_space<vmem>>)
    tpu.wait_dma2 semaphore(%arg9 : memref<!tpu.dma_semaphore, #tpu.memory_space<semaphore_mem>>) src(%arg3 : memref<80x128xf32, #tpu.memory_space<hbm>>) dst(%arg7 : memref<80x128xf32, #tpu.memory_space<vmem>>)
    %barrier3A = arith.constant 0 : index
    tpu.barrier barrier_id(%barrier3A)
    %scan3A = arith.constant 0 : i32
    %scan3A_19 = arith.constant 0 : i32
    %scan3A_20 = arith.constant 125 : i32
    %scan3A_21 = arith.addi %scan3A_19, %scan3A_20 : i32
    %scan3A_22 = arith.constant 1 : i32
    %scan3A_23 = scf.for %scan3A_37 = %scan3A_19 to %scan3A_21 step %scan3A_22 iter_args(%scan3A_38 = %scan3A) -> (i32)  : i32 {
      %dma_start3A_39 = arith.constant 0 : i32
      %dma_start3A_40 = tpu.memref_slice %arg6[%scan3A_37, %dma_start3A_39] : memref<125x80xi32, #tpu.memory_space<vmem>> -> memref<1x80xi32, #tpu.memory_space<vmem>>
      %dma_start3A_41 = tpu.memref_squeeze %dma_start3A_40 : memref<1x80xi32, #tpu.memory_space<vmem>> -> memref<80xi32, #tpu.memory_space<vmem>>
      %dma_start3A_42 = arith.constant 0 : i32
      %dma_start3A_43 = arith.constant 0 : i32
      %dma_start3A_44 = tpu.memref_slice %arg8[%dma_start3A_42, %dma_start3A_43] : memref<10240x128xf32, #tpu.memory_space<vmem_shared>> -> memref<10240x128xf32, #tpu.memory_space<vmem_shared>>
      tpu.enqueue_indirect_dma source(%arg7 : memref<80x128xf32, #tpu.memory_space<vmem>>) target(%dma_start3A_44 : memref<10240x128xf32, #tpu.memory_space<vmem_shared>>) offsets(%dma_start3A_41 : memref<80xi32, #tpu.memory_space<vmem>>) semaphore(%arg9 : memref<!tpu.dma_semaphore, #tpu.memory_space<semaphore_mem>>) {add = true}
      %ge3A = arith.constant 8 : i32
      %ge3A_45 = arith.cmpi sge, %scan3A_37, %ge3A : i32
      %convert_element_type3A = arith.extui %ge3A_45 : i1 to i32
      %cond3A = arith.constant 0 : i32
      %cond3A_46 = arith.cmpi ne, %convert_element_type3A, %cond3A : i32
      scf.if %cond3A_46 {
        %dma_wait3A_48 = arith.constant 0 : i32
        %dma_wait3A_49 = arith.constant 0 : i32
        %dma_wait3A_50 = tpu.memref_slice %arg6[%dma_wait3A_48, %dma_wait3A_49] : memref<125x80xi32, #tpu.memory_space<vmem>> -> memref<1x80xi32, #tpu.memory_space<vmem>>
        %dma_wait3A_51 = tpu.memref_squeeze %dma_wait3A_50 : memref<1x80xi32, #tpu.memory_space<vmem>> -> memref<80xi32, #tpu.memory_space<vmem>>
        %dma_wait3A_52 = arith.constant 0 : i32
        %dma_wait3A_53 = arith.constant 0 : i32
        %dma_wait3A_54 = tpu.memref_slice %arg8[%dma_wait3A_52, %dma_wait3A_53] : memref<10240x128xf32, #tpu.memory_space<vmem_shared>> -> memref<10240x128xf32, #tpu.memory_space<vmem_shared>>
        tpu.wait_indirect_dma semaphore(%arg9 : memref<!tpu.dma_semaphore, #tpu.memory_space<semaphore_mem>>) src(%arg7 : memref<80x128xf32, #tpu.memory_space<vmem>>) dst(%dma_wait3A_54 : memref<10240x128xf32, #tpu.memory_space<vmem_shared>>)
      } else {
      }
      %scan3A_47 = arith.constant 0 : i32
      scf.yield %scan3A_47 : i32
    }
    %scan3A_24 = arith.constant 125 : i32
    %scan3A_25 = arith.constant 0 : i32
    %scan3A_26 = arith.constant 0 : i32
    %scan3A_27 = arith.constant 8 : i32
    %scan3A_28 = arith.addi %scan3A_26, %scan3A_27 : i32
    %scan3A_29 = arith.constant 1 : i32
    %scan3A_30 = scf.for %scan3A_37 = %scan3A_26 to %scan3A_28 step %scan3A_29 iter_args(%scan3A_38 = %scan3A_25) -> (i32)  : i32 {
      %dma_wait3A_39 = arith.constant 0 : i32
      %dma_wait3A_40 = arith.constant 0 : i32
      %dma_wait3A_41 = tpu.memref_slice %arg6[%dma_wait3A_39, %dma_wait3A_40] : memref<125x80xi32, #tpu.memory_space<vmem>> -> memref<1x80xi32, #tpu.memory_space<vmem>>
      %dma_wait3A_42 = tpu.memref_squeeze %dma_wait3A_41 : memref<1x80xi32, #tpu.memory_space<vmem>> -> memref<80xi32, #tpu.memory_space<vmem>>
      %dma_wait3A_43 = arith.constant 0 : i32
      %dma_wait3A_44 = arith.constant 0 : i32
      %dma_wait3A_45 = tpu.memref_slice %arg8[%dma_wait3A_43, %dma_wait3A_44] : memref<10240x128xf32, #tpu.memory_space<vmem_shared>> -> memref<10240x128xf32, #tpu.memory_space<vmem_shared>>
      tpu.wait_indirect_dma semaphore(%arg9 : memref<!tpu.dma_semaphore, #tpu.memory_space<semaphore_mem>>) src(%arg7 : memref<80x128xf32, #tpu.memory_space<vmem>>) dst(%dma_wait3A_45 : memref<10240x128xf32, #tpu.memory_space<vmem_shared>>)
      %scan3A_46 = arith.constant 0 : i32
      scf.yield %scan3A_46 : i32
    }
    %scan3A_31 = arith.constant 8 : i32
    %barrier3A_32 = arith.constant 0 : index
    tpu.barrier barrier_id(%barrier3A_32)
    %mul3A_33 = arith.constant 640 : i32
    %mul3A_34 = arith.muli %arg1, %mul3A_33 : i32
    %mul3A_35 = arith.constant 640 : i32
    %mul3A_36 = arith.muli %arg1, %mul3A_35 : i32
    "tpu.region"() ({
      %run_scoped3A = tpu.sem_alloc : memref<!tpu.dma_semaphore, #tpu.memory_space<semaphore_mem>>
      %dma_start3A_37 = arith.constant 0 : i32
      %dma_start3A_38 = tpu.memref_slice %arg5[%arg0, %mul3A_36, %dma_start3A_37] : memref<2x10240x128xf32, #tpu.memory_space<hbm>> -> memref<1x640x128xf32, #tpu.memory_space<hbm>>
      %dma_start3A_39 = tpu.memref_squeeze %dma_start3A_38 : memref<1x640x128xf32, #tpu.memory_space<hbm>> -> memref<640x128xf32, #tpu.memory_space<hbm>>
      %dma_start3A_40 = arith.constant 0 : i32
      %dma_start3A_41 = tpu.memref_slice %arg8[%mul3A_34, %dma_start3A_40] : memref<10240x128xf32, #tpu.memory_space<vmem_shared>> -> memref<640x128xf32, #tpu.memory_space<vmem_shared>>
      tpu.enqueue_dma source(%dma_start3A_41 : memref<640x128xf32, #tpu.memory_space<vmem_shared>>) target(%dma_start3A_39 : memref<640x128xf32, #tpu.memory_space<hbm>>) target_semaphore(%run_scoped3A : memref<!tpu.dma_semaphore, #tpu.memory_space<semaphore_mem>>)
      %dma_wait3A_42 = arith.constant 0 : i32
      %dma_wait3A_43 = tpu.memref_slice %arg5[%arg0, %mul3A_36, %dma_wait3A_42] : memref<2x10240x128xf32, #tpu.memory_space<hbm>> -> memref<1x640x128xf32, #tpu.memory_space<hbm>>
      %dma_wait3A_44 = tpu.memref_squeeze %dma_wait3A_43 : memref<1x640x128xf32, #tpu.memory_space<hbm>> -> memref<640x128xf32, #tpu.memory_space<hbm>>
      %dma_wait3A_45 = arith.constant 0 : i32
      %dma_wait3A_46 = tpu.memref_slice %arg8[%mul3A_34, %dma_wait3A_45] : memref<10240x128xf32, #tpu.memory_space<vmem_shared>> -> memref<640x128xf32, #tpu.memory_space<vmem_shared>>
      tpu.wait_dma2 semaphore(%run_scoped3A : memref<!tpu.dma_semaphore, #tpu.memory_space<semaphore_mem>>) src(%dma_wait3A_46 : memref<640x128xf32, #tpu.memory_space<vmem_shared>>) dst(%dma_wait3A_44 : memref<640x128xf32, #tpu.memory_space<hbm>>)
      tpu.yield
    }) : () -> ()
    return
  }
}

#map = affine_map<(d0, d1) -> (0, 0)>
#map1 = affine_map<(d0, d1) -> (0, 0, 0)>
module attributes {stable_mosaic.version = 14 : i64} {
  func.func @_spmm_body(%arg0: i32, %arg1: i32, %arg2: memref<10240x128xf32, #tpu.memory_space<hbm>>, %arg3: memref<32x125x80xi32, #tpu.memory_space<hbm>>, %arg4: memref<32x125x80xi32, #tpu.memory_space<hbm>>, %arg5: memref<10240x128xf32, #tpu.memory_space<hbm>>, %arg6: memref<2x10240x128xf32, #tpu.memory_space<hbm>>, %arg7: memref<3x80xi32, #tpu.memory_space<vmem>>, %arg8: memref<3x80xi32, #tpu.memory_space<vmem>>, %arg9: memref<3x80x128xf32, #tpu.memory_space<vmem>>, %arg10: memref<10240x128xf32, #tpu.memory_space<vmem_shared>>, %arg11: memref<!tpu.dma_semaphore, #tpu.memory_space<semaphore_mem>>, %arg12: memref<!tpu.dma_semaphore, #tpu.memory_space<semaphore_mem>>, %arg13: memref<!tpu.dma_semaphore, #tpu.memory_space<semaphore_mem>>) attributes {dimension_semantics = [#tpu.dimension_semantics<core_parallel>, #tpu.dimension_semantics<subcore_parallel>], iteration_bounds = array<i64: 2, 16>, scalar_prefetch = 0 : i64, scratch_operands = 7 : i64, tpu.core_type = #tpu.core_type<sc_vector_subcore>, window_params = [{transform_indices = #map}, {transform_indices = #map1}, {transform_indices = #map1}, {transform_indices = #map}, {transform_indices = #map1}]} {
    %mul3A = arith.constant 16 : i32
    %mul3A_0 = arith.muli %arg0, %mul3A : i32
    %add3A = arith.addi %mul3A_0, %arg1 : i32
    %run_scoped3A = arith.constant 0 : i32
    %run_scoped3A_1 = arith.constant 0 : i32
    "tpu.region"() ({
      %run_scoped3A_57 = tpu.sem_alloc : memref<!tpu.dma_semaphore, #tpu.memory_space<semaphore_mem>>
      %dma_start3A_58 = arith.constant 0 : i32
      %dma_start3A_59 = tpu.memref_slice %arg7[%run_scoped3A_1, %dma_start3A_58] : memref<3x80xi32, #tpu.memory_space<vmem>> -> memref<1x80xi32, #tpu.memory_space<vmem>>
      %dma_start3A_60 = tpu.memref_squeeze %dma_start3A_59 : memref<1x80xi32, #tpu.memory_space<vmem>> -> memref<80xi32, #tpu.memory_space<vmem>>
      %dma_start3A_61 = arith.constant 0 : i32
      %dma_start3A_62 = tpu.memref_slice %arg3[%add3A, %run_scoped3A, %dma_start3A_61] : memref<32x125x80xi32, #tpu.memory_space<hbm>> -> memref<1x1x80xi32, #tpu.memory_space<hbm>>
      %dma_start3A_63 = tpu.memref_squeeze %dma_start3A_62 : memref<1x1x80xi32, #tpu.memory_space<hbm>> -> memref<80xi32, #tpu.memory_space<hbm>>
      %dma_start3A_64 = arith.constant 0 : i32
      %dma_start3A_65 = tpu.memref_slice %arg7[%run_scoped3A_1, %dma_start3A_64] : memref<3x80xi32, #tpu.memory_space<vmem>> -> memref<1x80xi32, #tpu.memory_space<vmem>>
      %dma_start3A_66 = tpu.memref_squeeze %dma_start3A_65 : memref<1x80xi32, #tpu.memory_space<vmem>> -> memref<80xi32, #tpu.memory_space<vmem>>
      %dma_start3A_67 = arith.constant 0 : i32
      %dma_start3A_68 = tpu.memref_slice %arg3[%add3A, %run_scoped3A, %dma_start3A_67] : memref<32x125x80xi32, #tpu.memory_space<hbm>> -> memref<1x1x80xi32, #tpu.memory_space<hbm>>
      %dma_start3A_69 = tpu.memref_squeeze %dma_start3A_68 : memref<1x1x80xi32, #tpu.memory_space<hbm>> -> memref<80xi32, #tpu.memory_space<hbm>>
      tpu.enqueue_dma source(%dma_start3A_69 : memref<80xi32, #tpu.memory_space<hbm>>) target(%dma_start3A_66 : memref<80xi32, #tpu.memory_space<vmem>>) target_semaphore(%run_scoped3A_57 : memref<!tpu.dma_semaphore, #tpu.memory_space<semaphore_mem>>)
      %dma_wait3A_70 = arith.constant 0 : i32
      %dma_wait3A_71 = tpu.memref_slice %arg7[%run_scoped3A_1, %dma_wait3A_70] : memref<3x80xi32, #tpu.memory_space<vmem>> -> memref<1x80xi32, #tpu.memory_space<vmem>>
      %dma_wait3A_72 = tpu.memref_squeeze %dma_wait3A_71 : memref<1x80xi32, #tpu.memory_space<vmem>> -> memref<80xi32, #tpu.memory_space<vmem>>
      %dma_wait3A_73 = arith.constant 0 : i32
      %dma_wait3A_74 = tpu.memref_slice %arg3[%add3A, %run_scoped3A, %dma_wait3A_73] : memref<32x125x80xi32, #tpu.memory_space<hbm>> -> memref<1x1x80xi32, #tpu.memory_space<hbm>>
      %dma_wait3A_75 = tpu.memref_squeeze %dma_wait3A_74 : memref<1x1x80xi32, #tpu.memory_space<hbm>> -> memref<80xi32, #tpu.memory_space<hbm>>
      %dma_wait3A_76 = arith.constant 0 : i32
      %dma_wait3A_77 = tpu.memref_slice %arg7[%run_scoped3A_1, %dma_wait3A_76] : memref<3x80xi32, #tpu.memory_space<vmem>> -> memref<1x80xi32, #tpu.memory_space<vmem>>
      %dma_wait3A_78 = tpu.memref_squeeze %dma_wait3A_77 : memref<1x80xi32, #tpu.memory_space<vmem>> -> memref<80xi32, #tpu.memory_space<vmem>>
      %dma_wait3A_79 = arith.constant 0 : i32
      %dma_wait3A_80 = tpu.memref_slice %arg3[%add3A, %run_scoped3A, %dma_wait3A_79] : memref<32x125x80xi32, #tpu.memory_space<hbm>> -> memref<1x1x80xi32, #tpu.memory_space<hbm>>
      %dma_wait3A_81 = tpu.memref_squeeze %dma_wait3A_80 : memref<1x1x80xi32, #tpu.memory_space<hbm>> -> memref<80xi32, #tpu.memory_space<hbm>>
      tpu.wait_dma2 semaphore(%run_scoped3A_57 : memref<!tpu.dma_semaphore, #tpu.memory_space<semaphore_mem>>) src(%dma_wait3A_81 : memref<80xi32, #tpu.memory_space<hbm>>) dst(%dma_wait3A_78 : memref<80xi32, #tpu.memory_space<vmem>>)
      tpu.yield
    }) : () -> ()
    %run_scoped3A_2 = arith.constant 0 : i32
    %run_scoped3A_3 = arith.constant 0 : i32
    "tpu.region"() ({
      %run_scoped3A_57 = tpu.sem_alloc : memref<!tpu.dma_semaphore, #tpu.memory_space<semaphore_mem>>
      %dma_start3A_58 = arith.constant 0 : i32
      %dma_start3A_59 = tpu.memref_slice %arg8[%run_scoped3A_3, %dma_start3A_58] : memref<3x80xi32, #tpu.memory_space<vmem>> -> memref<1x80xi32, #tpu.memory_space<vmem>>
      %dma_start3A_60 = tpu.memref_squeeze %dma_start3A_59 : memref<1x80xi32, #tpu.memory_space<vmem>> -> memref<80xi32, #tpu.memory_space<vmem>>
      %dma_start3A_61 = arith.constant 0 : i32
      %dma_start3A_62 = tpu.memref_slice %arg4[%add3A, %run_scoped3A_2, %dma_start3A_61] : memref<32x125x80xi32, #tpu.memory_space<hbm>> -> memref<1x1x80xi32, #tpu.memory_space<hbm>>
      %dma_start3A_63 = tpu.memref_squeeze %dma_start3A_62 : memref<1x1x80xi32, #tpu.memory_space<hbm>> -> memref<80xi32, #tpu.memory_space<hbm>>
      %dma_start3A_64 = arith.constant 0 : i32
      %dma_start3A_65 = tpu.memref_slice %arg8[%run_scoped3A_3, %dma_start3A_64] : memref<3x80xi32, #tpu.memory_space<vmem>> -> memref<1x80xi32, #tpu.memory_space<vmem>>
      %dma_start3A_66 = tpu.memref_squeeze %dma_start3A_65 : memref<1x80xi32, #tpu.memory_space<vmem>> -> memref<80xi32, #tpu.memory_space<vmem>>
      %dma_start3A_67 = arith.constant 0 : i32
      %dma_start3A_68 = tpu.memref_slice %arg4[%add3A, %run_scoped3A_2, %dma_start3A_67] : memref<32x125x80xi32, #tpu.memory_space<hbm>> -> memref<1x1x80xi32, #tpu.memory_space<hbm>>
      %dma_start3A_69 = tpu.memref_squeeze %dma_start3A_68 : memref<1x1x80xi32, #tpu.memory_space<hbm>> -> memref<80xi32, #tpu.memory_space<hbm>>
      tpu.enqueue_dma source(%dma_start3A_69 : memref<80xi32, #tpu.memory_space<hbm>>) target(%dma_start3A_66 : memref<80xi32, #tpu.memory_space<vmem>>) target_semaphore(%run_scoped3A_57 : memref<!tpu.dma_semaphore, #tpu.memory_space<semaphore_mem>>)
      %dma_wait3A_70 = arith.constant 0 : i32
      %dma_wait3A_71 = tpu.memref_slice %arg8[%run_scoped3A_3, %dma_wait3A_70] : memref<3x80xi32, #tpu.memory_space<vmem>> -> memref<1x80xi32, #tpu.memory_space<vmem>>
      %dma_wait3A_72 = tpu.memref_squeeze %dma_wait3A_71 : memref<1x80xi32, #tpu.memory_space<vmem>> -> memref<80xi32, #tpu.memory_space<vmem>>
      %dma_wait3A_73 = arith.constant 0 : i32
      %dma_wait3A_74 = tpu.memref_slice %arg4[%add3A, %run_scoped3A_2, %dma_wait3A_73] : memref<32x125x80xi32, #tpu.memory_space<hbm>> -> memref<1x1x80xi32, #tpu.memory_space<hbm>>
      %dma_wait3A_75 = tpu.memref_squeeze %dma_wait3A_74 : memref<1x1x80xi32, #tpu.memory_space<hbm>> -> memref<80xi32, #tpu.memory_space<hbm>>
      %dma_wait3A_76 = arith.constant 0 : i32
      %dma_wait3A_77 = tpu.memref_slice %arg8[%run_scoped3A_3, %dma_wait3A_76] : memref<3x80xi32, #tpu.memory_space<vmem>> -> memref<1x80xi32, #tpu.memory_space<vmem>>
      %dma_wait3A_78 = tpu.memref_squeeze %dma_wait3A_77 : memref<1x80xi32, #tpu.memory_space<vmem>> -> memref<80xi32, #tpu.memory_space<vmem>>
      %dma_wait3A_79 = arith.constant 0 : i32
      %dma_wait3A_80 = tpu.memref_slice %arg4[%add3A, %run_scoped3A_2, %dma_wait3A_79] : memref<32x125x80xi32, #tpu.memory_space<hbm>> -> memref<1x1x80xi32, #tpu.memory_space<hbm>>
      %dma_wait3A_81 = tpu.memref_squeeze %dma_wait3A_80 : memref<1x1x80xi32, #tpu.memory_space<hbm>> -> memref<80xi32, #tpu.memory_space<hbm>>
      tpu.wait_dma2 semaphore(%run_scoped3A_57 : memref<!tpu.dma_semaphore, #tpu.memory_space<semaphore_mem>>) src(%dma_wait3A_81 : memref<80xi32, #tpu.memory_space<hbm>>) dst(%dma_wait3A_78 : memref<80xi32, #tpu.memory_space<vmem>>)
      tpu.yield
    }) : () -> ()
    %run_scoped3A_4 = arith.constant 1 : i32
    %run_scoped3A_5 = arith.constant 1 : i32
    "tpu.region"() ({
      %run_scoped3A_57 = tpu.sem_alloc : memref<!tpu.dma_semaphore, #tpu.memory_space<semaphore_mem>>
      %dma_start3A_58 = arith.constant 0 : i32
      %dma_start3A_59 = tpu.memref_slice %arg7[%run_scoped3A_5, %dma_start3A_58] : memref<3x80xi32, #tpu.memory_space<vmem>> -> memref<1x80xi32, #tpu.memory_space<vmem>>
      %dma_start3A_60 = tpu.memref_squeeze %dma_start3A_59 : memref<1x80xi32, #tpu.memory_space<vmem>> -> memref<80xi32, #tpu.memory_space<vmem>>
      %dma_start3A_61 = arith.constant 0 : i32
      %dma_start3A_62 = tpu.memref_slice %arg3[%add3A, %run_scoped3A_4, %dma_start3A_61] : memref<32x125x80xi32, #tpu.memory_space<hbm>> -> memref<1x1x80xi32, #tpu.memory_space<hbm>>
      %dma_start3A_63 = tpu.memref_squeeze %dma_start3A_62 : memref<1x1x80xi32, #tpu.memory_space<hbm>> -> memref<80xi32, #tpu.memory_space<hbm>>
      %dma_start3A_64 = arith.constant 0 : i32
      %dma_start3A_65 = tpu.memref_slice %arg7[%run_scoped3A_5, %dma_start3A_64] : memref<3x80xi32, #tpu.memory_space<vmem>> -> memref<1x80xi32, #tpu.memory_space<vmem>>
      %dma_start3A_66 = tpu.memref_squeeze %dma_start3A_65 : memref<1x80xi32, #tpu.memory_space<vmem>> -> memref<80xi32, #tpu.memory_space<vmem>>
      %dma_start3A_67 = arith.constant 0 : i32
      %dma_start3A_68 = tpu.memref_slice %arg3[%add3A, %run_scoped3A_4, %dma_start3A_67] : memref<32x125x80xi32, #tpu.memory_space<hbm>> -> memref<1x1x80xi32, #tpu.memory_space<hbm>>
      %dma_start3A_69 = tpu.memref_squeeze %dma_start3A_68 : memref<1x1x80xi32, #tpu.memory_space<hbm>> -> memref<80xi32, #tpu.memory_space<hbm>>
      tpu.enqueue_dma source(%dma_start3A_69 : memref<80xi32, #tpu.memory_space<hbm>>) target(%dma_start3A_66 : memref<80xi32, #tpu.memory_space<vmem>>) target_semaphore(%run_scoped3A_57 : memref<!tpu.dma_semaphore, #tpu.memory_space<semaphore_mem>>)
      %dma_wait3A_70 = arith.constant 0 : i32
      %dma_wait3A_71 = tpu.memref_slice %arg7[%run_scoped3A_5, %dma_wait3A_70] : memref<3x80xi32, #tpu.memory_space<vmem>> -> memref<1x80xi32, #tpu.memory_space<vmem>>
      %dma_wait3A_72 = tpu.memref_squeeze %dma_wait3A_71 : memref<1x80xi32, #tpu.memory_space<vmem>> -> memref<80xi32, #tpu.memory_space<vmem>>
      %dma_wait3A_73 = arith.constant 0 : i32
      %dma_wait3A_74 = tpu.memref_slice %arg3[%add3A, %run_scoped3A_4, %dma_wait3A_73] : memref<32x125x80xi32, #tpu.memory_space<hbm>> -> memref<1x1x80xi32, #tpu.memory_space<hbm>>
      %dma_wait3A_75 = tpu.memref_squeeze %dma_wait3A_74 : memref<1x1x80xi32, #tpu.memory_space<hbm>> -> memref<80xi32, #tpu.memory_space<hbm>>
      %dma_wait3A_76 = arith.constant 0 : i32
      %dma_wait3A_77 = tpu.memref_slice %arg7[%run_scoped3A_5, %dma_wait3A_76] : memref<3x80xi32, #tpu.memory_space<vmem>> -> memref<1x80xi32, #tpu.memory_space<vmem>>
      %dma_wait3A_78 = tpu.memref_squeeze %dma_wait3A_77 : memref<1x80xi32, #tpu.memory_space<vmem>> -> memref<80xi32, #tpu.memory_space<vmem>>
      %dma_wait3A_79 = arith.constant 0 : i32
      %dma_wait3A_80 = tpu.memref_slice %arg3[%add3A, %run_scoped3A_4, %dma_wait3A_79] : memref<32x125x80xi32, #tpu.memory_space<hbm>> -> memref<1x1x80xi32, #tpu.memory_space<hbm>>
      %dma_wait3A_81 = tpu.memref_squeeze %dma_wait3A_80 : memref<1x1x80xi32, #tpu.memory_space<hbm>> -> memref<80xi32, #tpu.memory_space<hbm>>
      tpu.wait_dma2 semaphore(%run_scoped3A_57 : memref<!tpu.dma_semaphore, #tpu.memory_space<semaphore_mem>>) src(%dma_wait3A_81 : memref<80xi32, #tpu.memory_space<hbm>>) dst(%dma_wait3A_78 : memref<80xi32, #tpu.memory_space<vmem>>)
      tpu.yield
    }) : () -> ()
    %run_scoped3A_6 = arith.constant 1 : i32
    %run_scoped3A_7 = arith.constant 1 : i32
    "tpu.region"() ({
      %run_scoped3A_57 = tpu.sem_alloc : memref<!tpu.dma_semaphore, #tpu.memory_space<semaphore_mem>>
      %dma_start3A_58 = arith.constant 0 : i32
      %dma_start3A_59 = tpu.memref_slice %arg8[%run_scoped3A_7, %dma_start3A_58] : memref<3x80xi32, #tpu.memory_space<vmem>> -> memref<1x80xi32, #tpu.memory_space<vmem>>
      %dma_start3A_60 = tpu.memref_squeeze %dma_start3A_59 : memref<1x80xi32, #tpu.memory_space<vmem>> -> memref<80xi32, #tpu.memory_space<vmem>>
      %dma_start3A_61 = arith.constant 0 : i32
      %dma_start3A_62 = tpu.memref_slice %arg4[%add3A, %run_scoped3A_6, %dma_start3A_61] : memref<32x125x80xi32, #tpu.memory_space<hbm>> -> memref<1x1x80xi32, #tpu.memory_space<hbm>>
      %dma_start3A_63 = tpu.memref_squeeze %dma_start3A_62 : memref<1x1x80xi32, #tpu.memory_space<hbm>> -> memref<80xi32, #tpu.memory_space<hbm>>
      %dma_start3A_64 = arith.constant 0 : i32
      %dma_start3A_65 = tpu.memref_slice %arg8[%run_scoped3A_7, %dma_start3A_64] : memref<3x80xi32, #tpu.memory_space<vmem>> -> memref<1x80xi32, #tpu.memory_space<vmem>>
      %dma_start3A_66 = tpu.memref_squeeze %dma_start3A_65 : memref<1x80xi32, #tpu.memory_space<vmem>> -> memref<80xi32, #tpu.memory_space<vmem>>
      %dma_start3A_67 = arith.constant 0 : i32
      %dma_start3A_68 = tpu.memref_slice %arg4[%add3A, %run_scoped3A_6, %dma_start3A_67] : memref<32x125x80xi32, #tpu.memory_space<hbm>> -> memref<1x1x80xi32, #tpu.memory_space<hbm>>
      %dma_start3A_69 = tpu.memref_squeeze %dma_start3A_68 : memref<1x1x80xi32, #tpu.memory_space<hbm>> -> memref<80xi32, #tpu.memory_space<hbm>>
      tpu.enqueue_dma source(%dma_start3A_69 : memref<80xi32, #tpu.memory_space<hbm>>) target(%dma_start3A_66 : memref<80xi32, #tpu.memory_space<vmem>>) target_semaphore(%run_scoped3A_57 : memref<!tpu.dma_semaphore, #tpu.memory_space<semaphore_mem>>)
      %dma_wait3A_70 = arith.constant 0 : i32
      %dma_wait3A_71 = tpu.memref_slice %arg8[%run_scoped3A_7, %dma_wait3A_70] : memref<3x80xi32, #tpu.memory_space<vmem>> -> memref<1x80xi32, #tpu.memory_space<vmem>>
      %dma_wait3A_72 = tpu.memref_squeeze %dma_wait3A_71 : memref<1x80xi32, #tpu.memory_space<vmem>> -> memref<80xi32, #tpu.memory_space<vmem>>
      %dma_wait3A_73 = arith.constant 0 : i32
      %dma_wait3A_74 = tpu.memref_slice %arg4[%add3A, %run_scoped3A_6, %dma_wait3A_73] : memref<32x125x80xi32, #tpu.memory_space<hbm>> -> memref<1x1x80xi32, #tpu.memory_space<hbm>>
      %dma_wait3A_75 = tpu.memref_squeeze %dma_wait3A_74 : memref<1x1x80xi32, #tpu.memory_space<hbm>> -> memref<80xi32, #tpu.memory_space<hbm>>
      %dma_wait3A_76 = arith.constant 0 : i32
      %dma_wait3A_77 = tpu.memref_slice %arg8[%run_scoped3A_7, %dma_wait3A_76] : memref<3x80xi32, #tpu.memory_space<vmem>> -> memref<1x80xi32, #tpu.memory_space<vmem>>
      %dma_wait3A_78 = tpu.memref_squeeze %dma_wait3A_77 : memref<1x80xi32, #tpu.memory_space<vmem>> -> memref<80xi32, #tpu.memory_space<vmem>>
      %dma_wait3A_79 = arith.constant 0 : i32
      %dma_wait3A_80 = tpu.memref_slice %arg4[%add3A, %run_scoped3A_6, %dma_wait3A_79] : memref<32x125x80xi32, #tpu.memory_space<hbm>> -> memref<1x1x80xi32, #tpu.memory_space<hbm>>
      %dma_wait3A_81 = tpu.memref_squeeze %dma_wait3A_80 : memref<1x1x80xi32, #tpu.memory_space<hbm>> -> memref<80xi32, #tpu.memory_space<hbm>>
      tpu.wait_dma2 semaphore(%run_scoped3A_57 : memref<!tpu.dma_semaphore, #tpu.memory_space<semaphore_mem>>) src(%dma_wait3A_81 : memref<80xi32, #tpu.memory_space<hbm>>) dst(%dma_wait3A_78 : memref<80xi32, #tpu.memory_space<vmem>>)
      tpu.yield
    }) : () -> ()
    %dma_start3A = arith.constant 0 : i32
    %dma_start3A_8 = arith.constant 0 : i32
    %dma_start3A_9 = arith.constant 0 : i32
    %dma_start3A_10 = arith.constant 0 : i32
    %dma_start3A_11 = tpu.memref_slice %arg9[%dma_start3A_8, %dma_start3A_9, %dma_start3A_10] : memref<3x80x128xf32, #tpu.memory_space<vmem>> -> memref<1x80x128xf32, #tpu.memory_space<vmem>>
    %dma_start3A_12 = tpu.memref_squeeze %dma_start3A_11 : memref<1x80x128xf32, #tpu.memory_space<vmem>> -> memref<80x128xf32, #tpu.memory_space<vmem>>
    %dma_start3A_13 = arith.constant 0 : i32
    %dma_start3A_14 = tpu.memref_slice %arg7[%dma_start3A, %dma_start3A_13] : memref<3x80xi32, #tpu.memory_space<vmem>> -> memref<1x80xi32, #tpu.memory_space<vmem>>
    %dma_start3A_15 = tpu.memref_squeeze %dma_start3A_14 : memref<1x80xi32, #tpu.memory_space<vmem>> -> memref<80xi32, #tpu.memory_space<vmem>>
    %dma_start3A_16 = arith.constant 0 : i32
    %dma_start3A_17 = arith.constant 0 : i32
    %dma_start3A_18 = tpu.memref_slice %arg2[%dma_start3A_16, %dma_start3A_17] : memref<10240x128xf32, #tpu.memory_space<hbm>> -> memref<10240x128xf32, #tpu.memory_space<hbm>>
    tpu.enqueue_indirect_dma source(%dma_start3A_18 : memref<10240x128xf32, #tpu.memory_space<hbm>>) target(%dma_start3A_12 : memref<80x128xf32, #tpu.memory_space<vmem>>) offsets(%dma_start3A_15 : memref<80xi32, #tpu.memory_space<vmem>>) semaphore(%arg11 : memref<!tpu.dma_semaphore, #tpu.memory_space<semaphore_mem>>)
    %dma_start3A_19 = arith.constant 1 : i32
    %dma_start3A_20 = arith.constant 1 : i32
    %dma_start3A_21 = arith.constant 0 : i32
    %dma_start3A_22 = arith.constant 0 : i32
    %dma_start3A_23 = tpu.memref_slice %arg9[%dma_start3A_20, %dma_start3A_21, %dma_start3A_22] : memref<3x80x128xf32, #tpu.memory_space<vmem>> -> memref<1x80x128xf32, #tpu.memory_space<vmem>>
    %dma_start3A_24 = tpu.memref_squeeze %dma_start3A_23 : memref<1x80x128xf32, #tpu.memory_space<vmem>> -> memref<80x128xf32, #tpu.memory_space<vmem>>
    %dma_start3A_25 = arith.constant 0 : i32
    %dma_start3A_26 = tpu.memref_slice %arg7[%dma_start3A_19, %dma_start3A_25] : memref<3x80xi32, #tpu.memory_space<vmem>> -> memref<1x80xi32, #tpu.memory_space<vmem>>
    %dma_start3A_27 = tpu.memref_squeeze %dma_start3A_26 : memref<1x80xi32, #tpu.memory_space<vmem>> -> memref<80xi32, #tpu.memory_space<vmem>>
    %dma_start3A_28 = arith.constant 0 : i32
    %dma_start3A_29 = arith.constant 0 : i32
    %dma_start3A_30 = tpu.memref_slice %arg2[%dma_start3A_28, %dma_start3A_29] : memref<10240x128xf32, #tpu.memory_space<hbm>> -> memref<10240x128xf32, #tpu.memory_space<hbm>>
    tpu.enqueue_indirect_dma source(%dma_start3A_30 : memref<10240x128xf32, #tpu.memory_space<hbm>>) target(%dma_start3A_24 : memref<80x128xf32, #tpu.memory_space<vmem>>) offsets(%dma_start3A_27 : memref<80xi32, #tpu.memory_space<vmem>>) semaphore(%arg11 : memref<!tpu.dma_semaphore, #tpu.memory_space<semaphore_mem>>)
    %mul3A_31 = arith.constant 640 : i32
    %mul3A_32 = arith.muli %arg1, %mul3A_31 : i32
    %mul3A_33 = arith.constant 640 : i32
    %mul3A_34 = arith.muli %arg1, %mul3A_33 : i32
    "tpu.region"() ({
      %run_scoped3A_57 = tpu.sem_alloc : memref<!tpu.dma_semaphore, #tpu.memory_space<semaphore_mem>>
      %dma_start3A_58 = arith.constant 0 : i32
      %dma_start3A_59 = tpu.memref_slice %arg10[%mul3A_34, %dma_start3A_58] : memref<10240x128xf32, #tpu.memory_space<vmem_shared>> -> memref<640x128xf32, #tpu.memory_space<vmem_shared>>
      %dma_start3A_60 = arith.constant 0 : i32
      %dma_start3A_61 = tpu.memref_slice %arg5[%mul3A_32, %dma_start3A_60] : memref<10240x128xf32, #tpu.memory_space<hbm>> -> memref<640x128xf32, #tpu.memory_space<hbm>>
      tpu.enqueue_dma source(%dma_start3A_61 : memref<640x128xf32, #tpu.memory_space<hbm>>) target(%dma_start3A_59 : memref<640x128xf32, #tpu.memory_space<vmem_shared>>) target_semaphore(%run_scoped3A_57 : memref<!tpu.dma_semaphore, #tpu.memory_space<semaphore_mem>>)
      %dma_wait3A_62 = arith.constant 0 : i32
      %dma_wait3A_63 = tpu.memref_slice %arg10[%mul3A_34, %dma_wait3A_62] : memref<10240x128xf32, #tpu.memory_space<vmem_shared>> -> memref<640x128xf32, #tpu.memory_space<vmem_shared>>
      %dma_wait3A_64 = arith.constant 0 : i32
      %dma_wait3A_65 = tpu.memref_slice %arg5[%mul3A_32, %dma_wait3A_64] : memref<10240x128xf32, #tpu.memory_space<hbm>> -> memref<640x128xf32, #tpu.memory_space<hbm>>
      tpu.wait_dma2 semaphore(%run_scoped3A_57 : memref<!tpu.dma_semaphore, #tpu.memory_space<semaphore_mem>>) src(%dma_wait3A_65 : memref<640x128xf32, #tpu.memory_space<hbm>>) dst(%dma_wait3A_63 : memref<640x128xf32, #tpu.memory_space<vmem_shared>>)
      tpu.yield
    }) : () -> ()
    %barrier3A = arith.constant 0 : index
    tpu.barrier barrier_id(%barrier3A)
    %scan3A = arith.constant 0 : i32
    %scan3A_35 = arith.constant 0 : i32
    %scan3A_36 = arith.constant 125 : i32
    %scan3A_37 = arith.addi %scan3A_35, %scan3A_36 : i32
    %scan3A_38 = arith.constant 1 : i32
    %scan3A_39 = scf.for %scan3A_57 = %scan3A_35 to %scan3A_37 step %scan3A_38 iter_args(%scan3A_58 = %scan3A) -> (i32)  : i32 {
      %rem3A_59 = arith.constant 3 : i32
      %rem3A_60 = arith.remsi %scan3A_57, %rem3A_59 : i32
      %add3A_61 = arith.constant 2 : i32
      %add3A_62 = arith.addi %scan3A_57, %add3A_61 : i32
      %rem3A_63 = arith.constant 3 : i32
      %rem3A_64 = arith.remsi %add3A_62, %rem3A_63 : i32
      %ge3A = arith.constant 1 : i32
      %ge3A_65 = arith.cmpi sge, %scan3A_57, %ge3A : i32
      %convert_element_type3A = arith.extui %ge3A_65 : i1 to i32
      %cond3A = arith.constant 0 : i32
      %cond3A_66 = arith.cmpi ne, %convert_element_type3A, %cond3A : i32
      scf.if %cond3A_66 {
        %dma_wait3A_101 = arith.constant 0 : i32
        %dma_wait3A_102 = arith.constant 0 : i32
        %dma_wait3A_103 = tpu.memref_slice %arg9[%rem3A_64, %dma_wait3A_101, %dma_wait3A_102] : memref<3x80x128xf32, #tpu.memory_space<vmem>> -> memref<1x80x128xf32, #tpu.memory_space<vmem>>
        %dma_wait3A_104 = tpu.memref_squeeze %dma_wait3A_103 : memref<1x80x128xf32, #tpu.memory_space<vmem>> -> memref<80x128xf32, #tpu.memory_space<vmem>>
        %dma_wait3A_105 = arith.constant 0 : i32
        %dma_wait3A_106 = tpu.memref_slice %arg8[%rem3A_64, %dma_wait3A_105] : memref<3x80xi32, #tpu.memory_space<vmem>> -> memref<1x80xi32, #tpu.memory_space<vmem>>
        %dma_wait3A_107 = tpu.memref_squeeze %dma_wait3A_106 : memref<1x80xi32, #tpu.memory_space<vmem>> -> memref<80xi32, #tpu.memory_space<vmem>>
        %dma_wait3A_108 = arith.constant 0 : i32
        %dma_wait3A_109 = arith.constant 0 : i32
        %dma_wait3A_110 = tpu.memref_slice %arg10[%dma_wait3A_108, %dma_wait3A_109] : memref<10240x128xf32, #tpu.memory_space<vmem_shared>> -> memref<10240x128xf32, #tpu.memory_space<vmem_shared>>
        tpu.wait_indirect_dma semaphore(%arg12 : memref<!tpu.dma_semaphore, #tpu.memory_space<semaphore_mem>>) src(%dma_wait3A_104 : memref<80x128xf32, #tpu.memory_space<vmem>>) dst(%dma_wait3A_110 : memref<10240x128xf32, #tpu.memory_space<vmem_shared>>)
      } else {
      }
      %add3A_67 = arith.constant 2 : i32
      %add3A_68 = arith.addi %scan3A_57, %add3A_67 : i32
      %lt3A = arith.constant 125 : i32
      %lt3A_69 = arith.cmpi slt, %add3A_68, %lt3A : i32
      %convert_element_type3A_70 = arith.extui %lt3A_69 : i1 to i32
      %cond3A_71 = arith.constant 0 : i32
      %cond3A_72 = arith.cmpi ne, %convert_element_type3A_70, %cond3A_71 : i32
      scf.if %cond3A_72 {
        %add3A_101 = arith.constant 2 : i32
        %add3A_102 = arith.addi %scan3A_57, %add3A_101 : i32
        %dma_start3A_103 = arith.constant 0 : i32
        %dma_start3A_104 = tpu.memref_slice %arg7[%rem3A_64, %dma_start3A_103] : memref<3x80xi32, #tpu.memory_space<vmem>> -> memref<1x80xi32, #tpu.memory_space<vmem>>
        %dma_start3A_105 = tpu.memref_squeeze %dma_start3A_104 : memref<1x80xi32, #tpu.memory_space<vmem>> -> memref<80xi32, #tpu.memory_space<vmem>>
        %dma_start3A_106 = arith.constant 0 : i32
        %dma_start3A_107 = tpu.memref_slice %arg3[%add3A, %add3A_102, %dma_start3A_106] : memref<32x125x80xi32, #tpu.memory_space<hbm>> -> memref<1x1x80xi32, #tpu.memory_space<hbm>>
        %dma_start3A_108 = tpu.memref_squeeze %dma_start3A_107 : memref<1x1x80xi32, #tpu.memory_space<hbm>> -> memref<80xi32, #tpu.memory_space<hbm>>
        %dma_start3A_109 = arith.constant 0 : i32
        %dma_start3A_110 = tpu.memref_slice %arg7[%rem3A_64, %dma_start3A_109] : memref<3x80xi32, #tpu.memory_space<vmem>> -> memref<1x80xi32, #tpu.memory_space<vmem>>
        %dma_start3A_111 = tpu.memref_squeeze %dma_start3A_110 : memref<1x80xi32, #tpu.memory_space<vmem>> -> memref<80xi32, #tpu.memory_space<vmem>>
        %dma_start3A_112 = arith.constant 0 : i32
        %dma_start3A_113 = tpu.memref_slice %arg3[%add3A, %add3A_102, %dma_start3A_112] : memref<32x125x80xi32, #tpu.memory_space<hbm>> -> memref<1x1x80xi32, #tpu.memory_space<hbm>>
        %dma_start3A_114 = tpu.memref_squeeze %dma_start3A_113 : memref<1x1x80xi32, #tpu.memory_space<hbm>> -> memref<80xi32, #tpu.memory_space<hbm>>
        tpu.enqueue_dma source(%dma_start3A_114 : memref<80xi32, #tpu.memory_space<hbm>>) target(%dma_start3A_111 : memref<80xi32, #tpu.memory_space<vmem>>) target_semaphore(%arg13 : memref<!tpu.dma_semaphore, #tpu.memory_space<semaphore_mem>>)
        %add3A_115 = arith.constant 2 : i32
        %add3A_116 = arith.addi %scan3A_57, %add3A_115 : i32
        %dma_start3A_117 = arith.constant 0 : i32
        %dma_start3A_118 = tpu.memref_slice %arg8[%rem3A_64, %dma_start3A_117] : memref<3x80xi32, #tpu.memory_space<vmem>> -> memref<1x80xi32, #tpu.memory_space<vmem>>
        %dma_start3A_119 = tpu.memref_squeeze %dma_start3A_118 : memref<1x80xi32, #tpu.memory_space<vmem>> -> memref<80xi32, #tpu.memory_space<vmem>>
        %dma_start3A_120 = arith.constant 0 : i32
        %dma_start3A_121 = tpu.memref_slice %arg4[%add3A, %add3A_116, %dma_start3A_120] : memref<32x125x80xi32, #tpu.memory_space<hbm>> -> memref<1x1x80xi32, #tpu.memory_space<hbm>>
        %dma_start3A_122 = tpu.memref_squeeze %dma_start3A_121 : memref<1x1x80xi32, #tpu.memory_space<hbm>> -> memref<80xi32, #tpu.memory_space<hbm>>
        %dma_start3A_123 = arith.constant 0 : i32
        %dma_start3A_124 = tpu.memref_slice %arg8[%rem3A_64, %dma_start3A_123] : memref<3x80xi32, #tpu.memory_space<vmem>> -> memref<1x80xi32, #tpu.memory_space<vmem>>
        %dma_start3A_125 = tpu.memref_squeeze %dma_start3A_124 : memref<1x80xi32, #tpu.memory_space<vmem>> -> memref<80xi32, #tpu.memory_space<vmem>>
        %dma_start3A_126 = arith.constant 0 : i32
        %dma_start3A_127 = tpu.memref_slice %arg4[%add3A, %add3A_116, %dma_start3A_126] : memref<32x125x80xi32, #tpu.memory_space<hbm>> -> memref<1x1x80xi32, #tpu.memory_space<hbm>>
        %dma_start3A_128 = tpu.memref_squeeze %dma_start3A_127 : memref<1x1x80xi32, #tpu.memory_space<hbm>> -> memref<80xi32, #tpu.memory_space<hbm>>
        tpu.enqueue_dma source(%dma_start3A_128 : memref<80xi32, #tpu.memory_space<hbm>>) target(%dma_start3A_125 : memref<80xi32, #tpu.memory_space<vmem>>) target_semaphore(%arg13 : memref<!tpu.dma_semaphore, #tpu.memory_space<semaphore_mem>>)
      } else {
      }
      %dma_wait3A_73 = arith.constant 0 : i32
      %dma_wait3A_74 = arith.constant 0 : i32
      %dma_wait3A_75 = tpu.memref_slice %arg9[%rem3A_60, %dma_wait3A_73, %dma_wait3A_74] : memref<3x80x128xf32, #tpu.memory_space<vmem>> -> memref<1x80x128xf32, #tpu.memory_space<vmem>>
      %dma_wait3A_76 = tpu.memref_squeeze %dma_wait3A_75 : memref<1x80x128xf32, #tpu.memory_space<vmem>> -> memref<80x128xf32, #tpu.memory_space<vmem>>
      %dma_wait3A_77 = arith.constant 0 : i32
      %dma_wait3A_78 = tpu.memref_slice %arg7[%rem3A_60, %dma_wait3A_77] : memref<3x80xi32, #tpu.memory_space<vmem>> -> memref<1x80xi32, #tpu.memory_space<vmem>>
      %dma_wait3A_79 = tpu.memref_squeeze %dma_wait3A_78 : memref<1x80xi32, #tpu.memory_space<vmem>> -> memref<80xi32, #tpu.memory_space<vmem>>
      %dma_wait3A_80 = arith.constant 0 : i32
      %dma_wait3A_81 = arith.constant 0 : i32
      %dma_wait3A_82 = tpu.memref_slice %arg2[%dma_wait3A_80, %dma_wait3A_81] : memref<10240x128xf32, #tpu.memory_space<hbm>> -> memref<10240x128xf32, #tpu.memory_space<hbm>>
      tpu.wait_indirect_dma semaphore(%arg11 : memref<!tpu.dma_semaphore, #tpu.memory_space<semaphore_mem>>) src(%dma_wait3A_82 : memref<10240x128xf32, #tpu.memory_space<hbm>>) dst(%dma_wait3A_76 : memref<80x128xf32, #tpu.memory_space<vmem>>)
      %add3A_83 = arith.constant 2 : i32
      %add3A_84 = arith.addi %scan3A_57, %add3A_83 : i32
      %lt3A_85 = arith.constant 125 : i32
      %lt3A_86 = arith.cmpi slt, %add3A_84, %lt3A_85 : i32
      %convert_element_type3A_87 = arith.extui %lt3A_86 : i1 to i32
      %cond3A_88 = arith.constant 0 : i32
      %cond3A_89 = arith.cmpi ne, %convert_element_type3A_87, %cond3A_88 : i32
      scf.if %cond3A_89 {
        %add3A_101 = arith.constant 2 : i32
        %add3A_102 = arith.addi %scan3A_57, %add3A_101 : i32
        %dma_wait3A_103 = arith.constant 0 : i32
        %dma_wait3A_104 = tpu.memref_slice %arg7[%rem3A_64, %dma_wait3A_103] : memref<3x80xi32, #tpu.memory_space<vmem>> -> memref<1x80xi32, #tpu.memory_space<vmem>>
        %dma_wait3A_105 = tpu.memref_squeeze %dma_wait3A_104 : memref<1x80xi32, #tpu.memory_space<vmem>> -> memref<80xi32, #tpu.memory_space<vmem>>
        %dma_wait3A_106 = arith.constant 0 : i32
        %dma_wait3A_107 = tpu.memref_slice %arg3[%add3A, %add3A_102, %dma_wait3A_106] : memref<32x125x80xi32, #tpu.memory_space<hbm>> -> memref<1x1x80xi32, #tpu.memory_space<hbm>>
        %dma_wait3A_108 = tpu.memref_squeeze %dma_wait3A_107 : memref<1x1x80xi32, #tpu.memory_space<hbm>> -> memref<80xi32, #tpu.memory_space<hbm>>
        %dma_wait3A_109 = arith.constant 0 : i32
        %dma_wait3A_110 = tpu.memref_slice %arg7[%rem3A_64, %dma_wait3A_109] : memref<3x80xi32, #tpu.memory_space<vmem>> -> memref<1x80xi32, #tpu.memory_space<vmem>>
        %dma_wait3A_111 = tpu.memref_squeeze %dma_wait3A_110 : memref<1x80xi32, #tpu.memory_space<vmem>> -> memref<80xi32, #tpu.memory_space<vmem>>
        %dma_wait3A_112 = arith.constant 0 : i32
        %dma_wait3A_113 = tpu.memref_slice %arg3[%add3A, %add3A_102, %dma_wait3A_112] : memref<32x125x80xi32, #tpu.memory_space<hbm>> -> memref<1x1x80xi32, #tpu.memory_space<hbm>>
        %dma_wait3A_114 = tpu.memref_squeeze %dma_wait3A_113 : memref<1x1x80xi32, #tpu.memory_space<hbm>> -> memref<80xi32, #tpu.memory_space<hbm>>
        tpu.wait_dma2 semaphore(%arg13 : memref<!tpu.dma_semaphore, #tpu.memory_space<semaphore_mem>>) src(%dma_wait3A_114 : memref<80xi32, #tpu.memory_space<hbm>>) dst(%dma_wait3A_111 : memref<80xi32, #tpu.memory_space<vmem>>)
        %add3A_115 = arith.constant 2 : i32
        %add3A_116 = arith.addi %scan3A_57, %add3A_115 : i32
        %dma_wait3A_117 = arith.constant 0 : i32
        %dma_wait3A_118 = tpu.memref_slice %arg8[%rem3A_64, %dma_wait3A_117] : memref<3x80xi32, #tpu.memory_space<vmem>> -> memref<1x80xi32, #tpu.memory_space<vmem>>
        %dma_wait3A_119 = tpu.memref_squeeze %dma_wait3A_118 : memref<1x80xi32, #tpu.memory_space<vmem>> -> memref<80xi32, #tpu.memory_space<vmem>>
        %dma_wait3A_120 = arith.constant 0 : i32
        %dma_wait3A_121 = tpu.memref_slice %arg4[%add3A, %add3A_116, %dma_wait3A_120] : memref<32x125x80xi32, #tpu.memory_space<hbm>> -> memref<1x1x80xi32, #tpu.memory_space<hbm>>
        %dma_wait3A_122 = tpu.memref_squeeze %dma_wait3A_121 : memref<1x1x80xi32, #tpu.memory_space<hbm>> -> memref<80xi32, #tpu.memory_space<hbm>>
        %dma_wait3A_123 = arith.constant 0 : i32
        %dma_wait3A_124 = tpu.memref_slice %arg8[%rem3A_64, %dma_wait3A_123] : memref<3x80xi32, #tpu.memory_space<vmem>> -> memref<1x80xi32, #tpu.memory_space<vmem>>
        %dma_wait3A_125 = tpu.memref_squeeze %dma_wait3A_124 : memref<1x80xi32, #tpu.memory_space<vmem>> -> memref<80xi32, #tpu.memory_space<vmem>>
        %dma_wait3A_126 = arith.constant 0 : i32
        %dma_wait3A_127 = tpu.memref_slice %arg4[%add3A, %add3A_116, %dma_wait3A_126] : memref<32x125x80xi32, #tpu.memory_space<hbm>> -> memref<1x1x80xi32, #tpu.memory_space<hbm>>
        %dma_wait3A_128 = tpu.memref_squeeze %dma_wait3A_127 : memref<1x1x80xi32, #tpu.memory_space<hbm>> -> memref<80xi32, #tpu.memory_space<hbm>>
        tpu.wait_dma2 semaphore(%arg13 : memref<!tpu.dma_semaphore, #tpu.memory_space<semaphore_mem>>) src(%dma_wait3A_128 : memref<80xi32, #tpu.memory_space<hbm>>) dst(%dma_wait3A_125 : memref<80xi32, #tpu.memory_space<vmem>>)
        %dma_start3A_129 = arith.constant 0 : i32
        %dma_start3A_130 = arith.constant 0 : i32
        %dma_start3A_131 = tpu.memref_slice %arg9[%rem3A_64, %dma_start3A_129, %dma_start3A_130] : memref<3x80x128xf32, #tpu.memory_space<vmem>> -> memref<1x80x128xf32, #tpu.memory_space<vmem>>
        %dma_start3A_132 = tpu.memref_squeeze %dma_start3A_131 : memref<1x80x128xf32, #tpu.memory_space<vmem>> -> memref<80x128xf32, #tpu.memory_space<vmem>>
        %dma_start3A_133 = arith.constant 0 : i32
        %dma_start3A_134 = tpu.memref_slice %arg7[%rem3A_64, %dma_start3A_133] : memref<3x80xi32, #tpu.memory_space<vmem>> -> memref<1x80xi32, #tpu.memory_space<vmem>>
        %dma_start3A_135 = tpu.memref_squeeze %dma_start3A_134 : memref<1x80xi32, #tpu.memory_space<vmem>> -> memref<80xi32, #tpu.memory_space<vmem>>
        %dma_start3A_136 = arith.constant 0 : i32
        %dma_start3A_137 = arith.constant 0 : i32
        %dma_start3A_138 = tpu.memref_slice %arg2[%dma_start3A_136, %dma_start3A_137] : memref<10240x128xf32, #tpu.memory_space<hbm>> -> memref<10240x128xf32, #tpu.memory_space<hbm>>
        tpu.enqueue_indirect_dma source(%dma_start3A_138 : memref<10240x128xf32, #tpu.memory_space<hbm>>) target(%dma_start3A_132 : memref<80x128xf32, #tpu.memory_space<vmem>>) offsets(%dma_start3A_135 : memref<80xi32, #tpu.memory_space<vmem>>) semaphore(%arg11 : memref<!tpu.dma_semaphore, #tpu.memory_space<semaphore_mem>>)
      } else {
      }
      %dma_start3A_90 = arith.constant 0 : i32
      %dma_start3A_91 = arith.constant 0 : i32
      %dma_start3A_92 = tpu.memref_slice %arg9[%rem3A_60, %dma_start3A_90, %dma_start3A_91] : memref<3x80x128xf32, #tpu.memory_space<vmem>> -> memref<1x80x128xf32, #tpu.memory_space<vmem>>
      %dma_start3A_93 = tpu.memref_squeeze %dma_start3A_92 : memref<1x80x128xf32, #tpu.memory_space<vmem>> -> memref<80x128xf32, #tpu.memory_space<vmem>>
      %dma_start3A_94 = arith.constant 0 : i32
      %dma_start3A_95 = tpu.memref_slice %arg8[%rem3A_60, %dma_start3A_94] : memref<3x80xi32, #tpu.memory_space<vmem>> -> memref<1x80xi32, #tpu.memory_space<vmem>>
      %dma_start3A_96 = tpu.memref_squeeze %dma_start3A_95 : memref<1x80xi32, #tpu.memory_space<vmem>> -> memref<80xi32, #tpu.memory_space<vmem>>
      %dma_start3A_97 = arith.constant 0 : i32
      %dma_start3A_98 = arith.constant 0 : i32
      %dma_start3A_99 = tpu.memref_slice %arg10[%dma_start3A_97, %dma_start3A_98] : memref<10240x128xf32, #tpu.memory_space<vmem_shared>> -> memref<10240x128xf32, #tpu.memory_space<vmem_shared>>
      tpu.enqueue_indirect_dma source(%dma_start3A_93 : memref<80x128xf32, #tpu.memory_space<vmem>>) target(%dma_start3A_99 : memref<10240x128xf32, #tpu.memory_space<vmem_shared>>) offsets(%dma_start3A_96 : memref<80xi32, #tpu.memory_space<vmem>>) semaphore(%arg12 : memref<!tpu.dma_semaphore, #tpu.memory_space<semaphore_mem>>) {add = true}
      %scan3A_100 = arith.constant 0 : i32
      scf.yield %scan3A_100 : i32
    }
    %scan3A_40 = arith.constant 125 : i32
    %rem3A = arith.constant 124 : i32
    %rem3A_41 = arith.constant 3 : i32
    %rem3A_42 = arith.remsi %rem3A, %rem3A_41 : i32
    %dma_wait3A = arith.constant 0 : i32
    %dma_wait3A_43 = arith.constant 0 : i32
    %dma_wait3A_44 = tpu.memref_slice %arg9[%rem3A_42, %dma_wait3A, %dma_wait3A_43] : memref<3x80x128xf32, #tpu.memory_space<vmem>> -> memref<1x80x128xf32, #tpu.memory_space<vmem>>
    %dma_wait3A_45 = tpu.memref_squeeze %dma_wait3A_44 : memref<1x80x128xf32, #tpu.memory_space<vmem>> -> memref<80x128xf32, #tpu.memory_space<vmem>>
    %dma_wait3A_46 = arith.constant 0 : i32
    %dma_wait3A_47 = tpu.memref_slice %arg8[%rem3A_42, %dma_wait3A_46] : memref<3x80xi32, #tpu.memory_space<vmem>> -> memref<1x80xi32, #tpu.memory_space<vmem>>
    %dma_wait3A_48 = tpu.memref_squeeze %dma_wait3A_47 : memref<1x80xi32, #tpu.memory_space<vmem>> -> memref<80xi32, #tpu.memory_space<vmem>>
    %dma_wait3A_49 = arith.constant 0 : i32
    %dma_wait3A_50 = arith.constant 0 : i32
    %dma_wait3A_51 = tpu.memref_slice %arg10[%dma_wait3A_49, %dma_wait3A_50] : memref<10240x128xf32, #tpu.memory_space<vmem_shared>> -> memref<10240x128xf32, #tpu.memory_space<vmem_shared>>
    tpu.wait_indirect_dma semaphore(%arg12 : memref<!tpu.dma_semaphore, #tpu.memory_space<semaphore_mem>>) src(%dma_wait3A_45 : memref<80x128xf32, #tpu.memory_space<vmem>>) dst(%dma_wait3A_51 : memref<10240x128xf32, #tpu.memory_space<vmem_shared>>)
    %barrier3A_52 = arith.constant 0 : index
    tpu.barrier barrier_id(%barrier3A_52)
    %mul3A_53 = arith.constant 640 : i32
    %mul3A_54 = arith.muli %arg1, %mul3A_53 : i32
    %mul3A_55 = arith.constant 640 : i32
    %mul3A_56 = arith.muli %arg1, %mul3A_55 : i32
    "tpu.region"() ({
      %run_scoped3A_57 = tpu.sem_alloc : memref<!tpu.dma_semaphore, #tpu.memory_space<semaphore_mem>>
      %dma_start3A_58 = arith.constant 0 : i32
      %dma_start3A_59 = tpu.memref_slice %arg6[%arg0, %mul3A_56, %dma_start3A_58] : memref<2x10240x128xf32, #tpu.memory_space<hbm>> -> memref<1x640x128xf32, #tpu.memory_space<hbm>>
      %dma_start3A_60 = tpu.memref_squeeze %dma_start3A_59 : memref<1x640x128xf32, #tpu.memory_space<hbm>> -> memref<640x128xf32, #tpu.memory_space<hbm>>
      %dma_start3A_61 = arith.constant 0 : i32
      %dma_start3A_62 = tpu.memref_slice %arg10[%mul3A_54, %dma_start3A_61] : memref<10240x128xf32, #tpu.memory_space<vmem_shared>> -> memref<640x128xf32, #tpu.memory_space<vmem_shared>>
      tpu.enqueue_dma source(%dma_start3A_62 : memref<640x128xf32, #tpu.memory_space<vmem_shared>>) target(%dma_start3A_60 : memref<640x128xf32, #tpu.memory_space<hbm>>) target_semaphore(%run_scoped3A_57 : memref<!tpu.dma_semaphore, #tpu.memory_space<semaphore_mem>>)
      %dma_wait3A_63 = arith.constant 0 : i32
      %dma_wait3A_64 = tpu.memref_slice %arg6[%arg0, %mul3A_56, %dma_wait3A_63] : memref<2x10240x128xf32, #tpu.memory_space<hbm>> -> memref<1x640x128xf32, #tpu.memory_space<hbm>>
      %dma_wait3A_65 = tpu.memref_squeeze %dma_wait3A_64 : memref<1x640x128xf32, #tpu.memory_space<hbm>> -> memref<640x128xf32, #tpu.memory_space<hbm>>
      %dma_wait3A_66 = arith.constant 0 : i32
      %dma_wait3A_67 = tpu.memref_slice %arg10[%mul3A_54, %dma_wait3A_66] : memref<10240x128xf32, #tpu.memory_space<vmem_shared>> -> memref<640x128xf32, #tpu.memory_space<vmem_shared>>
      tpu.wait_dma2 semaphore(%run_scoped3A_57 : memref<!tpu.dma_semaphore, #tpu.memory_space<semaphore_mem>>) src(%dma_wait3A_67 : memref<640x128xf32, #tpu.memory_space<vmem_shared>>) dst(%dma_wait3A_65 : memref<640x128xf32, #tpu.memory_space<hbm>>)
      tpu.yield
    }) : () -> ()
    return
  }
}

#map = affine_map<(d0, d1) -> (0, 0)>
#map1 = affine_map<(d0, d1) -> (0, 0, 0)>
module attributes {stable_mosaic.version = 14 : i64} {
  func.func @_spmm_body(%arg0: i32, %arg1: i32, %arg2: memref<10240x128xf32, #tpu.memory_space<hbm>>, %arg3: memref<32x125x80xi32, #tpu.memory_space<hbm>>, %arg4: memref<32x125x80xi32, #tpu.memory_space<hbm>>, %arg5: memref<10240x128xf32, #tpu.memory_space<hbm>>, %arg6: memref<2x10240x128xf32, #tpu.memory_space<hbm>>, %arg7: memref<3x80xi32, #tpu.memory_space<vmem>>, %arg8: memref<3x80xi32, #tpu.memory_space<vmem>>, %arg9: memref<3x80x128xf32, #tpu.memory_space<vmem>>, %arg10: memref<10240x128xf32, #tpu.memory_space<vmem_shared>>, %arg11: memref<!tpu.dma_semaphore, #tpu.memory_space<semaphore_mem>>, %arg12: memref<!tpu.dma_semaphore, #tpu.memory_space<semaphore_mem>>, %arg13: memref<!tpu.dma_semaphore, #tpu.memory_space<semaphore_mem>>) attributes {dimension_semantics = [#tpu.dimension_semantics<core_parallel>, #tpu.dimension_semantics<subcore_parallel>], iteration_bounds = array<i64: 2, 16>, scalar_prefetch = 0 : i64, scratch_operands = 7 : i64, tpu.core_type = #tpu.core_type<sc_vector_subcore>, window_params = [{transform_indices = #map}, {transform_indices = #map1}, {transform_indices = #map1}, {transform_indices = #map}, {transform_indices = #map1}]} {
    %mul3A = arith.constant 16 : i32
    %mul3A_0 = arith.muli %arg0, %mul3A : i32
    %add3A = arith.addi %mul3A_0, %arg1 : i32
    %run_scoped3A = arith.constant 0 : i32
    %run_scoped3A_1 = arith.constant 0 : i32
    "tpu.region"() ({
      %run_scoped3A_57 = tpu.sem_alloc : memref<!tpu.dma_semaphore, #tpu.memory_space<semaphore_mem>>
      %dma_start3A_58 = arith.constant 0 : i32
      %dma_start3A_59 = tpu.memref_slice %arg7[%run_scoped3A_1, %dma_start3A_58] : memref<3x80xi32, #tpu.memory_space<vmem>> -> memref<1x80xi32, #tpu.memory_space<vmem>>
      %dma_start3A_60 = tpu.memref_squeeze %dma_start3A_59 : memref<1x80xi32, #tpu.memory_space<vmem>> -> memref<80xi32, #tpu.memory_space<vmem>>
      %dma_start3A_61 = arith.constant 0 : i32
      %dma_start3A_62 = tpu.memref_slice %arg3[%add3A, %run_scoped3A, %dma_start3A_61] : memref<32x125x80xi32, #tpu.memory_space<hbm>> -> memref<1x1x80xi32, #tpu.memory_space<hbm>>
      %dma_start3A_63 = tpu.memref_squeeze %dma_start3A_62 : memref<1x1x80xi32, #tpu.memory_space<hbm>> -> memref<80xi32, #tpu.memory_space<hbm>>
      %dma_start3A_64 = arith.constant 0 : i32
      %dma_start3A_65 = tpu.memref_slice %arg7[%run_scoped3A_1, %dma_start3A_64] : memref<3x80xi32, #tpu.memory_space<vmem>> -> memref<1x80xi32, #tpu.memory_space<vmem>>
      %dma_start3A_66 = tpu.memref_squeeze %dma_start3A_65 : memref<1x80xi32, #tpu.memory_space<vmem>> -> memref<80xi32, #tpu.memory_space<vmem>>
      %dma_start3A_67 = arith.constant 0 : i32
      %dma_start3A_68 = tpu.memref_slice %arg3[%add3A, %run_scoped3A, %dma_start3A_67] : memref<32x125x80xi32, #tpu.memory_space<hbm>> -> memref<1x1x80xi32, #tpu.memory_space<hbm>>
      %dma_start3A_69 = tpu.memref_squeeze %dma_start3A_68 : memref<1x1x80xi32, #tpu.memory_space<hbm>> -> memref<80xi32, #tpu.memory_space<hbm>>
      tpu.enqueue_dma source(%dma_start3A_69 : memref<80xi32, #tpu.memory_space<hbm>>) target(%dma_start3A_66 : memref<80xi32, #tpu.memory_space<vmem>>) target_semaphore(%run_scoped3A_57 : memref<!tpu.dma_semaphore, #tpu.memory_space<semaphore_mem>>)
      %dma_wait3A_70 = arith.constant 0 : i32
      %dma_wait3A_71 = tpu.memref_slice %arg7[%run_scoped3A_1, %dma_wait3A_70] : memref<3x80xi32, #tpu.memory_space<vmem>> -> memref<1x80xi32, #tpu.memory_space<vmem>>
      %dma_wait3A_72 = tpu.memref_squeeze %dma_wait3A_71 : memref<1x80xi32, #tpu.memory_space<vmem>> -> memref<80xi32, #tpu.memory_space<vmem>>
      %dma_wait3A_73 = arith.constant 0 : i32
      %dma_wait3A_74 = tpu.memref_slice %arg3[%add3A, %run_scoped3A, %dma_wait3A_73] : memref<32x125x80xi32, #tpu.memory_space<hbm>> -> memref<1x1x80xi32, #tpu.memory_space<hbm>>
      %dma_wait3A_75 = tpu.memref_squeeze %dma_wait3A_74 : memref<1x1x80xi32, #tpu.memory_space<hbm>> -> memref<80xi32, #tpu.memory_space<hbm>>
      %dma_wait3A_76 = arith.constant 0 : i32
      %dma_wait3A_77 = tpu.memref_slice %arg7[%run_scoped3A_1, %dma_wait3A_76] : memref<3x80xi32, #tpu.memory_space<vmem>> -> memref<1x80xi32, #tpu.memory_space<vmem>>
      %dma_wait3A_78 = tpu.memref_squeeze %dma_wait3A_77 : memref<1x80xi32, #tpu.memory_space<vmem>> -> memref<80xi32, #tpu.memory_space<vmem>>
      %dma_wait3A_79 = arith.constant 0 : i32
      %dma_wait3A_80 = tpu.memref_slice %arg3[%add3A, %run_scoped3A, %dma_wait3A_79] : memref<32x125x80xi32, #tpu.memory_space<hbm>> -> memref<1x1x80xi32, #tpu.memory_space<hbm>>
      %dma_wait3A_81 = tpu.memref_squeeze %dma_wait3A_80 : memref<1x1x80xi32, #tpu.memory_space<hbm>> -> memref<80xi32, #tpu.memory_space<hbm>>
      tpu.wait_dma2 semaphore(%run_scoped3A_57 : memref<!tpu.dma_semaphore, #tpu.memory_space<semaphore_mem>>) src(%dma_wait3A_81 : memref<80xi32, #tpu.memory_space<hbm>>) dst(%dma_wait3A_78 : memref<80xi32, #tpu.memory_space<vmem>>)
      tpu.yield
    }) : () -> ()
    %run_scoped3A_2 = arith.constant 0 : i32
    %run_scoped3A_3 = arith.constant 0 : i32
    "tpu.region"() ({
      %run_scoped3A_57 = tpu.sem_alloc : memref<!tpu.dma_semaphore, #tpu.memory_space<semaphore_mem>>
      %dma_start3A_58 = arith.constant 0 : i32
      %dma_start3A_59 = tpu.memref_slice %arg8[%run_scoped3A_3, %dma_start3A_58] : memref<3x80xi32, #tpu.memory_space<vmem>> -> memref<1x80xi32, #tpu.memory_space<vmem>>
      %dma_start3A_60 = tpu.memref_squeeze %dma_start3A_59 : memref<1x80xi32, #tpu.memory_space<vmem>> -> memref<80xi32, #tpu.memory_space<vmem>>
      %dma_start3A_61 = arith.constant 0 : i32
      %dma_start3A_62 = tpu.memref_slice %arg4[%add3A, %run_scoped3A_2, %dma_start3A_61] : memref<32x125x80xi32, #tpu.memory_space<hbm>> -> memref<1x1x80xi32, #tpu.memory_space<hbm>>
      %dma_start3A_63 = tpu.memref_squeeze %dma_start3A_62 : memref<1x1x80xi32, #tpu.memory_space<hbm>> -> memref<80xi32, #tpu.memory_space<hbm>>
      %dma_start3A_64 = arith.constant 0 : i32
      %dma_start3A_65 = tpu.memref_slice %arg8[%run_scoped3A_3, %dma_start3A_64] : memref<3x80xi32, #tpu.memory_space<vmem>> -> memref<1x80xi32, #tpu.memory_space<vmem>>
      %dma_start3A_66 = tpu.memref_squeeze %dma_start3A_65 : memref<1x80xi32, #tpu.memory_space<vmem>> -> memref<80xi32, #tpu.memory_space<vmem>>
      %dma_start3A_67 = arith.constant 0 : i32
      %dma_start3A_68 = tpu.memref_slice %arg4[%add3A, %run_scoped3A_2, %dma_start3A_67] : memref<32x125x80xi32, #tpu.memory_space<hbm>> -> memref<1x1x80xi32, #tpu.memory_space<hbm>>
      %dma_start3A_69 = tpu.memref_squeeze %dma_start3A_68 : memref<1x1x80xi32, #tpu.memory_space<hbm>> -> memref<80xi32, #tpu.memory_space<hbm>>
      tpu.enqueue_dma source(%dma_start3A_69 : memref<80xi32, #tpu.memory_space<hbm>>) target(%dma_start3A_66 : memref<80xi32, #tpu.memory_space<vmem>>) target_semaphore(%run_scoped3A_57 : memref<!tpu.dma_semaphore, #tpu.memory_space<semaphore_mem>>)
      %dma_wait3A_70 = arith.constant 0 : i32
      %dma_wait3A_71 = tpu.memref_slice %arg8[%run_scoped3A_3, %dma_wait3A_70] : memref<3x80xi32, #tpu.memory_space<vmem>> -> memref<1x80xi32, #tpu.memory_space<vmem>>
      %dma_wait3A_72 = tpu.memref_squeeze %dma_wait3A_71 : memref<1x80xi32, #tpu.memory_space<vmem>> -> memref<80xi32, #tpu.memory_space<vmem>>
      %dma_wait3A_73 = arith.constant 0 : i32
      %dma_wait3A_74 = tpu.memref_slice %arg4[%add3A, %run_scoped3A_2, %dma_wait3A_73] : memref<32x125x80xi32, #tpu.memory_space<hbm>> -> memref<1x1x80xi32, #tpu.memory_space<hbm>>
      %dma_wait3A_75 = tpu.memref_squeeze %dma_wait3A_74 : memref<1x1x80xi32, #tpu.memory_space<hbm>> -> memref<80xi32, #tpu.memory_space<hbm>>
      %dma_wait3A_76 = arith.constant 0 : i32
      %dma_wait3A_77 = tpu.memref_slice %arg8[%run_scoped3A_3, %dma_wait3A_76] : memref<3x80xi32, #tpu.memory_space<vmem>> -> memref<1x80xi32, #tpu.memory_space<vmem>>
      %dma_wait3A_78 = tpu.memref_squeeze %dma_wait3A_77 : memref<1x80xi32, #tpu.memory_space<vmem>> -> memref<80xi32, #tpu.memory_space<vmem>>
      %dma_wait3A_79 = arith.constant 0 : i32
      %dma_wait3A_80 = tpu.memref_slice %arg4[%add3A, %run_scoped3A_2, %dma_wait3A_79] : memref<32x125x80xi32, #tpu.memory_space<hbm>> -> memref<1x1x80xi32, #tpu.memory_space<hbm>>
      %dma_wait3A_81 = tpu.memref_squeeze %dma_wait3A_80 : memref<1x1x80xi32, #tpu.memory_space<hbm>> -> memref<80xi32, #tpu.memory_space<hbm>>
      tpu.wait_dma2 semaphore(%run_scoped3A_57 : memref<!tpu.dma_semaphore, #tpu.memory_space<semaphore_mem>>) src(%dma_wait3A_81 : memref<80xi32, #tpu.memory_space<hbm>>) dst(%dma_wait3A_78 : memref<80xi32, #tpu.memory_space<vmem>>)
      tpu.yield
    }) : () -> ()
    %run_scoped3A_4 = arith.constant 1 : i32
    %run_scoped3A_5 = arith.constant 1 : i32
    "tpu.region"() ({
      %run_scoped3A_57 = tpu.sem_alloc : memref<!tpu.dma_semaphore, #tpu.memory_space<semaphore_mem>>
      %dma_start3A_58 = arith.constant 0 : i32
      %dma_start3A_59 = tpu.memref_slice %arg7[%run_scoped3A_5, %dma_start3A_58] : memref<3x80xi32, #tpu.memory_space<vmem>> -> memref<1x80xi32, #tpu.memory_space<vmem>>
      %dma_start3A_60 = tpu.memref_squeeze %dma_start3A_59 : memref<1x80xi32, #tpu.memory_space<vmem>> -> memref<80xi32, #tpu.memory_space<vmem>>
      %dma_start3A_61 = arith.constant 0 : i32
      %dma_start3A_62 = tpu.memref_slice %arg3[%add3A, %run_scoped3A_4, %dma_start3A_61] : memref<32x125x80xi32, #tpu.memory_space<hbm>> -> memref<1x1x80xi32, #tpu.memory_space<hbm>>
      %dma_start3A_63 = tpu.memref_squeeze %dma_start3A_62 : memref<1x1x80xi32, #tpu.memory_space<hbm>> -> memref<80xi32, #tpu.memory_space<hbm>>
      %dma_start3A_64 = arith.constant 0 : i32
      %dma_start3A_65 = tpu.memref_slice %arg7[%run_scoped3A_5, %dma_start3A_64] : memref<3x80xi32, #tpu.memory_space<vmem>> -> memref<1x80xi32, #tpu.memory_space<vmem>>
      %dma_start3A_66 = tpu.memref_squeeze %dma_start3A_65 : memref<1x80xi32, #tpu.memory_space<vmem>> -> memref<80xi32, #tpu.memory_space<vmem>>
      %dma_start3A_67 = arith.constant 0 : i32
      %dma_start3A_68 = tpu.memref_slice %arg3[%add3A, %run_scoped3A_4, %dma_start3A_67] : memref<32x125x80xi32, #tpu.memory_space<hbm>> -> memref<1x1x80xi32, #tpu.memory_space<hbm>>
      %dma_start3A_69 = tpu.memref_squeeze %dma_start3A_68 : memref<1x1x80xi32, #tpu.memory_space<hbm>> -> memref<80xi32, #tpu.memory_space<hbm>>
      tpu.enqueue_dma source(%dma_start3A_69 : memref<80xi32, #tpu.memory_space<hbm>>) target(%dma_start3A_66 : memref<80xi32, #tpu.memory_space<vmem>>) target_semaphore(%run_scoped3A_57 : memref<!tpu.dma_semaphore, #tpu.memory_space<semaphore_mem>>)
      %dma_wait3A_70 = arith.constant 0 : i32
      %dma_wait3A_71 = tpu.memref_slice %arg7[%run_scoped3A_5, %dma_wait3A_70] : memref<3x80xi32, #tpu.memory_space<vmem>> -> memref<1x80xi32, #tpu.memory_space<vmem>>
      %dma_wait3A_72 = tpu.memref_squeeze %dma_wait3A_71 : memref<1x80xi32, #tpu.memory_space<vmem>> -> memref<80xi32, #tpu.memory_space<vmem>>
      %dma_wait3A_73 = arith.constant 0 : i32
      %dma_wait3A_74 = tpu.memref_slice %arg3[%add3A, %run_scoped3A_4, %dma_wait3A_73] : memref<32x125x80xi32, #tpu.memory_space<hbm>> -> memref<1x1x80xi32, #tpu.memory_space<hbm>>
      %dma_wait3A_75 = tpu.memref_squeeze %dma_wait3A_74 : memref<1x1x80xi32, #tpu.memory_space<hbm>> -> memref<80xi32, #tpu.memory_space<hbm>>
      %dma_wait3A_76 = arith.constant 0 : i32
      %dma_wait3A_77 = tpu.memref_slice %arg7[%run_scoped3A_5, %dma_wait3A_76] : memref<3x80xi32, #tpu.memory_space<vmem>> -> memref<1x80xi32, #tpu.memory_space<vmem>>
      %dma_wait3A_78 = tpu.memref_squeeze %dma_wait3A_77 : memref<1x80xi32, #tpu.memory_space<vmem>> -> memref<80xi32, #tpu.memory_space<vmem>>
      %dma_wait3A_79 = arith.constant 0 : i32
      %dma_wait3A_80 = tpu.memref_slice %arg3[%add3A, %run_scoped3A_4, %dma_wait3A_79] : memref<32x125x80xi32, #tpu.memory_space<hbm>> -> memref<1x1x80xi32, #tpu.memory_space<hbm>>
      %dma_wait3A_81 = tpu.memref_squeeze %dma_wait3A_80 : memref<1x1x80xi32, #tpu.memory_space<hbm>> -> memref<80xi32, #tpu.memory_space<hbm>>
      tpu.wait_dma2 semaphore(%run_scoped3A_57 : memref<!tpu.dma_semaphore, #tpu.memory_space<semaphore_mem>>) src(%dma_wait3A_81 : memref<80xi32, #tpu.memory_space<hbm>>) dst(%dma_wait3A_78 : memref<80xi32, #tpu.memory_space<vmem>>)
      tpu.yield
    }) : () -> ()
    %run_scoped3A_6 = arith.constant 1 : i32
    %run_scoped3A_7 = arith.constant 1 : i32
    "tpu.region"() ({
      %run_scoped3A_57 = tpu.sem_alloc : memref<!tpu.dma_semaphore, #tpu.memory_space<semaphore_mem>>
      %dma_start3A_58 = arith.constant 0 : i32
      %dma_start3A_59 = tpu.memref_slice %arg8[%run_scoped3A_7, %dma_start3A_58] : memref<3x80xi32, #tpu.memory_space<vmem>> -> memref<1x80xi32, #tpu.memory_space<vmem>>
      %dma_start3A_60 = tpu.memref_squeeze %dma_start3A_59 : memref<1x80xi32, #tpu.memory_space<vmem>> -> memref<80xi32, #tpu.memory_space<vmem>>
      %dma_start3A_61 = arith.constant 0 : i32
      %dma_start3A_62 = tpu.memref_slice %arg4[%add3A, %run_scoped3A_6, %dma_start3A_61] : memref<32x125x80xi32, #tpu.memory_space<hbm>> -> memref<1x1x80xi32, #tpu.memory_space<hbm>>
      %dma_start3A_63 = tpu.memref_squeeze %dma_start3A_62 : memref<1x1x80xi32, #tpu.memory_space<hbm>> -> memref<80xi32, #tpu.memory_space<hbm>>
      %dma_start3A_64 = arith.constant 0 : i32
      %dma_start3A_65 = tpu.memref_slice %arg8[%run_scoped3A_7, %dma_start3A_64] : memref<3x80xi32, #tpu.memory_space<vmem>> -> memref<1x80xi32, #tpu.memory_space<vmem>>
      %dma_start3A_66 = tpu.memref_squeeze %dma_start3A_65 : memref<1x80xi32, #tpu.memory_space<vmem>> -> memref<80xi32, #tpu.memory_space<vmem>>
      %dma_start3A_67 = arith.constant 0 : i32
      %dma_start3A_68 = tpu.memref_slice %arg4[%add3A, %run_scoped3A_6, %dma_start3A_67] : memref<32x125x80xi32, #tpu.memory_space<hbm>> -> memref<1x1x80xi32, #tpu.memory_space<hbm>>
      %dma_start3A_69 = tpu.memref_squeeze %dma_start3A_68 : memref<1x1x80xi32, #tpu.memory_space<hbm>> -> memref<80xi32, #tpu.memory_space<hbm>>
      tpu.enqueue_dma source(%dma_start3A_69 : memref<80xi32, #tpu.memory_space<hbm>>) target(%dma_start3A_66 : memref<80xi32, #tpu.memory_space<vmem>>) target_semaphore(%run_scoped3A_57 : memref<!tpu.dma_semaphore, #tpu.memory_space<semaphore_mem>>)
      %dma_wait3A_70 = arith.constant 0 : i32
      %dma_wait3A_71 = tpu.memref_slice %arg8[%run_scoped3A_7, %dma_wait3A_70] : memref<3x80xi32, #tpu.memory_space<vmem>> -> memref<1x80xi32, #tpu.memory_space<vmem>>
      %dma_wait3A_72 = tpu.memref_squeeze %dma_wait3A_71 : memref<1x80xi32, #tpu.memory_space<vmem>> -> memref<80xi32, #tpu.memory_space<vmem>>
      %dma_wait3A_73 = arith.constant 0 : i32
      %dma_wait3A_74 = tpu.memref_slice %arg4[%add3A, %run_scoped3A_6, %dma_wait3A_73] : memref<32x125x80xi32, #tpu.memory_space<hbm>> -> memref<1x1x80xi32, #tpu.memory_space<hbm>>
      %dma_wait3A_75 = tpu.memref_squeeze %dma_wait3A_74 : memref<1x1x80xi32, #tpu.memory_space<hbm>> -> memref<80xi32, #tpu.memory_space<hbm>>
      %dma_wait3A_76 = arith.constant 0 : i32
      %dma_wait3A_77 = tpu.memref_slice %arg8[%run_scoped3A_7, %dma_wait3A_76] : memref<3x80xi32, #tpu.memory_space<vmem>> -> memref<1x80xi32, #tpu.memory_space<vmem>>
      %dma_wait3A_78 = tpu.memref_squeeze %dma_wait3A_77 : memref<1x80xi32, #tpu.memory_space<vmem>> -> memref<80xi32, #tpu.memory_space<vmem>>
      %dma_wait3A_79 = arith.constant 0 : i32
      %dma_wait3A_80 = tpu.memref_slice %arg4[%add3A, %run_scoped3A_6, %dma_wait3A_79] : memref<32x125x80xi32, #tpu.memory_space<hbm>> -> memref<1x1x80xi32, #tpu.memory_space<hbm>>
      %dma_wait3A_81 = tpu.memref_squeeze %dma_wait3A_80 : memref<1x1x80xi32, #tpu.memory_space<hbm>> -> memref<80xi32, #tpu.memory_space<hbm>>
      tpu.wait_dma2 semaphore(%run_scoped3A_57 : memref<!tpu.dma_semaphore, #tpu.memory_space<semaphore_mem>>) src(%dma_wait3A_81 : memref<80xi32, #tpu.memory_space<hbm>>) dst(%dma_wait3A_78 : memref<80xi32, #tpu.memory_space<vmem>>)
      tpu.yield
    }) : () -> ()
    %dma_start3A = arith.constant 0 : i32
    %dma_start3A_8 = arith.constant 0 : i32
    %dma_start3A_9 = arith.constant 0 : i32
    %dma_start3A_10 = arith.constant 0 : i32
    %dma_start3A_11 = tpu.memref_slice %arg9[%dma_start3A_8, %dma_start3A_9, %dma_start3A_10] : memref<3x80x128xf32, #tpu.memory_space<vmem>> -> memref<1x80x128xf32, #tpu.memory_space<vmem>>
    %dma_start3A_12 = tpu.memref_squeeze %dma_start3A_11 : memref<1x80x128xf32, #tpu.memory_space<vmem>> -> memref<80x128xf32, #tpu.memory_space<vmem>>
    %dma_start3A_13 = arith.constant 0 : i32
    %dma_start3A_14 = tpu.memref_slice %arg7[%dma_start3A, %dma_start3A_13] : memref<3x80xi32, #tpu.memory_space<vmem>> -> memref<1x80xi32, #tpu.memory_space<vmem>>
    %dma_start3A_15 = tpu.memref_squeeze %dma_start3A_14 : memref<1x80xi32, #tpu.memory_space<vmem>> -> memref<80xi32, #tpu.memory_space<vmem>>
    %dma_start3A_16 = arith.constant 0 : i32
    %dma_start3A_17 = arith.constant 0 : i32
    %dma_start3A_18 = tpu.memref_slice %arg2[%dma_start3A_16, %dma_start3A_17] : memref<10240x128xf32, #tpu.memory_space<hbm>> -> memref<10240x128xf32, #tpu.memory_space<hbm>>
    tpu.enqueue_indirect_dma source(%dma_start3A_18 : memref<10240x128xf32, #tpu.memory_space<hbm>>) target(%dma_start3A_12 : memref<80x128xf32, #tpu.memory_space<vmem>>) offsets(%dma_start3A_15 : memref<80xi32, #tpu.memory_space<vmem>>) semaphore(%arg11 : memref<!tpu.dma_semaphore, #tpu.memory_space<semaphore_mem>>)
    %dma_start3A_19 = arith.constant 1 : i32
    %dma_start3A_20 = arith.constant 1 : i32
    %dma_start3A_21 = arith.constant 0 : i32
    %dma_start3A_22 = arith.constant 0 : i32
    %dma_start3A_23 = tpu.memref_slice %arg9[%dma_start3A_20, %dma_start3A_21, %dma_start3A_22] : memref<3x80x128xf32, #tpu.memory_space<vmem>> -> memref<1x80x128xf32, #tpu.memory_space<vmem>>
    %dma_start3A_24 = tpu.memref_squeeze %dma_start3A_23 : memref<1x80x128xf32, #tpu.memory_space<vmem>> -> memref<80x128xf32, #tpu.memory_space<vmem>>
    %dma_start3A_25 = arith.constant 0 : i32
    %dma_start3A_26 = tpu.memref_slice %arg7[%dma_start3A_19, %dma_start3A_25] : memref<3x80xi32, #tpu.memory_space<vmem>> -> memref<1x80xi32, #tpu.memory_space<vmem>>
    %dma_start3A_27 = tpu.memref_squeeze %dma_start3A_26 : memref<1x80xi32, #tpu.memory_space<vmem>> -> memref<80xi32, #tpu.memory_space<vmem>>
    %dma_start3A_28 = arith.constant 0 : i32
    %dma_start3A_29 = arith.constant 0 : i32
    %dma_start3A_30 = tpu.memref_slice %arg2[%dma_start3A_28, %dma_start3A_29] : memref<10240x128xf32, #tpu.memory_space<hbm>> -> memref<10240x128xf32, #tpu.memory_space<hbm>>
    tpu.enqueue_indirect_dma source(%dma_start3A_30 : memref<10240x128xf32, #tpu.memory_space<hbm>>) target(%dma_start3A_24 : memref<80x128xf32, #tpu.memory_space<vmem>>) offsets(%dma_start3A_27 : memref<80xi32, #tpu.memory_space<vmem>>) semaphore(%arg11 : memref<!tpu.dma_semaphore, #tpu.memory_space<semaphore_mem>>)
    %mul3A_31 = arith.constant 640 : i32
    %mul3A_32 = arith.muli %arg1, %mul3A_31 : i32
    %mul3A_33 = arith.constant 640 : i32
    %mul3A_34 = arith.muli %arg1, %mul3A_33 : i32
    "tpu.region"() ({
      %run_scoped3A_57 = tpu.sem_alloc : memref<!tpu.dma_semaphore, #tpu.memory_space<semaphore_mem>>
      %dma_start3A_58 = arith.constant 0 : i32
      %dma_start3A_59 = tpu.memref_slice %arg10[%mul3A_34, %dma_start3A_58] : memref<10240x128xf32, #tpu.memory_space<vmem_shared>> -> memref<640x128xf32, #tpu.memory_space<vmem_shared>>
      %dma_start3A_60 = arith.constant 0 : i32
      %dma_start3A_61 = tpu.memref_slice %arg5[%mul3A_32, %dma_start3A_60] : memref<10240x128xf32, #tpu.memory_space<hbm>> -> memref<640x128xf32, #tpu.memory_space<hbm>>
      tpu.enqueue_dma source(%dma_start3A_61 : memref<640x128xf32, #tpu.memory_space<hbm>>) target(%dma_start3A_59 : memref<640x128xf32, #tpu.memory_space<vmem_shared>>) target_semaphore(%run_scoped3A_57 : memref<!tpu.dma_semaphore, #tpu.memory_space<semaphore_mem>>)
      %dma_wait3A_62 = arith.constant 0 : i32
      %dma_wait3A_63 = tpu.memref_slice %arg10[%mul3A_34, %dma_wait3A_62] : memref<10240x128xf32, #tpu.memory_space<vmem_shared>> -> memref<640x128xf32, #tpu.memory_space<vmem_shared>>
      %dma_wait3A_64 = arith.constant 0 : i32
      %dma_wait3A_65 = tpu.memref_slice %arg5[%mul3A_32, %dma_wait3A_64] : memref<10240x128xf32, #tpu.memory_space<hbm>> -> memref<640x128xf32, #tpu.memory_space<hbm>>
      tpu.wait_dma2 semaphore(%run_scoped3A_57 : memref<!tpu.dma_semaphore, #tpu.memory_space<semaphore_mem>>) src(%dma_wait3A_65 : memref<640x128xf32, #tpu.memory_space<hbm>>) dst(%dma_wait3A_63 : memref<640x128xf32, #tpu.memory_space<vmem_shared>>)
      tpu.yield
    }) : () -> ()
    %barrier3A = arith.constant 0 : index
    tpu.barrier barrier_id(%barrier3A)
    %scan3A = arith.constant 0 : i32
    %scan3A_35 = arith.constant 0 : i32
    %scan3A_36 = arith.constant 125 : i32
    %scan3A_37 = arith.addi %scan3A_35, %scan3A_36 : i32
    %scan3A_38 = arith.constant 1 : i32
    %scan3A_39 = scf.for %scan3A_57 = %scan3A_35 to %scan3A_37 step %scan3A_38 iter_args(%scan3A_58 = %scan3A) -> (i32)  : i32 {
      %rem3A_59 = arith.constant 3 : i32
      %rem3A_60 = arith.remsi %scan3A_57, %rem3A_59 : i32
      %add3A_61 = arith.constant 2 : i32
      %add3A_62 = arith.addi %scan3A_57, %add3A_61 : i32
      %rem3A_63 = arith.constant 3 : i32
      %rem3A_64 = arith.remsi %add3A_62, %rem3A_63 : i32
      %ge3A = arith.constant 1 : i32
      %ge3A_65 = arith.cmpi sge, %scan3A_57, %ge3A : i32
      %convert_element_type3A = arith.extui %ge3A_65 : i1 to i32
      %cond3A = arith.constant 0 : i32
      %cond3A_66 = arith.cmpi ne, %convert_element_type3A, %cond3A : i32
      scf.if %cond3A_66 {
        %dma_wait3A_101 = arith.constant 0 : i32
        %dma_wait3A_102 = arith.constant 0 : i32
        %dma_wait3A_103 = tpu.memref_slice %arg9[%rem3A_64, %dma_wait3A_101, %dma_wait3A_102] : memref<3x80x128xf32, #tpu.memory_space<vmem>> -> memref<1x80x128xf32, #tpu.memory_space<vmem>>
        %dma_wait3A_104 = tpu.memref_squeeze %dma_wait3A_103 : memref<1x80x128xf32, #tpu.memory_space<vmem>> -> memref<80x128xf32, #tpu.memory_space<vmem>>
        %dma_wait3A_105 = arith.constant 0 : i32
        %dma_wait3A_106 = tpu.memref_slice %arg8[%rem3A_64, %dma_wait3A_105] : memref<3x80xi32, #tpu.memory_space<vmem>> -> memref<1x80xi32, #tpu.memory_space<vmem>>
        %dma_wait3A_107 = tpu.memref_squeeze %dma_wait3A_106 : memref<1x80xi32, #tpu.memory_space<vmem>> -> memref<80xi32, #tpu.memory_space<vmem>>
        %dma_wait3A_108 = arith.constant 0 : i32
        %dma_wait3A_109 = arith.constant 0 : i32
        %dma_wait3A_110 = tpu.memref_slice %arg10[%dma_wait3A_108, %dma_wait3A_109] : memref<10240x128xf32, #tpu.memory_space<vmem_shared>> -> memref<10240x128xf32, #tpu.memory_space<vmem_shared>>
        tpu.wait_indirect_dma semaphore(%arg12 : memref<!tpu.dma_semaphore, #tpu.memory_space<semaphore_mem>>) src(%dma_wait3A_104 : memref<80x128xf32, #tpu.memory_space<vmem>>) dst(%dma_wait3A_110 : memref<10240x128xf32, #tpu.memory_space<vmem_shared>>)
      } else {
      }
      %add3A_67 = arith.constant 2 : i32
      %add3A_68 = arith.addi %scan3A_57, %add3A_67 : i32
      %lt3A = arith.constant 125 : i32
      %lt3A_69 = arith.cmpi slt, %add3A_68, %lt3A : i32
      %convert_element_type3A_70 = arith.extui %lt3A_69 : i1 to i32
      %cond3A_71 = arith.constant 0 : i32
      %cond3A_72 = arith.cmpi ne, %convert_element_type3A_70, %cond3A_71 : i32
      scf.if %cond3A_72 {
        %add3A_101 = arith.constant 2 : i32
        %add3A_102 = arith.addi %scan3A_57, %add3A_101 : i32
        %dma_start3A_103 = arith.constant 0 : i32
        %dma_start3A_104 = tpu.memref_slice %arg7[%rem3A_64, %dma_start3A_103] : memref<3x80xi32, #tpu.memory_space<vmem>> -> memref<1x80xi32, #tpu.memory_space<vmem>>
        %dma_start3A_105 = tpu.memref_squeeze %dma_start3A_104 : memref<1x80xi32, #tpu.memory_space<vmem>> -> memref<80xi32, #tpu.memory_space<vmem>>
        %dma_start3A_106 = arith.constant 0 : i32
        %dma_start3A_107 = tpu.memref_slice %arg3[%add3A, %add3A_102, %dma_start3A_106] : memref<32x125x80xi32, #tpu.memory_space<hbm>> -> memref<1x1x80xi32, #tpu.memory_space<hbm>>
        %dma_start3A_108 = tpu.memref_squeeze %dma_start3A_107 : memref<1x1x80xi32, #tpu.memory_space<hbm>> -> memref<80xi32, #tpu.memory_space<hbm>>
        %dma_start3A_109 = arith.constant 0 : i32
        %dma_start3A_110 = tpu.memref_slice %arg7[%rem3A_64, %dma_start3A_109] : memref<3x80xi32, #tpu.memory_space<vmem>> -> memref<1x80xi32, #tpu.memory_space<vmem>>
        %dma_start3A_111 = tpu.memref_squeeze %dma_start3A_110 : memref<1x80xi32, #tpu.memory_space<vmem>> -> memref<80xi32, #tpu.memory_space<vmem>>
        %dma_start3A_112 = arith.constant 0 : i32
        %dma_start3A_113 = tpu.memref_slice %arg3[%add3A, %add3A_102, %dma_start3A_112] : memref<32x125x80xi32, #tpu.memory_space<hbm>> -> memref<1x1x80xi32, #tpu.memory_space<hbm>>
        %dma_start3A_114 = tpu.memref_squeeze %dma_start3A_113 : memref<1x1x80xi32, #tpu.memory_space<hbm>> -> memref<80xi32, #tpu.memory_space<hbm>>
        tpu.enqueue_dma source(%dma_start3A_114 : memref<80xi32, #tpu.memory_space<hbm>>) target(%dma_start3A_111 : memref<80xi32, #tpu.memory_space<vmem>>) target_semaphore(%arg13 : memref<!tpu.dma_semaphore, #tpu.memory_space<semaphore_mem>>)
        %add3A_115 = arith.constant 2 : i32
        %add3A_116 = arith.addi %scan3A_57, %add3A_115 : i32
        %dma_start3A_117 = arith.constant 0 : i32
        %dma_start3A_118 = tpu.memref_slice %arg8[%rem3A_64, %dma_start3A_117] : memref<3x80xi32, #tpu.memory_space<vmem>> -> memref<1x80xi32, #tpu.memory_space<vmem>>
        %dma_start3A_119 = tpu.memref_squeeze %dma_start3A_118 : memref<1x80xi32, #tpu.memory_space<vmem>> -> memref<80xi32, #tpu.memory_space<vmem>>
        %dma_start3A_120 = arith.constant 0 : i32
        %dma_start3A_121 = tpu.memref_slice %arg4[%add3A, %add3A_116, %dma_start3A_120] : memref<32x125x80xi32, #tpu.memory_space<hbm>> -> memref<1x1x80xi32, #tpu.memory_space<hbm>>
        %dma_start3A_122 = tpu.memref_squeeze %dma_start3A_121 : memref<1x1x80xi32, #tpu.memory_space<hbm>> -> memref<80xi32, #tpu.memory_space<hbm>>
        %dma_start3A_123 = arith.constant 0 : i32
        %dma_start3A_124 = tpu.memref_slice %arg8[%rem3A_64, %dma_start3A_123] : memref<3x80xi32, #tpu.memory_space<vmem>> -> memref<1x80xi32, #tpu.memory_space<vmem>>
        %dma_start3A_125 = tpu.memref_squeeze %dma_start3A_124 : memref<1x80xi32, #tpu.memory_space<vmem>> -> memref<80xi32, #tpu.memory_space<vmem>>
        %dma_start3A_126 = arith.constant 0 : i32
        %dma_start3A_127 = tpu.memref_slice %arg4[%add3A, %add3A_116, %dma_start3A_126] : memref<32x125x80xi32, #tpu.memory_space<hbm>> -> memref<1x1x80xi32, #tpu.memory_space<hbm>>
        %dma_start3A_128 = tpu.memref_squeeze %dma_start3A_127 : memref<1x1x80xi32, #tpu.memory_space<hbm>> -> memref<80xi32, #tpu.memory_space<hbm>>
        tpu.enqueue_dma source(%dma_start3A_128 : memref<80xi32, #tpu.memory_space<hbm>>) target(%dma_start3A_125 : memref<80xi32, #tpu.memory_space<vmem>>) target_semaphore(%arg13 : memref<!tpu.dma_semaphore, #tpu.memory_space<semaphore_mem>>)
      } else {
      }
      %dma_wait3A_73 = arith.constant 0 : i32
      %dma_wait3A_74 = arith.constant 0 : i32
      %dma_wait3A_75 = tpu.memref_slice %arg9[%rem3A_60, %dma_wait3A_73, %dma_wait3A_74] : memref<3x80x128xf32, #tpu.memory_space<vmem>> -> memref<1x80x128xf32, #tpu.memory_space<vmem>>
      %dma_wait3A_76 = tpu.memref_squeeze %dma_wait3A_75 : memref<1x80x128xf32, #tpu.memory_space<vmem>> -> memref<80x128xf32, #tpu.memory_space<vmem>>
      %dma_wait3A_77 = arith.constant 0 : i32
      %dma_wait3A_78 = tpu.memref_slice %arg7[%rem3A_60, %dma_wait3A_77] : memref<3x80xi32, #tpu.memory_space<vmem>> -> memref<1x80xi32, #tpu.memory_space<vmem>>
      %dma_wait3A_79 = tpu.memref_squeeze %dma_wait3A_78 : memref<1x80xi32, #tpu.memory_space<vmem>> -> memref<80xi32, #tpu.memory_space<vmem>>
      %dma_wait3A_80 = arith.constant 0 : i32
      %dma_wait3A_81 = arith.constant 0 : i32
      %dma_wait3A_82 = tpu.memref_slice %arg2[%dma_wait3A_80, %dma_wait3A_81] : memref<10240x128xf32, #tpu.memory_space<hbm>> -> memref<10240x128xf32, #tpu.memory_space<hbm>>
      tpu.wait_indirect_dma semaphore(%arg11 : memref<!tpu.dma_semaphore, #tpu.memory_space<semaphore_mem>>) src(%dma_wait3A_82 : memref<10240x128xf32, #tpu.memory_space<hbm>>) dst(%dma_wait3A_76 : memref<80x128xf32, #tpu.memory_space<vmem>>)
      %add3A_83 = arith.constant 2 : i32
      %add3A_84 = arith.addi %scan3A_57, %add3A_83 : i32
      %lt3A_85 = arith.constant 125 : i32
      %lt3A_86 = arith.cmpi slt, %add3A_84, %lt3A_85 : i32
      %convert_element_type3A_87 = arith.extui %lt3A_86 : i1 to i32
      %cond3A_88 = arith.constant 0 : i32
      %cond3A_89 = arith.cmpi ne, %convert_element_type3A_87, %cond3A_88 : i32
      scf.if %cond3A_89 {
        %add3A_101 = arith.constant 2 : i32
        %add3A_102 = arith.addi %scan3A_57, %add3A_101 : i32
        %dma_wait3A_103 = arith.constant 0 : i32
        %dma_wait3A_104 = tpu.memref_slice %arg7[%rem3A_64, %dma_wait3A_103] : memref<3x80xi32, #tpu.memory_space<vmem>> -> memref<1x80xi32, #tpu.memory_space<vmem>>
        %dma_wait3A_105 = tpu.memref_squeeze %dma_wait3A_104 : memref<1x80xi32, #tpu.memory_space<vmem>> -> memref<80xi32, #tpu.memory_space<vmem>>
        %dma_wait3A_106 = arith.constant 0 : i32
        %dma_wait3A_107 = tpu.memref_slice %arg3[%add3A, %add3A_102, %dma_wait3A_106] : memref<32x125x80xi32, #tpu.memory_space<hbm>> -> memref<1x1x80xi32, #tpu.memory_space<hbm>>
        %dma_wait3A_108 = tpu.memref_squeeze %dma_wait3A_107 : memref<1x1x80xi32, #tpu.memory_space<hbm>> -> memref<80xi32, #tpu.memory_space<hbm>>
        %dma_wait3A_109 = arith.constant 0 : i32
        %dma_wait3A_110 = tpu.memref_slice %arg7[%rem3A_64, %dma_wait3A_109] : memref<3x80xi32, #tpu.memory_space<vmem>> -> memref<1x80xi32, #tpu.memory_space<vmem>>
        %dma_wait3A_111 = tpu.memref_squeeze %dma_wait3A_110 : memref<1x80xi32, #tpu.memory_space<vmem>> -> memref<80xi32, #tpu.memory_space<vmem>>
        %dma_wait3A_112 = arith.constant 0 : i32
        %dma_wait3A_113 = tpu.memref_slice %arg3[%add3A, %add3A_102, %dma_wait3A_112] : memref<32x125x80xi32, #tpu.memory_space<hbm>> -> memref<1x1x80xi32, #tpu.memory_space<hbm>>
        %dma_wait3A_114 = tpu.memref_squeeze %dma_wait3A_113 : memref<1x1x80xi32, #tpu.memory_space<hbm>> -> memref<80xi32, #tpu.memory_space<hbm>>
        tpu.wait_dma2 semaphore(%arg13 : memref<!tpu.dma_semaphore, #tpu.memory_space<semaphore_mem>>) src(%dma_wait3A_114 : memref<80xi32, #tpu.memory_space<hbm>>) dst(%dma_wait3A_111 : memref<80xi32, #tpu.memory_space<vmem>>)
        %add3A_115 = arith.constant 2 : i32
        %add3A_116 = arith.addi %scan3A_57, %add3A_115 : i32
        %dma_wait3A_117 = arith.constant 0 : i32
        %dma_wait3A_118 = tpu.memref_slice %arg8[%rem3A_64, %dma_wait3A_117] : memref<3x80xi32, #tpu.memory_space<vmem>> -> memref<1x80xi32, #tpu.memory_space<vmem>>
        %dma_wait3A_119 = tpu.memref_squeeze %dma_wait3A_118 : memref<1x80xi32, #tpu.memory_space<vmem>> -> memref<80xi32, #tpu.memory_space<vmem>>
        %dma_wait3A_120 = arith.constant 0 : i32
        %dma_wait3A_121 = tpu.memref_slice %arg4[%add3A, %add3A_116, %dma_wait3A_120] : memref<32x125x80xi32, #tpu.memory_space<hbm>> -> memref<1x1x80xi32, #tpu.memory_space<hbm>>
        %dma_wait3A_122 = tpu.memref_squeeze %dma_wait3A_121 : memref<1x1x80xi32, #tpu.memory_space<hbm>> -> memref<80xi32, #tpu.memory_space<hbm>>
        %dma_wait3A_123 = arith.constant 0 : i32
        %dma_wait3A_124 = tpu.memref_slice %arg8[%rem3A_64, %dma_wait3A_123] : memref<3x80xi32, #tpu.memory_space<vmem>> -> memref<1x80xi32, #tpu.memory_space<vmem>>
        %dma_wait3A_125 = tpu.memref_squeeze %dma_wait3A_124 : memref<1x80xi32, #tpu.memory_space<vmem>> -> memref<80xi32, #tpu.memory_space<vmem>>
        %dma_wait3A_126 = arith.constant 0 : i32
        %dma_wait3A_127 = tpu.memref_slice %arg4[%add3A, %add3A_116, %dma_wait3A_126] : memref<32x125x80xi32, #tpu.memory_space<hbm>> -> memref<1x1x80xi32, #tpu.memory_space<hbm>>
        %dma_wait3A_128 = tpu.memref_squeeze %dma_wait3A_127 : memref<1x1x80xi32, #tpu.memory_space<hbm>> -> memref<80xi32, #tpu.memory_space<hbm>>
        tpu.wait_dma2 semaphore(%arg13 : memref<!tpu.dma_semaphore, #tpu.memory_space<semaphore_mem>>) src(%dma_wait3A_128 : memref<80xi32, #tpu.memory_space<hbm>>) dst(%dma_wait3A_125 : memref<80xi32, #tpu.memory_space<vmem>>)
        %dma_start3A_129 = arith.constant 0 : i32
        %dma_start3A_130 = arith.constant 0 : i32
        %dma_start3A_131 = tpu.memref_slice %arg9[%rem3A_64, %dma_start3A_129, %dma_start3A_130] : memref<3x80x128xf32, #tpu.memory_space<vmem>> -> memref<1x80x128xf32, #tpu.memory_space<vmem>>
        %dma_start3A_132 = tpu.memref_squeeze %dma_start3A_131 : memref<1x80x128xf32, #tpu.memory_space<vmem>> -> memref<80x128xf32, #tpu.memory_space<vmem>>
        %dma_start3A_133 = arith.constant 0 : i32
        %dma_start3A_134 = tpu.memref_slice %arg7[%rem3A_64, %dma_start3A_133] : memref<3x80xi32, #tpu.memory_space<vmem>> -> memref<1x80xi32, #tpu.memory_space<vmem>>
        %dma_start3A_135 = tpu.memref_squeeze %dma_start3A_134 : memref<1x80xi32, #tpu.memory_space<vmem>> -> memref<80xi32, #tpu.memory_space<vmem>>
        %dma_start3A_136 = arith.constant 0 : i32
        %dma_start3A_137 = arith.constant 0 : i32
        %dma_start3A_138 = tpu.memref_slice %arg2[%dma_start3A_136, %dma_start3A_137] : memref<10240x128xf32, #tpu.memory_space<hbm>> -> memref<10240x128xf32, #tpu.memory_space<hbm>>
        tpu.enqueue_indirect_dma source(%dma_start3A_138 : memref<10240x128xf32, #tpu.memory_space<hbm>>) target(%dma_start3A_132 : memref<80x128xf32, #tpu.memory_space<vmem>>) offsets(%dma_start3A_135 : memref<80xi32, #tpu.memory_space<vmem>>) semaphore(%arg11 : memref<!tpu.dma_semaphore, #tpu.memory_space<semaphore_mem>>)
      } else {
      }
      %dma_start3A_90 = arith.constant 0 : i32
      %dma_start3A_91 = arith.constant 0 : i32
      %dma_start3A_92 = tpu.memref_slice %arg9[%rem3A_60, %dma_start3A_90, %dma_start3A_91] : memref<3x80x128xf32, #tpu.memory_space<vmem>> -> memref<1x80x128xf32, #tpu.memory_space<vmem>>
      %dma_start3A_93 = tpu.memref_squeeze %dma_start3A_92 : memref<1x80x128xf32, #tpu.memory_space<vmem>> -> memref<80x128xf32, #tpu.memory_space<vmem>>
      %dma_start3A_94 = arith.constant 0 : i32
      %dma_start3A_95 = tpu.memref_slice %arg8[%rem3A_60, %dma_start3A_94] : memref<3x80xi32, #tpu.memory_space<vmem>> -> memref<1x80xi32, #tpu.memory_space<vmem>>
      %dma_start3A_96 = tpu.memref_squeeze %dma_start3A_95 : memref<1x80xi32, #tpu.memory_space<vmem>> -> memref<80xi32, #tpu.memory_space<vmem>>
      %dma_start3A_97 = arith.constant 0 : i32
      %dma_start3A_98 = arith.constant 0 : i32
      %dma_start3A_99 = tpu.memref_slice %arg10[%dma_start3A_97, %dma_start3A_98] : memref<10240x128xf32, #tpu.memory_space<vmem_shared>> -> memref<10240x128xf32, #tpu.memory_space<vmem_shared>>
      tpu.enqueue_indirect_dma source(%dma_start3A_93 : memref<80x128xf32, #tpu.memory_space<vmem>>) target(%dma_start3A_99 : memref<10240x128xf32, #tpu.memory_space<vmem_shared>>) offsets(%dma_start3A_96 : memref<80xi32, #tpu.memory_space<vmem>>) semaphore(%arg12 : memref<!tpu.dma_semaphore, #tpu.memory_space<semaphore_mem>>) {add = true}
      %scan3A_100 = arith.constant 0 : i32
      scf.yield %scan3A_100 : i32
    }
    %scan3A_40 = arith.constant 125 : i32
    %rem3A = arith.constant 124 : i32
    %rem3A_41 = arith.constant 3 : i32
    %rem3A_42 = arith.remsi %rem3A, %rem3A_41 : i32
    %dma_wait3A = arith.constant 0 : i32
    %dma_wait3A_43 = arith.constant 0 : i32
    %dma_wait3A_44 = tpu.memref_slice %arg9[%rem3A_42, %dma_wait3A, %dma_wait3A_43] : memref<3x80x128xf32, #tpu.memory_space<vmem>> -> memref<1x80x128xf32, #tpu.memory_space<vmem>>
    %dma_wait3A_45 = tpu.memref_squeeze %dma_wait3A_44 : memref<1x80x128xf32, #tpu.memory_space<vmem>> -> memref<80x128xf32, #tpu.memory_space<vmem>>
    %dma_wait3A_46 = arith.constant 0 : i32
    %dma_wait3A_47 = tpu.memref_slice %arg8[%rem3A_42, %dma_wait3A_46] : memref<3x80xi32, #tpu.memory_space<vmem>> -> memref<1x80xi32, #tpu.memory_space<vmem>>
    %dma_wait3A_48 = tpu.memref_squeeze %dma_wait3A_47 : memref<1x80xi32, #tpu.memory_space<vmem>> -> memref<80xi32, #tpu.memory_space<vmem>>
    %dma_wait3A_49 = arith.constant 0 : i32
    %dma_wait3A_50 = arith.constant 0 : i32
    %dma_wait3A_51 = tpu.memref_slice %arg10[%dma_wait3A_49, %dma_wait3A_50] : memref<10240x128xf32, #tpu.memory_space<vmem_shared>> -> memref<10240x128xf32, #tpu.memory_space<vmem_shared>>
    tpu.wait_indirect_dma semaphore(%arg12 : memref<!tpu.dma_semaphore, #tpu.memory_space<semaphore_mem>>) src(%dma_wait3A_45 : memref<80x128xf32, #tpu.memory_space<vmem>>) dst(%dma_wait3A_51 : memref<10240x128xf32, #tpu.memory_space<vmem_shared>>)
    %barrier3A_52 = arith.constant 0 : index
    tpu.barrier barrier_id(%barrier3A_52)
    %mul3A_53 = arith.constant 640 : i32
    %mul3A_54 = arith.muli %arg1, %mul3A_53 : i32
    %mul3A_55 = arith.constant 640 : i32
    %mul3A_56 = arith.muli %arg1, %mul3A_55 : i32
    "tpu.region"() ({
      %run_scoped3A_57 = tpu.sem_alloc : memref<!tpu.dma_semaphore, #tpu.memory_space<semaphore_mem>>
      %dma_start3A_58 = arith.constant 0 : i32
      %dma_start3A_59 = tpu.memref_slice %arg6[%arg0, %mul3A_56, %dma_start3A_58] : memref<2x10240x128xf32, #tpu.memory_space<hbm>> -> memref<1x640x128xf32, #tpu.memory_space<hbm>>
      %dma_start3A_60 = tpu.memref_squeeze %dma_start3A_59 : memref<1x640x128xf32, #tpu.memory_space<hbm>> -> memref<640x128xf32, #tpu.memory_space<hbm>>
      %dma_start3A_61 = arith.constant 0 : i32
      %dma_start3A_62 = tpu.memref_slice %arg10[%mul3A_54, %dma_start3A_61] : memref<10240x128xf32, #tpu.memory_space<vmem_shared>> -> memref<640x128xf32, #tpu.memory_space<vmem_shared>>
      tpu.enqueue_dma source(%dma_start3A_62 : memref<640x128xf32, #tpu.memory_space<vmem_shared>>) target(%dma_start3A_60 : memref<640x128xf32, #tpu.memory_space<hbm>>) target_semaphore(%run_scoped3A_57 : memref<!tpu.dma_semaphore, #tpu.memory_space<semaphore_mem>>)
      %dma_wait3A_63 = arith.constant 0 : i32
      %dma_wait3A_64 = tpu.memref_slice %arg6[%arg0, %mul3A_56, %dma_wait3A_63] : memref<2x10240x128xf32, #tpu.memory_space<hbm>> -> memref<1x640x128xf32, #tpu.memory_space<hbm>>
      %dma_wait3A_65 = tpu.memref_squeeze %dma_wait3A_64 : memref<1x640x128xf32, #tpu.memory_space<hbm>> -> memref<640x128xf32, #tpu.memory_space<hbm>>
      %dma_wait3A_66 = arith.constant 0 : i32
      %dma_wait3A_67 = tpu.memref_slice %arg10[%mul3A_54, %dma_wait3A_66] : memref<10240x128xf32, #tpu.memory_space<vmem_shared>> -> memref<640x128xf32, #tpu.memory_space<vmem_shared>>
      tpu.wait_dma2 semaphore(%run_scoped3A_57 : memref<!tpu.dma_semaphore, #tpu.memory_space<semaphore_mem>>) src(%dma_wait3A_67 : memref<640x128xf32, #tpu.memory_space<vmem_shared>>) dst(%dma_wait3A_65 : memref<640x128xf32, #tpu.memory_space<hbm>>)
      tpu.yield
    }) : () -> ()
    return
  }
}

module attributes {stable_mosaic.version = 14 : i64} {
  func.func @_mid_body(%arg0: i32, %arg1: memref<2x1024x128xf32, #tpu.memory_space<vmem>>, %arg2: memref<1024x128xf32, #tpu.memory_space<vmem>>, %arg3: memref<1024x1xf32, #tpu.memory_space<vmem>>, %arg4: memref<1x128xf32, #tpu.memory_space<vmem>>, %arg5: memref<128x128xf32, #tpu.memory_space<vmem>>, %arg6: memref<1024x128xf32, #tpu.memory_space<vmem>>) attributes {dimension_semantics = [#tpu.dimension_semantics<arbitrary>], iteration_bounds = array<i64: 10>, scalar_prefetch = 0 : i64, scratch_operands = 0 : i64, tpu.core_type = #tpu.core_type<tc>, window_params = [{transform_indices = @transform_0, window_bounds = array<i64: 2, 1024, 128>}, {transform_indices = @transform_1, window_bounds = array<i64: 1024, 128>}, {transform_indices = @transform_2, window_bounds = array<i64: 1024, 1>}, {pipeline_mode = #tpu.pipeline_mode<synchronous>, transform_indices = @transform_3, window_bounds = array<i64: 1, 128>}, {pipeline_mode = #tpu.pipeline_mode<synchronous>, transform_indices = @transform_4, window_bounds = array<i64: 128, 128>}, {transform_indices = @transform_5, window_bounds = array<i64: 1024, 128>}]} {
    %get3A = arith.constant 0 : index
    %get3A_0 = arith.constant 0 : index
    %get3A_1 = arith.constant 0 : index
    %get3A_2 = vector.load %arg1[%get3A, %get3A_0, %get3A_1] : memref<2x1024x128xf32, #tpu.memory_space<vmem>>, vector<1x1024x128xf32>
    %get3A_3 = vector.shape_cast %get3A_2 : vector<1x1024x128xf32> to vector<1024x128xf32>
    %get3A_4 = arith.constant 1 : index
    %get3A_5 = arith.constant 0 : index
    %get3A_6 = arith.constant 0 : index
    %get3A_7 = vector.load %arg1[%get3A_4, %get3A_5, %get3A_6] : memref<2x1024x128xf32, #tpu.memory_space<vmem>>, vector<1x1024x128xf32>
    %get3A_8 = vector.shape_cast %get3A_7 : vector<1x1024x128xf32> to vector<1024x128xf32>
    %add3A = arith.addf %get3A_3, %get3A_8 : vector<1024x128xf32>
    %get3A_9 = arith.constant 0 : index
    %get3A_10 = arith.constant 0 : index
    %get3A_11 = vector.load %arg2[%get3A_9, %get3A_10] : memref<1024x128xf32, #tpu.memory_space<vmem>>, vector<1024x128xf32>
    %add3A_12 = arith.addf %add3A, %get3A_11 : vector<1024x128xf32>
    %get3A_13 = arith.constant 0 : index
    %get3A_14 = arith.constant 0 : index
    %get3A_15 = vector.load %arg3[%get3A_13, %get3A_14] : memref<1024x1xf32, #tpu.memory_space<vmem>>, vector<1024x1xf32>
    %mul3A = vector.broadcast %get3A_15 : vector<1024x1xf32> to vector<1024x128xf32>
    %mul3A_16 = arith.mulf %add3A_12, %mul3A : vector<1024x128xf32>
    %get3A_17 = arith.constant 0 : index
    %get3A_18 = arith.constant 0 : index
    %get3A_19 = vector.load %arg4[%get3A_17, %get3A_18] : memref<1x128xf32, #tpu.memory_space<vmem>>, vector<1x128xf32>
    %add3A_20 = vector.broadcast %get3A_19 : vector<1x128xf32> to vector<1024x128xf32>
    %add3A_21 = arith.addf %mul3A_16, %add3A_20 : vector<1024x128xf32>
    %max3A = arith.constant 0.000000e+00 : f32
    %max3A_22 = vector.broadcast %max3A : f32 to vector<1024x128xf32>
    %max3A_23 = arith.maximumf %add3A_21, %max3A_22 : vector<1024x128xf32>
    %get3A_24 = arith.constant 0 : index
    %get3A_25 = arith.constant 0 : index
    %get3A_26 = vector.load %arg5[%get3A_24, %get3A_25] : memref<128x128xf32, #tpu.memory_space<vmem>>, vector<128x128xf32>
    %dot_general3A = arith.constant dense<0.000000e+00> : vector<1024x128xf32>
    %dot_general3A_27 = tpu.matmul %max3A_23, %get3A_26, %dot_general3A {dimension_numbers = #tpu.dot_dimension_numbers<[1], [0], [0], [1], [0, 0, 1, 1], [], []>, transpose_lhs_hint = false} : vector<1024x128xf32>, vector<128x128xf32>, vector<1024x128xf32> -> vector<1024x128xf32>
    %get3A_28 = arith.constant 0 : index
    %get3A_29 = arith.constant 0 : index
    %get3A_30 = vector.load %arg3[%get3A_28, %get3A_29] : memref<1024x1xf32, #tpu.memory_space<vmem>>, vector<1024x1xf32>
    %mul3A_31 = vector.broadcast %get3A_30 : vector<1024x1xf32> to vector<1024x128xf32>
    %mul3A_32 = arith.mulf %dot_general3A_27, %mul3A_31 : vector<1024x128xf32>
    %swap3A = arith.constant 0 : index
    %swap3A_33 = arith.constant 0 : index
    %swap3A_34 = vector.load %arg6[%swap3A, %swap3A_33] : memref<1024x128xf32, #tpu.memory_space<vmem>>, vector<1024x128xf32>
    tpu.vector_store %arg6[%swap3A, %swap3A_33], %mul3A_32 {strides = array<i32>} : memref<1024x128xf32, #tpu.memory_space<vmem>>, vector<1024x128xf32>,
    return
  }
  func.func @transform_0(%arg0: i32) -> (i32, i32, i32) {
    %c0_i32 = arith.constant 0 : i32
    %c0_i32_0 = arith.constant 0 : i32
    %c0_i32_1 = arith.constant 0 : i32
    return %c0_i32, %arg0, %c0_i32_0 : i32, i32, i32
  }
  func.func @transform_1(%arg0: i32) -> (i32, i32) {
    %c0_i32 = arith.constant 0 : i32
    %c0_i32_0 = arith.constant 0 : i32
    return %arg0, %c0_i32 : i32, i32
  }
  func.func @transform_2(%arg0: i32) -> (i32, i32) {
    %c0_i32 = arith.constant 0 : i32
    %c0_i32_0 = arith.constant 0 : i32
    return %arg0, %c0_i32 : i32, i32
  }
  func.func @transform_3(%arg0: i32) -> (i32, i32) {
    %c0_i32 = arith.constant 0 : i32
    %c0_i32_0 = arith.constant 0 : i32
    %c0_i32_1 = arith.constant 0 : i32
    return %c0_i32, %c0_i32_0 : i32, i32
  }
  func.func @transform_4(%arg0: i32) -> (i32, i32) {
    %c0_i32 = arith.constant 0 : i32
    %c0_i32_0 = arith.constant 0 : i32
    %c0_i32_1 = arith.constant 0 : i32
    return %c0_i32, %c0_i32_0 : i32, i32
  }
  func.func @transform_5(%arg0: i32) -> (i32, i32) {
    %c0_i32 = arith.constant 0 : i32
    %c0_i32_0 = arith.constant 0 : i32
    return %arg0, %c0_i32 : i32, i32
  }
}

module attributes {stable_mosaic.version = 14 : i64} {
  func.func @_first_body(%arg0: i32, %arg1: memref<1024x128xf32, #tpu.memory_space<vmem>>, %arg2: memref<128x128xf32, #tpu.memory_space<vmem>>, %arg3: memref<2x1024x128xf32, #tpu.memory_space<vmem>>, %arg4: memref<1024x128xf32, #tpu.memory_space<vmem>>, %arg5: memref<1024x1xf32, #tpu.memory_space<vmem>>) attributes {dimension_semantics = [#tpu.dimension_semantics<arbitrary>], iteration_bounds = array<i64: 10>, scalar_prefetch = 0 : i64, scratch_operands = 0 : i64, tpu.core_type = #tpu.core_type<tc>, window_params = [{transform_indices = @transform_0, window_bounds = array<i64: 1024, 128>}, {pipeline_mode = #tpu.pipeline_mode<synchronous>, transform_indices = @transform_1, window_bounds = array<i64: 128, 128>}, {transform_indices = @transform_2, window_bounds = array<i64: 2, 1024, 128>}, {transform_indices = @transform_3, window_bounds = array<i64: 1024, 128>}, {transform_indices = @transform_4, window_bounds = array<i64: 1024, 1>}]} {
    %get3A = arith.constant 0 : index
    %get3A_0 = arith.constant 0 : index
    %get3A_1 = arith.constant 0 : index
    %get3A_2 = vector.load %arg3[%get3A, %get3A_0, %get3A_1] : memref<2x1024x128xf32, #tpu.memory_space<vmem>>, vector<1x1024x128xf32>
    %get3A_3 = vector.shape_cast %get3A_2 : vector<1x1024x128xf32> to vector<1024x128xf32>
    %slice3A = vector.extract_strided_slice %get3A_3 {offsets = [0, 0], sizes = [1024, 1], strides = [1, 1]} : vector<1024x128xf32> to vector<1024x1xf32>
    %get3A_4 = arith.constant 1 : index
    %get3A_5 = arith.constant 0 : index
    %get3A_6 = arith.constant 0 : index
    %get3A_7 = vector.load %arg3[%get3A_4, %get3A_5, %get3A_6] : memref<2x1024x128xf32, #tpu.memory_space<vmem>>, vector<1x1024x128xf32>
    %get3A_8 = vector.shape_cast %get3A_7 : vector<1x1024x128xf32> to vector<1024x128xf32>
    %slice3A_9 = vector.extract_strided_slice %get3A_8 {offsets = [0, 0], sizes = [1024, 1], strides = [1, 1]} : vector<1024x128xf32> to vector<1024x1xf32>
    %add3A = arith.addf %slice3A, %slice3A_9 : vector<1024x1xf32>
    %add3A_10 = arith.constant 1.000000e+00 : f32
    %add3A_11 = vector.broadcast %add3A_10 : f32 to vector<1024x1xf32>
    %add3A_12 = arith.addf %add3A, %add3A_11 : vector<1024x1xf32>
    %rsqrt3A = math.rsqrt %add3A_12 : vector<1024x1xf32>
    %get3A_13 = arith.constant 0 : index
    %get3A_14 = arith.constant 0 : index
    %get3A_15 = vector.load %arg1[%get3A_13, %get3A_14] : memref<1024x128xf32, #tpu.memory_space<vmem>>, vector<1024x128xf32>
    %get3A_16 = arith.constant 0 : index
    %get3A_17 = arith.constant 0 : index
    %get3A_18 = vector.load %arg2[%get3A_16, %get3A_17] : memref<128x128xf32, #tpu.memory_space<vmem>>, vector<128x128xf32>
    %dot_general3A = arith.constant dense<0.000000e+00> : vector<1024x128xf32>
    %dot_general3A_19 = tpu.matmul %get3A_15, %get3A_18, %dot_general3A {dimension_numbers = #tpu.dot_dimension_numbers<[1], [0], [0], [1], [0, 0, 1, 1], [], []>, transpose_lhs_hint = false} : vector<1024x128xf32>, vector<128x128xf32>, vector<1024x128xf32> -> vector<1024x128xf32>
    %mul3A = vector.broadcast %rsqrt3A : vector<1024x1xf32> to vector<1024x128xf32>
    %mul3A_20 = arith.mulf %dot_general3A_19, %mul3A : vector<1024x128xf32>
    %swap3A = arith.constant 0 : index
    %swap3A_21 = arith.constant 0 : index
    %swap3A_22 = vector.load %arg4[%swap3A, %swap3A_21] : memref<1024x128xf32, #tpu.memory_space<vmem>>, vector<1024x128xf32>
    tpu.vector_store %arg4[%swap3A, %swap3A_21], %mul3A_20 {strides = array<i32>} : memref<1024x128xf32, #tpu.memory_space<vmem>>, vector<1024x128xf32>,
    %swap3A_23 = arith.constant 0 : index
    %swap3A_24 = arith.constant 0 : index
    %swap3A_25 = vector.load %arg5[%swap3A_23, %swap3A_24] : memref<1024x1xf32, #tpu.memory_space<vmem>>, vector<1024x1xf32>
    tpu.vector_store %arg5[%swap3A_23, %swap3A_24], %rsqrt3A {strides = array<i32>} : memref<1024x1xf32, #tpu.memory_space<vmem>>, vector<1024x1xf32>,
    return
  }
  func.func @transform_0(%arg0: i32) -> (i32, i32) {
    %c0_i32 = arith.constant 0 : i32
    %c0_i32_0 = arith.constant 0 : i32
    return %arg0, %c0_i32 : i32, i32
  }
  func.func @transform_1(%arg0: i32) -> (i32, i32) {
    %c0_i32 = arith.constant 0 : i32
    %c0_i32_0 = arith.constant 0 : i32
    %c0_i32_1 = arith.constant 0 : i32
    return %c0_i32, %c0_i32_0 : i32, i32
  }
  func.func @transform_2(%arg0: i32) -> (i32, i32, i32) {
    %c0_i32 = arith.constant 0 : i32
    %c0_i32_0 = arith.constant 0 : i32
    %c0_i32_1 = arith.constant 0 : i32
    return %c0_i32, %arg0, %c0_i32_0 : i32, i32, i32
  }
  func.func @transform_3(%arg0: i32) -> (i32, i32) {
    %c0_i32 = arith.constant 0 : i32
    %c0_i32_0 = arith.constant 0 : i32
    return %arg0, %c0_i32 : i32, i32
  }
  func.func @transform_4(%arg0: i32) -> (i32, i32) {
    %c0_i32 = arith.constant 0 : i32
    %c0_i32_0 = arith.constant 0 : i32
    return %arg0, %c0_i32 : i32, i32
  }
}

module attributes {stable_mosaic.version = 14 : i64} {
  func.func @_head_body(%arg0: i32, %arg1: memref<2x1024x128xf32, #tpu.memory_space<vmem>>, %arg2: memref<1024x128xf32, #tpu.memory_space<vmem>>, %arg3: memref<1024x1xf32, #tpu.memory_space<vmem>>, %arg4: memref<1x128xf32, #tpu.memory_space<vmem>>, %arg5: memref<128x128xf32, #tpu.memory_space<vmem>>, %arg6: memref<1x128xf32, #tpu.memory_space<vmem>>, %arg7: memref<128x128xf32, #tpu.memory_space<vmem>>, %arg8: memref<1x128xf32, #tpu.memory_space<vmem>>, %arg9: memref<128x16xf32, #tpu.memory_space<vmem>>, %arg10: memref<1x16xf32, #tpu.memory_space<vmem>>, %arg11: memref<1024x16xf32, #tpu.memory_space<vmem>>) attributes {dimension_semantics = [#tpu.dimension_semantics<arbitrary>], iteration_bounds = array<i64: 10>, scalar_prefetch = 0 : i64, scratch_operands = 0 : i64, tpu.core_type = #tpu.core_type<tc>, window_params = [{transform_indices = @transform_0, window_bounds = array<i64: 2, 1024, 128>}, {transform_indices = @transform_1, window_bounds = array<i64: 1024, 128>}, {transform_indices = @transform_2, window_bounds = array<i64: 1024, 1>}, {pipeline_mode = #tpu.pipeline_mode<synchronous>, transform_indices = @transform_3, window_bounds = array<i64: 1, 128>}, {pipeline_mode = #tpu.pipeline_mode<synchronous>, transform_indices = @transform_4, window_bounds = array<i64: 128, 128>}, {pipeline_mode = #tpu.pipeline_mode<synchronous>, transform_indices = @transform_5, window_bounds = array<i64: 1, 128>}, {pipeline_mode = #tpu.pipeline_mode<synchronous>, transform_indices = @transform_6, window_bounds = array<i64: 128, 128>}, {pipeline_mode = #tpu.pipeline_mode<synchronous>, transform_indices = @transform_7, window_bounds = array<i64: 1, 128>}, {pipeline_mode = #tpu.pipeline_mode<synchronous>, transform_indices = @transform_8, window_bounds = array<i64: 128, 16>}, {pipeline_mode = #tpu.pipeline_mode<synchronous>, transform_indices = @transform_9, window_bounds = array<i64: 1, 16>}, {transform_indices = @transform_10, window_bounds = array<i64: 1024, 16>}]} {
    %get3A = arith.constant 0 : index
    %get3A_0 = arith.constant 0 : index
    %get3A_1 = arith.constant 0 : index
    %get3A_2 = vector.load %arg1[%get3A, %get3A_0, %get3A_1] : memref<2x1024x128xf32, #tpu.memory_space<vmem>>, vector<1x1024x128xf32>
    %get3A_3 = vector.shape_cast %get3A_2 : vector<1x1024x128xf32> to vector<1024x128xf32>
    %get3A_4 = arith.constant 1 : index
    %get3A_5 = arith.constant 0 : index
    %get3A_6 = arith.constant 0 : index
    %get3A_7 = vector.load %arg1[%get3A_4, %get3A_5, %get3A_6] : memref<2x1024x128xf32, #tpu.memory_space<vmem>>, vector<1x1024x128xf32>
    %get3A_8 = vector.shape_cast %get3A_7 : vector<1x1024x128xf32> to vector<1024x128xf32>
    %add3A = arith.addf %get3A_3, %get3A_8 : vector<1024x128xf32>
    %get3A_9 = arith.constant 0 : index
    %get3A_10 = arith.constant 0 : index
    %get3A_11 = vector.load %arg2[%get3A_9, %get3A_10] : memref<1024x128xf32, #tpu.memory_space<vmem>>, vector<1024x128xf32>
    %add3A_12 = arith.addf %add3A, %get3A_11 : vector<1024x128xf32>
    %get3A_13 = arith.constant 0 : index
    %get3A_14 = arith.constant 0 : index
    %get3A_15 = vector.load %arg3[%get3A_13, %get3A_14] : memref<1024x1xf32, #tpu.memory_space<vmem>>, vector<1024x1xf32>
    %mul3A = vector.broadcast %get3A_15 : vector<1024x1xf32> to vector<1024x128xf32>
    %mul3A_16 = arith.mulf %add3A_12, %mul3A : vector<1024x128xf32>
    %get3A_17 = arith.constant 0 : index
    %get3A_18 = arith.constant 0 : index
    %get3A_19 = vector.load %arg4[%get3A_17, %get3A_18] : memref<1x128xf32, #tpu.memory_space<vmem>>, vector<1x128xf32>
    %add3A_20 = vector.broadcast %get3A_19 : vector<1x128xf32> to vector<1024x128xf32>
    %add3A_21 = arith.addf %mul3A_16, %add3A_20 : vector<1024x128xf32>
    %max3A = arith.constant 0.000000e+00 : f32
    %max3A_22 = vector.broadcast %max3A : f32 to vector<1024x128xf32>
    %max3A_23 = arith.maximumf %add3A_21, %max3A_22 : vector<1024x128xf32>
    %get3A_24 = arith.constant 0 : index
    %get3A_25 = arith.constant 0 : index
    %get3A_26 = vector.load %arg5[%get3A_24, %get3A_25] : memref<128x128xf32, #tpu.memory_space<vmem>>, vector<128x128xf32>
    %dot_general3A = arith.constant dense<0.000000e+00> : vector<1024x128xf32>
    %dot_general3A_27 = tpu.matmul %max3A_23, %get3A_26, %dot_general3A {dimension_numbers = #tpu.dot_dimension_numbers<[1], [0], [0], [1], [0, 0, 1, 1], [], []>, transpose_lhs_hint = false} : vector<1024x128xf32>, vector<128x128xf32>, vector<1024x128xf32> -> vector<1024x128xf32>
    %get3A_28 = arith.constant 0 : index
    %get3A_29 = arith.constant 0 : index
    %get3A_30 = vector.load %arg6[%get3A_28, %get3A_29] : memref<1x128xf32, #tpu.memory_space<vmem>>, vector<1x128xf32>
    %add3A_31 = vector.broadcast %get3A_30 : vector<1x128xf32> to vector<1024x128xf32>
    %add3A_32 = arith.addf %dot_general3A_27, %add3A_31 : vector<1024x128xf32>
    %max3A_33 = arith.constant 0.000000e+00 : f32
    %max3A_34 = vector.broadcast %max3A_33 : f32 to vector<1024x128xf32>
    %max3A_35 = arith.maximumf %add3A_32, %max3A_34 : vector<1024x128xf32>
    %get3A_36 = arith.constant 0 : index
    %get3A_37 = arith.constant 0 : index
    %get3A_38 = vector.load %arg7[%get3A_36, %get3A_37] : memref<128x128xf32, #tpu.memory_space<vmem>>, vector<128x128xf32>
    %dot_general3A_39 = arith.constant dense<0.000000e+00> : vector<1024x128xf32>
    %dot_general3A_40 = tpu.matmul %max3A_35, %get3A_38, %dot_general3A_39 {dimension_numbers = #tpu.dot_dimension_numbers<[1], [0], [0], [1], [0, 0, 1, 1], [], []>, transpose_lhs_hint = false} : vector<1024x128xf32>, vector<128x128xf32>, vector<1024x128xf32> -> vector<1024x128xf32>
    %get3A_41 = arith.constant 0 : index
    %get3A_42 = arith.constant 0 : index
    %get3A_43 = vector.load %arg8[%get3A_41, %get3A_42] : memref<1x128xf32, #tpu.memory_space<vmem>>, vector<1x128xf32>
    %add3A_44 = vector.broadcast %get3A_43 : vector<1x128xf32> to vector<1024x128xf32>
    %add3A_45 = arith.addf %dot_general3A_40, %add3A_44 : vector<1024x128xf32>
    %max3A_46 = arith.constant 0.000000e+00 : f32
    %max3A_47 = vector.broadcast %max3A_46 : f32 to vector<1024x128xf32>
    %max3A_48 = arith.maximumf %add3A_45, %max3A_47 : vector<1024x128xf32>
    %get3A_49 = arith.constant 0 : index
    %get3A_50 = arith.constant 0 : index
    %get3A_51 = vector.load %arg9[%get3A_49, %get3A_50] : memref<128x16xf32, #tpu.memory_space<vmem>>, vector<128x16xf32>
    %dot_general3A_52 = arith.constant dense<0.000000e+00> : vector<1024x16xf32>
    %dot_general3A_53 = tpu.matmul %max3A_48, %get3A_51, %dot_general3A_52 {dimension_numbers = #tpu.dot_dimension_numbers<[1], [0], [0], [1], [0, 0, 1, 1], [], []>, transpose_lhs_hint = false} : vector<1024x128xf32>, vector<128x16xf32>, vector<1024x16xf32> -> vector<1024x16xf32>
    %get3A_54 = arith.constant 0 : index
    %get3A_55 = arith.constant 0 : index
    %get3A_56 = vector.load %arg10[%get3A_54, %get3A_55] : memref<1x16xf32, #tpu.memory_space<vmem>>, vector<1x16xf32>
    %add3A_57 = vector.broadcast %get3A_56 : vector<1x16xf32> to vector<1024x16xf32>
    %add3A_58 = arith.addf %dot_general3A_53, %add3A_57 : vector<1024x16xf32>
    %reduce_max3A = arith.constant dense<0xFF800000> : vector<1024xf32>
    %reduce_max3A_59 = vector.multi_reduction <maximumf>, %add3A_58, %reduce_max3A [1] : vector<1024x16xf32> to vector<1024xf32>
    %broadcast_in_dim3A = vector.shape_cast %reduce_max3A_59 : vector<1024xf32> to vector<1024x1xf32>
    %sub3A = vector.broadcast %broadcast_in_dim3A : vector<1024x1xf32> to vector<1024x16xf32>
    %sub3A_60 = arith.subf %add3A_58, %sub3A : vector<1024x16xf32>
    %exp3A = math.exp %sub3A_60 : vector<1024x16xf32>
    %reduce_sum3A = arith.constant dense<0.000000e+00> : vector<1024xf32>
    %reduce_sum3A_61 = vector.multi_reduction <add>, %exp3A, %reduce_sum3A [1] : vector<1024x16xf32> to vector<1024xf32>
    %broadcast_in_dim3A_62 = vector.shape_cast %reduce_sum3A_61 : vector<1024xf32> to vector<1024x1xf32>
    %log3A = math.log %broadcast_in_dim3A_62 : vector<1024x1xf32>
    %sub3A_63 = vector.broadcast %log3A : vector<1024x1xf32> to vector<1024x16xf32>
    %sub3A_64 = arith.subf %sub3A_60, %sub3A_63 : vector<1024x16xf32>
    %swap3A = arith.constant 0 : index
    %swap3A_65 = arith.constant 0 : index
    %swap3A_66 = vector.load %arg11[%swap3A, %swap3A_65] : memref<1024x16xf32, #tpu.memory_space<vmem>>, vector<1024x16xf32>
    tpu.vector_store %arg11[%swap3A, %swap3A_65], %sub3A_64 {strides = array<i32>} : memref<1024x16xf32, #tpu.memory_space<vmem>>, vector<1024x16xf32>,
    return
  }
  func.func @transform_0(%arg0: i32) -> (i32, i32, i32) {
    %c0_i32 = arith.constant 0 : i32
    %c0_i32_0 = arith.constant 0 : i32
    %c0_i32_1 = arith.constant 0 : i32
    return %c0_i32, %arg0, %c0_i32_0 : i32, i32, i32
  }
  func.func @transform_1(%arg0: i32) -> (i32, i32) {
    %c0_i32 = arith.constant 0 : i32
    %c0_i32_0 = arith.constant 0 : i32
    return %arg0, %c0_i32 : i32, i32
  }
  func.func @transform_2(%arg0: i32) -> (i32, i32) {
    %c0_i32 = arith.constant 0 : i32
    %c0_i32_0 = arith.constant 0 : i32
    return %arg0, %c0_i32 : i32, i32
  }
  func.func @transform_3(%arg0: i32) -> (i32, i32) {
    %c0_i32 = arith.constant 0 : i32
    %c0_i32_0 = arith.constant 0 : i32
    %c0_i32_1 = arith.constant 0 : i32
    return %c0_i32, %c0_i32_0 : i32, i32
  }
  func.func @transform_4(%arg0: i32) -> (i32, i32) {
    %c0_i32 = arith.constant 0 : i32
    %c0_i32_0 = arith.constant 0 : i32
    %c0_i32_1 = arith.constant 0 : i32
    return %c0_i32, %c0_i32_0 : i32, i32
  }
  func.func @transform_5(%arg0: i32) -> (i32, i32) {
    %c0_i32 = arith.constant 0 : i32
    %c0_i32_0 = arith.constant 0 : i32
    %c0_i32_1 = arith.constant 0 : i32
    return %c0_i32, %c0_i32_0 : i32, i32
  }
  func.func @transform_6(%arg0: i32) -> (i32, i32) {
    %c0_i32 = arith.constant 0 : i32
    %c0_i32_0 = arith.constant 0 : i32
    %c0_i32_1 = arith.constant 0 : i32
    return %c0_i32, %c0_i32_0 : i32, i32
  }
  func.func @transform_7(%arg0: i32) -> (i32, i32) {
    %c0_i32 = arith.constant 0 : i32
    %c0_i32_0 = arith.constant 0 : i32
    %c0_i32_1 = arith.constant 0 : i32
    return %c0_i32, %c0_i32_0 : i32, i32
  }
  func.func @transform_8(%arg0: i32) -> (i32, i32) {
    %c0_i32 = arith.constant 0 : i32
    %c0_i32_0 = arith.constant 0 : i32
    %c0_i32_1 = arith.constant 0 : i32
    return %c0_i32, %c0_i32_0 : i32, i32
  }
  func.func @transform_9(%arg0: i32) -> (i32, i32) {
    %c0_i32 = arith.constant 0 : i32
    %c0_i32_0 = arith.constant 0 : i32
    %c0_i32_1 = arith.constant 0 : i32
    return %c0_i32, %c0_i32_0 : i32, i32
  }
  func.func @transform_10(%arg0: i32) -> (i32, i32) {
    %c0_i32 = arith.constant 0 : i32
    %c0_i32_0 = arith.constant 0 : i32
    return %arg0, %c0_i32 : i32, i32
  }
}

</mosaic_0001>

<sc_bundles>
// kernel: kernel.10.cloned.1.call-start
scs
__scs_entry_jumppad:
0x0: {  	(pc) =	sbr.rel $0x88, $3  }
0x1: {  	(tag) =	ssettag $0x0;
	lr =	simm.s32 $0x1  }
0x2: {  	[smem:$0x3F93] =	sst lr;
	_ =	strace $0xD0000000  }
0x3: {  	_ = 	snop  }
0x4: {  	_ = 	snop  }
0x5: {  	_ = 	snop  }
0x6: {  	_ = 	snop  }
0x7: {  	_ = 	snop  }
__scs_overlays_trampoline_lowered:
0x8: {  	[smem:$0x3FA2] =	sst s0  }
0x9: {  	[smem:$0x3FA3] =	sst s1  }
0xa: {  	[smem:$0x3FA4] =	sst s2  }
0xb: {  	[smem:$0x3FA5] =	sst s3  }
0xc: {  	[smem:$0x3FA6] =	sst s4  }
0xd: {  	[smem:$0x3FA7] =	sst s5  }
0xe: {  	[smem:$0x3FA8] =	sst s6  }
0xf: {  	[smem:$0x3FA9] =	sst s7  }
0x10: {  	[smem:$0x3FAA] =	sst s8  }
0x11: {  	[smem:$0x3FAB] =	sst s9;
	s0 =	simm.s32 @!p0 $0x0  }
0x12: {  	s1 =	sld [smem:$0x3F91];
	s0 =	simm.s32 @p0 $0x1  }
0x13: {  	[smem:$0x3FAC] =	sst s0;
	s0 =	simm.s32 @!p1 $0x0  }
0x14: {  	s2 =	sld [smem:$0x3F90];
	s0 =	simm.s32 @p1 $0x1  }
0x15: {  	[smem:$0x3FAD] =	sst s0;
	s0 =	simm.s32 @!p2 $0x0  }
0x16: {  	s3 =	sld [smem:$0x3FDB];
	s0 =	simm.s32 @p2 $0x1  }
0x17: {  	s4 =	simm.s32 $0x1BF5;
	[smem:$0x3FAF] =	sst s0  }
0x18: {  	s0 =	sld [smem:$0x3F92];
	_ =	swait.ge [sflag:s4], $0x0  }
0x19: {  	s7 =	sld [smem:$0x3F93]  }
0x1a: {  	s8 =	sadd.s32 $0xFFFFE003, lr  }
0x1b: {  	s9 =	sadd.s32 $0xFFFFFEF7, lr;
	s5 =	simm.s32 $0xFFFFFFFF;
	p2 =	slt.u32 s8, $0xFFFFF086  }
0x1c: {  	p1 =	slt.u32 s9, $0xF7A;
	s5 =	simm.s32 @!p2 $0x0  }
0x1d: {  	s5 =	simm.s32 @p1 $0x1;
	p0 =	seq.s32 s7, s2  }
0x1e: {  	s7 =	smul.u32 @!p0 $0xF7A, s2;
	p2 =	seq.s32 @!p0 s5, $0x0  }
0x1f: {  	s9 =	smul.u32 $0xF7A, s1;
	s8 =	simm.s32 @!p0 $0x1BF5;
	p2 =	por !p2, p0  }
0x20: {  	[sflag:s8] =	ssyncset.s32 @!p0 $0xFFFFF086;
	s6 =	sadd.s32 @!p0 s3, s7;
	s7 =	simm.s32 @!p0 $0x108  }
0x21: {  	s3 =	sadd.s32 s3, s9;
	s6 =	sadd.s32 @!p0 $0x88, s6;
	s7 =	simm.s32 @p2 $0x1082  }
0x22: {  	[simem:s7], [sflag:s8] =	dma.local @!p0 [hbm:s6], $0xF7A  }
0x23: {  	s9 =	sor.u32 $0xD0000000, s2;
	s6 =	simm.s32 $0x108;
	_ =	swait.ge @!p0 [sflag:s8], $0x0  }
0x24: {  	s3 =	sadd.s32 $0x88, s3;
	s6 =	simm.s32 @!p1 $0x1082;
	[sflag:s4] =	ssyncset.s32 $0xFFFFF086  }
0x25: {  	[simem:s6], [sflag:s4] =	dma.local [hbm:s3], $0xF7A  }
0x26: {  	[smem:$0x3F93] =	sst s1;
	(tag) =	ssettag s2;
	_ =	strace s9  }
0x27: {  	s1 =	sld [smem:$0x3FA3]  }
0x28: {  	s2 =	sld [smem:$0x3FA4]  }
0x29: {  	s4 =	sld [smem:$0x3FA6]  }
0x2a: {  	p0 =	seq.s32 s5, $0x0;
	s5 =	sld [smem:$0x3FA7]  }
0x2b: {  	s6 =	sld [smem:$0x3FA8]  }
0x2c: {  	s7 =	sld [smem:$0x3FA9]  }
0x2d: {  	s3 =	simm.s32 $0x108;
	s8 =	sld [smem:$0x3FAA]  }
0x2e: {  	s3 =	simm.s32 @!p0 $0x1082;
	s9 =	sld [smem:$0x3FAB]  }
0x2f: {  	lr =	sadd.s32 s0, s3;
	s0 =	sld [smem:$0x3FA2]  }
0x30: {  	s3 =	sld [smem:$0x3FA5]  }
0x31: {  	[smem:$0x3FAE] =	sst s10  }
0x32: {  	s10 =	sld [smem:$0x3FAC];
	_ =	sdelay $0x3  }
0x33: {  	p0 =	seq.s32 s10, $0x1;
	s10 =	sld [smem:$0x3FAE];
	_ =	sdelay $0x3  }
0x34: {  	[smem:$0x3FAE] =	sst s10  }
0x35: {  	s10 =	sld [smem:$0x3FAD];
	_ =	sdelay $0x3  }
0x36: {  	p1 =	seq.s32 s10, $0x1;
	s10 =	sld [smem:$0x3FAE];
	_ =	sdelay $0x3  }
0x37: {  	[smem:$0x3FAE] =	sst s10  }
0x38: {  	s10 =	sld [smem:$0x3FAF]  }
0x39: {  	_ = 	snop;
	(pc) =	sbr.ind lr, $3  }
0x3a: {  	_ = 	snop  }
0x3b: {  	_ = 	snop  }
0x3c: {  	p2 =	seq.s32 s10, $0x1;
	s10 =	sld [smem:$0x3FAE]  }
0x3d: {  	_ =	shalt  }
0x3e: {  	_ =	shalt  }
0x3f: {  	_ =	shalt  }
0x40: {  	_ =	shalt  }
0x41: {  	_ =	shalt  }
0x42: {  	_ =	shalt  }
0x43: {  	_ =	shalt  }
0x44: {  	_ =	shalt  }
0x45: {  	_ =	shalt  }
0x46: {  	_ =	shalt  }
0x47: {  	_ =	shalt  }
0x48: {  	_ =	shalt  }
0x49: {  	_ =	shalt  }
0x4a: {  	_ =	shalt  }
0x4b: {  	_ =	shalt  }
0x4c: {  	_ =	shalt  }
0x4d: {  	_ =	shalt  }
0x4e: {  	_ =	shalt  }
0x4f: {  	_ =	shalt  }
0x50: {  	_ =	shalt  }
0x51: {  	_ =	shalt  }
0x52: {  	_ =	shalt  }
0x53: {  	_ =	shalt  }
0x54: {  	_ =	shalt  }
0x55: {  	_ =	shalt  }
0x56: {  	_ =	shalt  }
0x57: {  	_ =	shalt  }
0x58: {  	_ =	shalt  }
0x59: {  	_ =	shalt  }
0x5a: {  	_ =	shalt  }
0x5b: {  	_ =	shalt  }
0x5c: {  	_ =	shalt  }
0x5d: {  	_ =	shalt  }
0x5e: {  	_ =	shalt  }
0x5f: {  	_ =	shalt  }
0x60: {  	_ =	shalt  }
0x61: {  	_ =	shalt  }
0x62: {  	_ =	shalt  }
0x63: {  	_ =	shalt  }
0x64: {  	_ =	shalt  }
0x65: {  	_ =	shalt  }
0x66: {  	_ =	shalt  }
0x67: {  	_ =	shalt  }
0x68: {  	_ =	shalt  }
0x69: {  	_ =	shalt  }
0x6a: {  	_ =	shalt  }
0x6b: {  	_ =	shalt  }
0x6c: {  	_ =	shalt  }
0x6d: {  	_ =	shalt  }
0x6e: {  	_ =	shalt  }
0x6f: {  	_ =	shalt  }
0x70: {  	_ =	shalt  }
0x71: {  	_ =	shalt  }
0x72: {  	_ =	shalt  }
0x73: {  	_ =	shalt  }
0x74: {  	_ =	shalt  }
0x75: {  	_ =	shalt  }
0x76: {  	_ =	shalt  }
0x77: {  	_ =	shalt  }
0x78: {  	_ =	shalt  }
0x79: {  	_ =	shalt  }
0x7a: {  	_ =	shalt  }
0x7b: {  	_ =	shalt  }
0x7c: {  	_ =	shalt  }
0x7d: {  	_ =	shalt  }
0x7e: {  	_ =	shalt  }
0x7f: {  	_ =	shalt  }
0x80: {  	_ =	shalt  }
0x81: {  	_ =	shalt  }
0x82: {  	_ =	shalt  }
0x83: {  	_ =	shalt  }
0x84: {  	_ =	shalt  }
0x85: {  	_ =	shalt  }
0x86: {  	_ =	shalt  }
0x87: {  	_ =	shalt  }
.Lfunc_end0:
.L_simem_size_0:
called_computation_lowered:
.L_overlay_start_0:
0x88: {  	s2 =	sld [smem:$0x3FD9]  }
0x89: {  	s3 =	sld [smem:$0x3FFE];
	_ =	sdelay $0x1  }
0x8a: {  	s1 =	srdreg.scid  }
0x8b: {  	s0 =	sand.u32 $0x1, s1  }
0x8c: {  	s17 =	sshll.u32 s0, $0xA;
	s2 =	sadd.s32 s3, s2  }
0x8d: {  	s2 =	sadd.s32 s2, s17  }
0x8e: {  	[smem:$0x3FBA] =	sst s2  }
0x8f: {  	_ = 	snop  }
0x90: {  	s2 =	sld [smem:$0x3FD0];
	(tm) =	ssettm $0x1  }
0x91: {  	s18 =	sld [smem:$0x3FFB];
	_ =	sdelay $0x3  }
0x92: {  	_ =	strace s18  }
0x93: {  	s3 =	sld [smem:$0x3FFC];
	_ =	sdelay $0x3  }
0x94: {  	_ =	strace s3  }
0x95: {  	s3 =	sld [smem:$0x3FFD];
	_ =	sdelay $0x3  }
0x96: {  	_ =	strace s3  }
0x97: {  	_ =	strace $0x8FFFFFFF  }
0x98: {  	s19 =	sld [smem:$0x3FDB];
	_ =	sdelay $0x1  }
0x99: {  	s4 =	simm.s32 $_scs_section_size  }
0x9a: {  	s5 =	simm.s32 $_size__tile_overlayer_lowered;
	s6 =	simm.s32 $_tile_overlayer_lowered  }
0x9b: {  	s22 =	simm.s32 $0x1BFF;
	s21 =	sshll.u32 s6, $0x1;
	s3 =	sadd.s32 s4, s19  }
0x9c: {  	s7 =	simm.s32 $0x0;
	s20 =	sshll.u32 s5, $0x1;
	s5 =	sadd.s32 s21, s3  }
0x9d: {  	[timem:s7], [sflag:s22] =	dma.local [hbm:s5], s20  }
0x9e: {  	_ =	swait.ge [sflag:s22], s20  }
0x9f: {  	s4 =	ssub.s32 $0x0, s20;
	[sflag:s22] =	ssyncset.done $0x0  }
0xa0: {  	[sflag:s22] =	ssyncadd.s32 s4;
	_ =	sdelay $0x1  }
0xa1: {  	s23 =	simm.s32 $0x1B8B  }
0xa2: {  	_ =	swait.ge [sflag:s23], $0x1  }
0xa3: {  	[sflag:s23] =	ssyncset.done $0x0  }
0xa4: {  	s25 =	simm.s32 $0x1B8E;
	s24 =	sld [smem:$0x3FFE];
	[sflag:s23] =	ssyncadd.s32 $0xFFFFFFFF  }
0xa5: {  	s26 =	simm.s32 $execute0_lowered;
	[smem:$0x3FD2] =	sst s25  }
0xa6: {  	s5 =	sshll.u32 s26, $0x1;
	_ =	strace $0x80000046;
	[dreg:$0x1] =	wrdreg $0xFFFFFFFF  }
0xa7: {  	s28 =	simm.s32 $_size_execute0_lowered;
	s3 =	sadd.s32 s3, s5;
	[dreg:$0x0] =	wrdreg $0x0  }
0xa8: {  	s5 =	sshll.u32 s28, $0x1;
	[dreg:$0x2] =	wrdreg s3  }
0xa9: {  	[dreg:$0x3] =	wrdreg s5  }
0xaa: {  	[dreg:$0x4] =	wrdreg $0xC0  }
0xab: {  	_ =	task [dreg:s7], $0x5FFFF  }
0xac: {  	[dreg:$0x1] =	wrdreg $0xFFFFFFFF  }
0xad: {  	[dreg:$0x0] =	wrdreg $0x60  }
0xae: {  	[dreg:$0x2] =	wrdreg s24  }
0xaf: {  	[dreg:$0x3] =	wrdreg s2  }
0xb0: {  	[dreg:$0x4] =	wrdreg $0x68000  }
0xb1: {  	[dreg:$0x5] =	wrdreg $0x9  }
0xb2: {  	_ =	task.clear_ibuf [dreg:s7], $0x6FFFF;
	_ =	strace $0x90000046  }
0xb3: {  	s29 =	simm.s32 $0x9;
	_ =	strace $0x80000048  }
0xb4: {  	_ =	swait.ge [sflag:s29], $0x1  }
0xb5: {  	[sflag:s29] =	ssyncadd.s32 $0xFFFFFFFF  }
0xb6: {  	_ =	strace $0x90000048  }
0xb7: {  	_ =	sfence  }
0xb8: {  	s30 =	sld [smem:$0x0];
	_ =	sdelay $0x2  }
0xb9: {  	s31 =	sshll.u32 s1, $0xD;
	s1 =	sshrl.u32 s1, $0x2  }
0xba: {  	s3 =	sand.u32 $0x4000, s31;
	s1 =	sadd.s32 s1, s30  }
0xbb: {  	s0 =	sor.u32 s3, s0;
	s1 =	sshll.u32 s1, $0x11  }
0xbc: {  	s0 =	sor.u32 s1, s0  }
0xbd: {  	s0 =	sadd.s32 $0x8F2B, s0  }
0xbe: {  	[sflag:s0] =	ssyncadd.remote.s32 $0x1  }
0xbf: {  	_ =	sfence.sel $0xFFFF  }
0xc0: {  	[dreg:$0x0] =	wrdreg $0xFFFFFFFF;
	(pc) =	sbr.abs _section_cstart, $3  }
0xc1: {  	[dreg:$0x1] =	wrdreg $0xFFFFFFFF  }
0xc2: {  	_ =	task.clear_ibuf [dreg:s7], $0x2FFFF;
	_ =	strace $0x9FFFFFFF  }
0xc3: {  	(tm) =	ssettm $0x7FFFFFFF  }
tec
execute0_lowered:
.L_overlay_start_1:
0x0: {  	(tag) =	ssettag $0x1  }
0x1: {  	s5 =	rddreg [dreg:$0x0]  }
0x2: {  	s2 =	rddreg [dreg:$0x1]  }
0x3: {  	s3 =	rddreg [dreg:$0x2]  }
0x4: {  	s0 =	rddreg [dreg:$0x3]  }
0x5: {  	s1 =	stileid.u32;
	s6 =	srdreg.scid  }
0x6: {  	s4 =	simm.s32 $0x0;
	s13 =	simm.s32 $0x1;
	s14 =	simm.s32 $0x50  }
0x7: {  	s15 =	simm.s32 $0x0;
	s7 =	smul.u32 $0x14000, s1;
	s6 =	sand.u32 $0x1, s6  }
0x8: {  	[smem:$0x7FF] =	sst s4;
	s9 =	sshll.u32 s1, $0xB;
	s11 =	smul.u32 $0x50000, s1  }
0x9: {  	s31 =	sshll.u32 s1, $0x6;
	s8 =	smul.u32 $0x140000, s6;
	_ =	strace $0x80000047  }
0xa: {  	s25 =	sadd.s32 s9, s5;
	s28 =	ssub.s32 $0x2, s6;
	s6 =	sshll.u32 s6, $0xF  }
0xb: {  	s10 =	sshrl.u32 s7, $0x3;
	s29 =	sshrl.u32 s28, $0x1;
	s6 =	sadd.s32 s6, s25  }
0xc: {  	s30 =	sshrl.u32 s11, $0x2;
	s7 =	sadd.s32 s7, s8;
	s26 =	sadd.s32 s10, s5  }
0xd: {  	s10 =	ssub.s32 s28, s29;
	s11 =	sadd.s32 s30, s3;
	s7 =	sshrl.u32 s7, $0x3  }
0xe: {  	s9 =	smax.u32 s10, $0x1;
	s10 =	simm.s32 $0x4000;
	s11 =	sshrl.u32 s11, $0x3  }
0xf: {  	s12 =	sadd.s32 s7, s5;
	s5 =	sadd.s32 $0x3600, s6;
	s6 =	sadd.s32 $0x13600, s26  }
0x10: {  	s7 =	sor.u32 $0x1C02, s31;
	s8 =	sadd.s32 $0x3B600, s12;
	s12 =	simm.s32 $0x2  }
.LBB2_1:
0x11: {  	[tilespmem:s4], [sflag:$0x1] =	stream.linear.gather [hbm4b:s5+s4], $0x3E80, $0x38;
	[tilespmem:$0x1A800] =	vst v63  }
0x12: {  	_ = 	snop  }
0x13: {  	[tilespmem:s10], [sflag:$0x1] =	stream.linear.gather [hbm4b:s2+s4], $0x2800, $0x38;
	[tilespmem:$0x1A800] =	vst v63  }
0x14: {  	[spmem:s11], [sflag:s7] =	dma.local [hbm:s6], $0x2800  }
0x15: {  	_ =	swait.ge [sflag:s12], $0x2800  }
0x16: {  	[sflag:s12] =	ssyncset.done $0x0  }
0x17: {  	[sflag:s12] =	ssyncadd.s32 $0xFFFFD800  }
0x18: {  	_ =	swait.ge [sflag:s13], $0x3E80  }
0x19: {  	[sflag:s13] =	ssyncset.done $0x0  }
0x1a: {  	[sflag:s13] =	ssyncadd.s32 $0xFFFFC180  }
0x1b: {  	_ =	swait.ge [sflag:s13], $0x2800  }
0x1c: {  	[sflag:s13] =	ssyncset.done $0x0  }
0x1d: {  	p0 =	por $0x1, $0x1;
	[sflag:s13] =	ssyncadd.s32 $0xFFFFD800  }
0x1e: {  	s18 =	simm.s32 @!p0 $0x1;
	[bflag:$0x0] =	sbarrier.arrive $0xFFFF  }
0x1f: {  	[spmem:s3] =	stream.indirect.scatter.add.f32 [tilespmem:s10], [sflag:$0x1], $0x80, s4, s14, $0xb8;
	[tilespmem:$0x1A800] =	vst v63  }
0x20: {  	_ =	swait.ge @!p0 [sflag:s18], $0x2800  }
0x21: {  	s16 =	simm.s32 $0x1;
	s17 =	simm.s32 $0x0;
	[sflag:s18] =	ssyncset.done @!p0 $0x0  }
.LBB2_2:
0x22: {  	[sflag:s18] =	ssyncadd.s32 @!p0 $0xFFFFD800  }
0x23: {  	s17 =	sadd.s32 $0x80, s17;
	s18 =	smov.u32 s16;
	s16 =	sadd.s32 $0x1, s16  }
0x24: {  	p1 =	sne.s32 s16, $0x7D  }
0x25: {  	[spmem:s3] =	stream.indirect.scatter.add.f32 [tilespmem:s10], [sflag:$0x1], $0x80, s17, s14, $0xb8;
	[tilespmem:$0x1A800] =	vst v63  }
.Ltmp0:
0x26: {  	_ = 	snop;
	(pc) =	sbr.rel @p1 .LBB2_2-.Ltmp0, $4  }
0x27: {  	p0 =	slt.u32 s18, $0x8  }
0x28: {  	s18 =	simm.s32 @!p0 $0x1  }
0x29: {  	_ =	swait.ge @!p0 [sflag:s18], $0x2800  }
0x2a: {  	[sflag:s18] =	ssyncset.done @!p0 $0x0  }
0x2b: {  	[sflag:s18] =	ssyncadd.s32 @!p0 $0xFFFFD800  }
0x2c: {  	_ =	swait.ge [sflag:s13], $0x2800  }
0x2d: {  	[sflag:s13] =	ssyncset.done $0x0  }
0x2e: {  	[sflag:s13] =	ssyncadd.s32 $0xFFFFD800  }
0x2f: {  	_ =	swait.ge [sflag:s13], $0x2800  }
0x30: {  	[sflag:s13] =	ssyncset.done $0x0  }
0x31: {  	[sflag:s13] =	ssyncadd.s32 $0xFFFFD800  }
0x32: {  	_ =	swait.ge [sflag:s13], $0x2800  }
0x33: {  	[sflag:s13] =	ssyncset.done $0x0  }
0x34: {  	[sflag:s13] =	ssyncadd.s32 $0xFFFFD800  }
0x35: {  	_ =	swait.ge [sflag:s13], $0x2800  }
0x36: {  	[sflag:s13] =	ssyncset.done $0x0  }
0x37: {  	[sflag:s13] =	ssyncadd.s32 $0xFFFFD800  }
0x38: {  	_ =	swait.ge [sflag:s13], $0x2800  }
0x39: {  	[sflag:s13] =	ssyncset.done $0x0  }
0x3a: {  	[sflag:s13] =	ssyncadd.s32 $0xFFFFD800  }
0x3b: {  	_ =	swait.ge [sflag:s13], $0x2800  }
0x3c: {  	[sflag:s13] =	ssyncset.done $0x0  }
0x3d: {  	[sflag:s13] =	ssyncadd.s32 $0xFFFFD800  }
0x3e: {  	_ =	swait.ge [sflag:s13], $0x2800  }
0x3f: {  	[sflag:s13] =	ssyncset.done $0x0  }
0x40: {  	[sflag:s13] =	ssyncadd.s32 $0xFFFFD800  }
0x41: {  	_ =	swait.ge [sflag:s13], $0x2800  }
0x42: {  	s15 =	sadd.s32 $0x1, s15;
	[sflag:s13] =	ssyncset.done $0x0  }
0x43: {  	p0 =	sne.s32 s15, s9;
	[sflag:s13] =	ssyncadd.s32 $0xFFFFD800  }
.Ltmp1:
0x44: {  	[bflag:$0x0] =	sbarrier.arrive $0xFFFF;
	(pc) =	sbr.rel @p0 .LBB2_1-.Ltmp1, $4  }
0x45: {  	[hbm:s8], [sflag:s7] =	dma.local [spmem:s11], $0x2800  }
0x46: {  	_ =	swait.ge [sflag:s12], $0x2800  }
0x47: {  	[sflag:s12] =	ssyncset.done $0x0  }
0x48: {  	[sflag:s12] =	ssyncadd.s32 $0xFFFFD800  }
0x49: {  	_ =	sfence.sel $0x180000  }
0x4a: {  	[bflag:$0x0] =	sbarrier.arrive $0xFFFF  }
0x4b: {  	p0 =	sne.s32 s1, $0x0;
	_ =	strace $0x90000047  }
0x4c: {  	s0 =	sadd.s32 @!p0 $0x100000, s0;
	[bflag:$0x2] =	sbarrier.arrive $0xFFFF  }
0x4d: {  	[sflag:s0] =	ssyncadd.tile.s32 @!p0 $0x1;
	_ =	shalt  }
.Lfunc_end2:
_tile_overlayer_lowered:
.L_overlay_start_2:
0x4e: {  	(tag) =	ssettag $0x2  }
0x4f: {  	s0 =	rddreg [dreg:$0x0];
	s2 =	stileid.u32  }
0x50: {  	s1 =	rddreg [dreg:$0x1];
	p0 =	sne.s32 s2, $0x0  }
0x51: {  	s3 =	rddreg [dreg:$0x2];
	[bflag:$0x3] =	sbarrier.arrive $0xFFFF;
	s2 =	simm.s32 @!p0 $0x1C02  }
0x52: {  	[timem:s3], [sflag:s2] =	dma.local @!p0 [hbm:s0], s1  }
0x53: {  	s0 =	simm.s32 @!p0 $0x2  }
0x54: {  	_ =	swait.ge @!p0 [sflag:s0], s1  }
0x55: {  	s1 =	ssub.s32 @!p0 $0x0, s1;
	[sflag:s0] =	ssyncset.done @!p0 $0x0  }
0x56: {  	[sflag:s0] =	ssyncadd.s32 @!p0 s1  }
0x57: {  	[bflag:$0x3] =	sbarrier.arrive $0xFFFF  }
0x58: {  	_ =	shalt  }

// kernel: kernel.13.cloned.1.call-start
scs
__scs_entry_jumppad:
0x0: {  	(pc) =	sbr.rel $0x88, $3  }
0x1: {  	(tag) =	ssettag $0x0;
	lr =	simm.s32 $0x1  }
0x2: {  	[smem:$0x3F93] =	sst lr;
	_ =	strace $0xD0000000  }
0x3: {  	_ = 	snop  }
0x4: {  	_ = 	snop  }
0x5: {  	_ = 	snop  }
0x6: {  	_ = 	snop  }
0x7: {  	_ = 	snop  }
__scs_overlays_trampoline_lowered:
0x8: {  	[smem:$0x3FA2] =	sst s0  }
0x9: {  	[smem:$0x3FA3] =	sst s1  }
0xa: {  	[smem:$0x3FA4] =	sst s2  }
0xb: {  	[smem:$0x3FA5] =	sst s3  }
0xc: {  	[smem:$0x3FA6] =	sst s4  }
0xd: {  	[smem:$0x3FA7] =	sst s5  }
0xe: {  	[smem:$0x3FA8] =	sst s6  }
0xf: {  	[smem:$0x3FA9] =	sst s7  }
0x10: {  	[smem:$0x3FAA] =	sst s8  }
0x11: {  	[smem:$0x3FAB] =	sst s9;
	s0 =	simm.s32 @!p0 $0x0  }
0x12: {  	s1 =	sld [smem:$0x3F91];
	s0 =	simm.s32 @p0 $0x1  }
0x13: {  	[smem:$0x3FAC] =	sst s0;
	s0 =	simm.s32 @!p1 $0x0  }
0x14: {  	s2 =	sld [smem:$0x3F90];
	s0 =	simm.s32 @p1 $0x1  }
0x15: {  	[smem:$0x3FAD] =	sst s0;
	s0 =	simm.s32 @!p2 $0x0  }
0x16: {  	s3 =	sld [smem:$0x3FDB];
	s0 =	simm.s32 @p2 $0x1  }
0x17: {  	s4 =	simm.s32 $0x1BF5;
	[smem:$0x3FAF] =	sst s0  }
0x18: {  	s0 =	sld [smem:$0x3F92];
	_ =	swait.ge [sflag:s4], $0x0  }
0x19: {  	s7 =	sld [smem:$0x3F93]  }
0x1a: {  	s8 =	sadd.s32 $0xFFFFE003, lr  }
0x1b: {  	s9 =	sadd.s32 $0xFFFFFEF7, lr;
	s5 =	simm.s32 $0xFFFFFFFF;
	p2 =	slt.u32 s8, $0xFFFFF086  }
0x1c: {  	p1 =	slt.u32 s9, $0xF7A;
	s5 =	simm.s32 @!p2 $0x0  }
0x1d: {  	s5 =	simm.s32 @p1 $0x1;
	p0 =	seq.s32 s7, s2  }
0x1e: {  	s7 =	smul.u32 @!p0 $0xF7A, s2;
	p2 =	seq.s32 @!p0 s5, $0x0  }
0x1f: {  	s9 =	smul.u32 $0xF7A, s1;
	s8 =	simm.s32 @!p0 $0x1BF5;
	p2 =	por !p2, p0  }
0x20: {  	[sflag:s8] =	ssyncset.s32 @!p0 $0xFFFFF086;
	s6 =	sadd.s32 @!p0 s3, s7;
	s7 =	simm.s32 @!p0 $0x108  }
0x21: {  	s3 =	sadd.s32 s3, s9;
	s6 =	sadd.s32 @!p0 $0x88, s6;
	s7 =	simm.s32 @p2 $0x1082  }
0x22: {  	[simem:s7], [sflag:s8] =	dma.local @!p0 [hbm:s6], $0xF7A  }
0x23: {  	s9 =	sor.u32 $0xD0000000, s2;
	s6 =	simm.s32 $0x108;
	_ =	swait.ge @!p0 [sflag:s8], $0x0  }
0x24: {  	s3 =	sadd.s32 $0x88, s3;
	s6 =	simm.s32 @!p1 $0x1082;
	[sflag:s4] =	ssyncset.s32 $0xFFFFF086  }
0x25: {  	[simem:s6], [sflag:s4] =	dma.local [hbm:s3], $0xF7A  }
0x26: {  	[smem:$0x3F93] =	sst s1;
	(tag) =	ssettag s2;
	_ =	strace s9  }
0x27: {  	s1 =	sld [smem:$0x3FA3]  }
0x28: {  	s2 =	sld [smem:$0x3FA4]  }
0x29: {  	s4 =	sld [smem:$0x3FA6]  }
0x2a: {  	p0 =	seq.s32 s5, $0x0;
	s5 =	sld [smem:$0x3FA7]  }
0x2b: {  	s6 =	sld [smem:$0x3FA8]  }
0x2c: {  	s7 =	sld [smem:$0x3FA9]  }
0x2d: {  	s3 =	simm.s32 $0x108;
	s8 =	sld [smem:$0x3FAA]  }
0x2e: {  	s3 =	simm.s32 @!p0 $0x1082;
	s9 =	sld [smem:$0x3FAB]  }
0x2f: {  	lr =	sadd.s32 s0, s3;
	s0 =	sld [smem:$0x3FA2]  }
0x30: {  	s3 =	sld [smem:$0x3FA5]  }
0x31: {  	[smem:$0x3FAE] =	sst s10  }
0x32: {  	s10 =	sld [smem:$0x3FAC];
	_ =	sdelay $0x3  }
0x33: {  	p0 =	seq.s32 s10, $0x1;
	s10 =	sld [smem:$0x3FAE];
	_ =	sdelay $0x3  }
0x34: {  	[smem:$0x3FAE] =	sst s10  }
0x35: {  	s10 =	sld [smem:$0x3FAD];
	_ =	sdelay $0x3  }
0x36: {  	p1 =	seq.s32 s10, $0x1;
	s10 =	sld [smem:$0x3FAE];
	_ =	sdelay $0x3  }
0x37: {  	[smem:$0x3FAE] =	sst s10  }
0x38: {  	s10 =	sld [smem:$0x3FAF]  }
0x39: {  	_ = 	snop;
	(pc) =	sbr.ind lr, $3  }
0x3a: {  	_ = 	snop  }
0x3b: {  	_ = 	snop  }
0x3c: {  	p2 =	seq.s32 s10, $0x1;
	s10 =	sld [smem:$0x3FAE]  }
0x3d: {  	_ =	shalt  }
0x3e: {  	_ =	shalt  }
0x3f: {  	_ =	shalt  }
0x40: {  	_ =	shalt  }
0x41: {  	_ =	shalt  }
0x42: {  	_ =	shalt  }
0x43: {  	_ =	shalt  }
0x44: {  	_ =	shalt  }
0x45: {  	_ =	shalt  }
0x46: {  	_ =	shalt  }
0x47: {  	_ =	shalt  }
0x48: {  	_ =	shalt  }
0x49: {  	_ =	shalt  }
0x4a: {  	_ =	shalt  }
0x4b: {  	_ =	shalt  }
0x4c: {  	_ =	shalt  }
0x4d: {  	_ =	shalt  }
0x4e: {  	_ =	shalt  }
0x4f: {  	_ =	shalt  }
0x50: {  	_ =	shalt  }
0x51: {  	_ =	shalt  }
0x52: {  	_ =	shalt  }
0x53: {  	_ =	shalt  }
0x54: {  	_ =	shalt  }
0x55: {  	_ =	shalt  }
0x56: {  	_ =	shalt  }
0x57: {  	_ =	shalt  }
0x58: {  	_ =	shalt  }
0x59: {  	_ =	shalt  }
0x5a: {  	_ =	shalt  }
0x5b: {  	_ =	shalt  }
0x5c: {  	_ =	shalt  }
0x5d: {  	_ =	shalt  }
0x5e: {  	_ =	shalt  }
0x5f: {  	_ =	shalt  }
0x60: {  	_ =	shalt  }
0x61: {  	_ =	shalt  }
0x62: {  	_ =	shalt  }
0x63: {  	_ =	shalt  }
0x64: {  	_ =	shalt  }
0x65: {  	_ =	shalt  }
0x66: {  	_ =	shalt  }
0x67: {  	_ =	shalt  }
0x68: {  	_ =	shalt  }
0x69: {  	_ =	shalt  }
0x6a: {  	_ =	shalt  }
0x6b: {  	_ =	shalt  }
0x6c: {  	_ =	shalt  }
0x6d: {  	_ =	shalt  }
0x6e: {  	_ =	shalt  }
0x6f: {  	_ =	shalt  }
0x70: {  	_ =	shalt  }
0x71: {  	_ =	shalt  }
0x72: {  	_ =	shalt  }
0x73: {  	_ =	shalt  }
0x74: {  	_ =	shalt  }
0x75: {  	_ =	shalt  }
0x76: {  	_ =	shalt  }
0x77: {  	_ =	shalt  }
0x78: {  	_ =	shalt  }
0x79: {  	_ =	shalt  }
0x7a: {  	_ =	shalt  }
0x7b: {  	_ =	shalt  }
0x7c: {  	_ =	shalt  }
0x7d: {  	_ =	shalt  }
0x7e: {  	_ =	shalt  }
0x7f: {  	_ =	shalt  }
0x80: {  	_ =	shalt  }
0x81: {  	_ =	shalt  }
0x82: {  	_ =	shalt  }
0x83: {  	_ =	shalt  }
0x84: {  	_ =	shalt  }
0x85: {  	_ =	shalt  }
0x86: {  	_ =	shalt  }
0x87: {  	_ =	shalt  }
.Lfunc_end0:
.L_simem_size_0:
called_computation.1_lowered:
.L_overlay_start_0:
0x88: {  	s2 =	sld [smem:$0x3FD9]  }
0x89: {  	s3 =	sld [smem:$0x3FFE];
	_ =	sdelay $0x1  }
0x8a: {  	s1 =	srdreg.scid  }
0x8b: {  	s0 =	sand.u32 $0x1, s1  }
0x8c: {  	s16 =	sshll.u32 s0, $0xA;
	s2 =	sadd.s32 s3, s2  }
0x8d: {  	s2 =	sadd.s32 s2, s16  }
0x8e: {  	[smem:$0x3FBA] =	sst s2  }
0x8f: {  	_ = 	snop  }
0x90: {  	(tm) =	ssettm $0x1  }
0x91: {  	s17 =	sld [smem:$0x3FFB];
	_ =	sdelay $0x3  }
0x92: {  	_ =	strace s17  }
0x93: {  	s2 =	sld [smem:$0x3FFC];
	_ =	sdelay $0x3  }
0x94: {  	_ =	strace s2  }
0x95: {  	s2 =	sld [smem:$0x3FFD];
	_ =	sdelay $0x3  }
0x96: {  	_ =	strace s2  }
0x97: {  	_ =	strace $0x8FFFFFFF  }
0x98: {  	s18 =	sld [smem:$0x3FDB];
	_ =	sdelay $0x1  }
0x99: {  	s19 =	simm.s32 $_scs_section_size  }
0x9a: {  	s4 =	simm.s32 $_size__tile_overlayer_lowered;
	s5 =	simm.s32 $_tile_overlayer_lowered  }
0x9b: {  	s22 =	simm.s32 $0x1BFF;
	s21 =	sshll.u32 s5, $0x1;
	s2 =	sadd.s32 s19, s18  }
0x9c: {  	s6 =	simm.s32 $0x0;
	s20 =	sshll.u32 s4, $0x1;
	s4 =	sadd.s32 s21, s2  }
0x9d: {  	[timem:s6], [sflag:s22] =	dma.local [hbm:s4], s20  }
0x9e: {  	_ =	swait.ge [sflag:s22], s20  }
0x9f: {  	s3 =	ssub.s32 $0x0, s20;
	[sflag:s22] =	ssyncset.done $0x0  }
0xa0: {  	[sflag:s22] =	ssyncadd.s32 s3;
	_ =	sdelay $0x1  }
0xa1: {  	s23 =	simm.s32 $0x1B8B  }
0xa2: {  	_ =	swait.ge [sflag:s23], $0x1  }
0xa3: {  	[sflag:s23] =	ssyncset.done $0x0  }
0xa4: {  	s25 =	simm.s32 $0x1B8E;
	s24 =	sld [smem:$0x3FFE];
	[sflag:s23] =	ssyncadd.s32 $0xFFFFFFFF  }
0xa5: {  	s26 =	simm.s32 $execute0_lowered;
	[smem:$0x3FD2] =	sst s25  }
0xa6: {  	s4 =	sshll.u32 s26, $0x1;
	_ =	strace $0x80000049;
	[dreg:$0x1] =	wrdreg $0xFFFFFFFF  }
0xa7: {  	s28 =	simm.s32 $_size_execute0_lowered;
	s2 =	sadd.s32 s2, s4;
	[dreg:$0x0] =	wrdreg $0x0  }
0xa8: {  	s4 =	sshll.u32 s28, $0x1;
	[dreg:$0x2] =	wrdreg s2  }
0xa9: {  	[dreg:$0x3] =	wrdreg s4  }
0xaa: {  	[dreg:$0x4] =	wrdreg $0xC0  }
0xab: {  	_ =	task [dreg:s6], $0x5FFFF  }
0xac: {  	[dreg:$0x1] =	wrdreg $0xFFFFFFFF  }
0xad: {  	[dreg:$0x0] =	wrdreg $0x60  }
0xae: {  	[dreg:$0x2] =	wrdreg s24  }
0xaf: {  	[dreg:$0x3] =	wrdreg $0x7C000  }
0xb0: {  	[dreg:$0x4] =	wrdreg $0x9  }
0xb1: {  	_ =	task.clear_ibuf [dreg:s6], $0x5FFFF;
	_ =	strace $0x90000049  }
0xb2: {  	s29 =	simm.s32 $0x9;
	_ =	strace $0x8000004B  }
0xb3: {  	_ =	swait.ge [sflag:s29], $0x1  }
0xb4: {  	[sflag:s29] =	ssyncadd.s32 $0xFFFFFFFF  }
0xb5: {  	_ =	strace $0x9000004B  }
0xb6: {  	_ =	sfence  }
0xb7: {  	s30 =	sld [smem:$0x0];
	_ =	sdelay $0x2  }
0xb8: {  	s31 =	sshll.u32 s1, $0xD;
	s1 =	sshrl.u32 s1, $0x2  }
0xb9: {  	s3 =	sand.u32 $0x4000, s31;
	s1 =	sadd.s32 s1, s30  }
0xba: {  	s0 =	sor.u32 s3, s0;
	s1 =	sshll.u32 s1, $0x11  }
0xbb: {  	s0 =	sor.u32 s1, s0  }
0xbc: {  	s0 =	sadd.s32 $0x8F2B, s0  }
0xbd: {  	[sflag:s0] =	ssyncadd.remote.s32 $0x1  }
0xbe: {  	_ =	sfence.sel $0xFFFF  }
0xbf: {  	[dreg:$0x0] =	wrdreg $0xFFFFFFFF;
	(pc) =	sbr.abs _section_cstart, $3  }
0xc0: {  	[dreg:$0x1] =	wrdreg $0xFFFFFFFF  }
0xc1: {  	_ =	task.clear_ibuf [dreg:s6], $0x2FFFF;
	_ =	strace $0x9FFFFFFF  }
0xc2: {  	(tm) =	ssettm $0x7FFFFFFF  }
0xc3: {  	_ =	shalt  }
tec
execute0_lowered:
.L_overlay_start_1:
0x0: {  	(tag) =	ssettag $0x1  }
0x1: {  	s7 =	rddreg [dreg:$0x0]  }
0x2: {  	s2 =	rddreg [dreg:$0x1];
	s3 =	simm.s32 $0x0  }
0x3: {  	s0 =	stileid.u32;
	s4 =	srdreg.scid;
	s17 =	simm.s32 $0x80  }
0x4: {  	s18 =	simm.s32 $0x280;
	s19 =	simm.s32 $0x50;
	s20 =	simm.s32 $0x400  }
0x5: {  	s21 =	simm.s32 $0x2C00;
	s24 =	simm.s32 $0x1;
	s25 =	simm.s32 $0x2  }
0x6: {  	s26 =	simm.s32 $0x0;
	[smem:$0x7FF] =	sst s3;
	s8 =	smul.u32 $0x14000, s0  }
0x7: {  	s9 =	sand.u32 $0x1, s4;
	s4 =	sadd.s32 $0x3B600, s7;
	s5 =	sadd.s32 $0x8B600, s7  }
0x8: {  	s6 =	sadd.s32 $0x3600, s7;
	s29 =	sshll.u32 s0, $0xE;
	s31 =	smul.u32 $0x50000, s0  }
0x9: {  	s22 =	sshll.u32 s0, $0x6;
	_ =	strace $0x8000004A;
	s10 =	smul.u32 $0x140000, s9  }
0xa: {  	s28 =	sshll.u32 s9, $0x12;
	s30 =	ssub.s32 $0x2, s9;
	s22 =	sor.u32 $0x1C04, s22  }
0xb: {  	s11 =	sshrl.u32 s8, $0x3;
	s9 =	sshrl.u32 s30, $0x1;
	s16 =	sshrl.u32 s31, $0x2  }
0xc: {  	s12 =	sadd.s32 s11, s7;
	s8 =	sadd.s32 s8, s10;
	s14 =	ssub.s32 s30, s9  }
0xd: {  	s23 =	sadd.s32 s16, s2;
	s8 =	sshrl.u32 s8, $0x3;
	s12 =	sadd.s32 $0x13600, s12  }
0xe: {  	s14 =	smax.u32 s14, $0x1;
	s13 =	sadd.s32 s8, s7;
	s7 =	sor.u32 s29, s28  }
0xf: {  	s23 =	sshrl.u32 s23, $0x3;
	s10 =	sshrl.u32 s7, $0x3;
	s13 =	sadd.s32 $0x9B600, s13  }
0x10: {  	s8 =	sadd.s32 s5, s10;
	s15 =	sor.u32 $0x10, s10;
	s9 =	sadd.s32 s6, s10  }
0x11: {  	s10 =	sadd.s32 s5, s15;
	s11 =	sadd.s32 s6, s15;
	s15 =	simm.s32 $0x4  }
.LBB2_1:
0x12: {  	[tilespmem:s3], [sflag:$0x4] =	stream.linear.gather [hbm4b:s8+s3], $0x80, $0x38;
	[tilespmem:$0x1BC00] =	vst v63  }
0x13: {  	_ =	swait.ge [sflag:s15], $0x80  }
0x14: {  	[sflag:s15] =	ssyncset.done $0x0  }
0x15: {  	s0 =	simm.s32 $0x200;
	[sflag:s15] =	ssyncadd.s32 $0xFFFFFF80  }
0x16: {  	[tilespmem:s0], [sflag:$0x4] =	stream.linear.gather [hbm4b:s9+s3], $0x80, $0x38;
	[tilespmem:$0x1BC00] =	vst v63  }
0x17: {  	_ =	swait.ge [sflag:s15], $0x80  }
0x18: {  	[sflag:s15] =	ssyncset.done $0x0  }
0x19: {  	[sflag:s15] =	ssyncadd.s32 $0xFFFFFF80  }
0x1a: {  	[tilespmem:s17], [sflag:$0x4] =	stream.linear.gather [hbm4b:s10+s3], $0x80, $0x38;
	[tilespmem:$0x1BC00] =	vst v63  }
0x1b: {  	_ =	swait.ge [sflag:s15], $0x80  }
0x1c: {  	[sflag:s15] =	ssyncset.done $0x0  }
0x1d: {  	[sflag:s15] =	ssyncadd.s32 $0xFFFFFF80  }
0x1e: {  	[tilespmem:s18], [sflag:$0x4] =	stream.linear.gather [hbm4b:s11+s3], $0x80, $0x38;
	[tilespmem:$0x1BC00] =	vst v63  }
0x1f: {  	_ =	swait.ge [sflag:s15], $0x80  }
0x20: {  	[sflag:s15] =	ssyncset.done $0x0  }
0x21: {  	[sflag:s15] =	ssyncadd.s32 $0xFFFFFF80  }
0x22: {  	[tilespmem:s20], [sflag:$0x1] =	stream.indirect.gather [hbm4b:s4+s19], $0x80, s3, s19, $0xb8;
	[tilespmem:$0x1BC00] =	vst v63  }
0x23: {  	_ = 	snop  }
0x24: {  	[tilespmem:s21], [sflag:$0x1] =	stream.indirect.gather [hbm4b:s4+s19], $0x80, s17, s19, $0xb8;
	[tilespmem:$0x1BC00] =	vst v63  }
0x25: {  	[spmem:s23], [sflag:s22] =	dma.local [hbm:s12], $0x2800  }
0x26: {  	_ =	swait.ge [sflag:s15], $0x2800  }
0x27: {  	[sflag:s15] =	ssyncset.done $0x0  }
0x28: {  	[sflag:s15] =	ssyncadd.s32 $0xFFFFD800  }
0x29: {  	s28 =	simm.s32 $0x100;
	s29 =	simm.s32 $0x0;
	[bflag:$0x0] =	sbarrier.arrive $0xFFFF  }
.LBB2_2:
0x2a: {  	s31 =	smul.u32 $0xAB, s29;
	_ =	sdelay $0x1  }
0x2b: {  	p0 =	seq.s32 s29, $0x0;
	s30 =	sadd.s32 $0x156, s31  }
0x2c: {  	s0 =	simm.s32 @!p0 $0x2;
	s30 =	sshrl.u32 s30, $0x9  }
0x2d: {  	p1 =	sgt.u32 @!p0 s29, $0x7A;
	_ =	swait.ge @!p0 [sflag:s0], $0x2800;
	s30 =	sand.u32 $0x7F, s30  }
0x2e: {  	p1 =	por p0, !p1;
	[sflag:s0] =	ssyncset.done @!p0 $0x0;
	s30 =	smul.u32 $0x3, s30  }
0x2f: {  	[sflag:s0] =	ssyncadd.s32 @!p0 $0xFFFFD800;
	s0 =	sand.u32 @p1 $0x7C00, s28  }
0x30: {  	s1 =	sand.u32 @p1 $0x380, s28;
	s0 =	sadd.s32 @p1 s7, s0;
	s30 =	ssub.s32 s29, s30  }
0x31: {  	s0 =	sor.u32 @p1 s1, s0;
	s30 =	sadd.s32 $0x2, s30  }
0x32: {  	s0 =	sshrl.u32 @p1 s0, $0x3;
	s30 =	sand.u32 $0xFF, s30  }
0x33: {  	s16 =	sadd.s32 @p1 s5, s0;
	s1 =	sshll.u32 @p1 s30, $0x7  }
0x34: {  	[tilespmem:s1], [sflag:$0x3] =	stream.linear.gather @p1 [hbm4b:s16+s3], $0x80, $0x38;
	[tilespmem:$0x1BC00] =	vst v63  }
0x35: {  	s0 =	sadd.s32 @p1 s6, s0;
	s1 =	sadd.s32 @p1 $0x200, s1  }
0x36: {  	[tilespmem:s1], [sflag:$0x3] =	stream.linear.gather @p1 [hbm4b:s0+s3], $0x80, $0x38;
	[tilespmem:$0x1BC00] =	vst v63  }
0x37: {  	p0 =	por @!p0 $0x0, $0x0;
	_ =	swait.ge [sflag:s24], $0x2800  }
0x38: {  	p0 =	por @p1 $0x1, $0x1;
	[sflag:s24] =	ssyncset.done $0x0  }
0x39: {  	s16 =	sshrl.u32 s31, $0x9;
	s1 =	simm.s32 @p0 $0x3;
	[sflag:s24] =	ssyncadd.s32 $0xFFFFD800  }
0x3a: {  	s0 =	sand.u32 $0x7F, s16;
	s16 =	smul.u32 @p0 $0xA000, s30;
	_ =	swait.ge @p0 [sflag:s1], $0x80  }
0x3b: {  	s0 =	smul.u32 $0x3, s0;
	[sflag:s1] =	ssyncset.done @p0 $0x0  }
0x3c: {  	s30 =	sshll.u32 @p0 s30, $0x7;
	[sflag:s1] =	ssyncadd.s32 @p0 $0xFFFFFF80  }
0x3d: {  	s16 =	sshrl.u32 @p0 s16, $0x2;
	s0 =	ssub.s32 s29, s0;
	_ =	swait.ge @p0 [sflag:s1], $0x80  }
0x3e: {  	s29 =	sadd.s32 $0x1, s29;
	s0 =	sand.u32 $0xFF, s0;
	[sflag:s1] =	ssyncset.done @p0 $0x0  }
0x3f: {  	[sflag:s1] =	ssyncadd.s32 @p0 $0xFFFFFF80;
	s1 =	sor.u32 @p0 $0x400, s16;
	s16 =	simm.s32 @p0 $0x50  }
0x40: {  	[tilespmem:s1], [sflag:$0x1] =	stream.indirect.gather @p0 [hbm4b:s4+s16], $0x80, s30, s16, $0xb8;
	[tilespmem:$0x1BC00] =	vst v63  }
0x41: {  	s31 =	smul.u32 $0xA000, s0;
	p0 =	sne.s32 s29, $0x7D  }
.Ltmp0:
0x42: {  	_ = 	snop;
	(pc) =	sbr.rel @p0 .LBB2_2-.Ltmp0, $4  }
0x43: {  	_ = 	snop  }
0x44: {  	s0 =	sshll.u32 s0, $0x7;
	s31 =	sshrl.u32 s31, $0x2  }
0x45: {  	s28 =	sadd.s32 $0x80, s28;
	s0 =	sadd.s32 $0x200, s0;
	s1 =	sor.u32 $0x400, s31  }
0x46: {  	[spmem:s2] =	stream.indirect.scatter.add.f32 [tilespmem:s1], [sflag:$0x2], $0x80, s0, s19, $0xb8;
	[tilespmem:$0x1BC00] =	vst v63  }
0x47: {  	_ =	swait.ge [sflag:s25], $0x2800  }
0x48: {  	s26 =	sadd.s32 $0x1, s26;
	[sflag:s25] =	ssyncset.done $0x0  }
0x49: {  	p0 =	sne.s32 s26, s14;
	[sflag:s25] =	ssyncadd.s32 $0xFFFFD800  }
.Ltmp1:
0x4a: {  	[bflag:$0x0] =	sbarrier.arrive $0xFFFF;
	(pc) =	sbr.rel @p0 .LBB2_1-.Ltmp1, $4  }
0x4b: {  	[hbm:s13], [sflag:s22] =	dma.local [spmem:s23], $0x2800  }
0x4c: {  	_ =	swait.ge [sflag:s15], $0x2800  }
0x4d: {  	[sflag:s15] =	ssyncset.done $0x0  }
0x4e: {  	[sflag:s15] =	ssyncadd.s32 $0xFFFFD800  }
0x4f: {  	_ =	sfence.sel $0x180000  }
0x50: {  	[bflag:$0x0] =	sbarrier.arrive $0xFFFF  }
0x51: {  	_ =	strace $0x9000004A  }
0x52: {  	s0 =	stileid.u32;
	[bflag:$0x2] =	sbarrier.arrive $0xFFFF  }
0x53: {  	p0 =	sne.s32 s0, $0x0;
	s0 =	rddreg [dreg:$0x2]  }
0x54: {  	s0 =	sadd.s32 @!p0 $0x100000, s0  }
0x55: {  	[sflag:s0] =	ssyncadd.tile.s32 @!p0 $0x1;
	_ =	shalt  }
.Lfunc_end2:
_tile_overlayer_lowered:
.L_overlay_start_2:
0x56: {  	(tag) =	ssettag $0x2  }
0x57: {  	s0 =	rddreg [dreg:$0x0];
	s2 =	stileid.u32  }
0x58: {  	s1 =	rddreg [dreg:$0x1];
	p0 =	sne.s32 s2, $0x0  }
0x59: {  	s3 =	rddreg [dreg:$0x2];
	[bflag:$0x3] =	sbarrier.arrive $0xFFFF;
	s2 =	simm.s32 @!p0 $0x1C04  }
0x5a: {  	[timem:s3], [sflag:s2] =	dma.local @!p0 [hbm:s0], s1  }
0x5b: {  	s0 =	simm.s32 @!p0 $0x4  }
0x5c: {  	_ =	swait.ge @!p0 [sflag:s0], s1  }
0x5d: {  	s1 =	ssub.s32 @!p0 $0x0, s1;
	[sflag:s0] =	ssyncset.done @!p0 $0x0  }
0x5e: {  	[sflag:s0] =	ssyncadd.s32 @!p0 s1  }
0x5f: {  	[bflag:$0x3] =	sbarrier.arrive $0xFFFF  }
0x60: {  	_ =	shalt  }

// kernel: kernel.16.cloned.1.call-start
scs
__scs_entry_jumppad:
0x0: {  	(pc) =	sbr.rel $0x88, $3  }
0x1: {  	(tag) =	ssettag $0x0;
	lr =	simm.s32 $0x1  }
0x2: {  	[smem:$0x3F93] =	sst lr;
	_ =	strace $0xD0000000  }
0x3: {  	_ = 	snop  }
0x4: {  	_ = 	snop  }
0x5: {  	_ = 	snop  }
0x6: {  	_ = 	snop  }
0x7: {  	_ = 	snop  }
__scs_overlays_trampoline_lowered:
0x8: {  	[smem:$0x3FA2] =	sst s0  }
0x9: {  	[smem:$0x3FA3] =	sst s1  }
0xa: {  	[smem:$0x3FA4] =	sst s2  }
0xb: {  	[smem:$0x3FA5] =	sst s3  }
0xc: {  	[smem:$0x3FA6] =	sst s4  }
0xd: {  	[smem:$0x3FA7] =	sst s5  }
0xe: {  	[smem:$0x3FA8] =	sst s6  }
0xf: {  	[smem:$0x3FA9] =	sst s7  }
0x10: {  	[smem:$0x3FAA] =	sst s8  }
0x11: {  	[smem:$0x3FAB] =	sst s9;
	s0 =	simm.s32 @!p0 $0x0  }
0x12: {  	s1 =	sld [smem:$0x3F91];
	s0 =	simm.s32 @p0 $0x1  }
0x13: {  	[smem:$0x3FAC] =	sst s0;
	s0 =	simm.s32 @!p1 $0x0  }
0x14: {  	s2 =	sld [smem:$0x3F90];
	s0 =	simm.s32 @p1 $0x1  }
0x15: {  	[smem:$0x3FAD] =	sst s0;
	s0 =	simm.s32 @!p2 $0x0  }
0x16: {  	s3 =	sld [smem:$0x3FDB];
	s0 =	simm.s32 @p2 $0x1  }
0x17: {  	s4 =	simm.s32 $0x1BF5;
	[smem:$0x3FAF] =	sst s0  }
0x18: {  	s0 =	sld [smem:$0x3F92];
	_ =	swait.ge [sflag:s4], $0x0  }
0x19: {  	s7 =	sld [smem:$0x3F93]  }
0x1a: {  	s8 =	sadd.s32 $0xFFFFE003, lr  }
0x1b: {  	s9 =	sadd.s32 $0xFFFFFEF7, lr;
	s5 =	simm.s32 $0xFFFFFFFF;
	p2 =	slt.u32 s8, $0xFFFFF086  }
0x1c: {  	p1 =	slt.u32 s9, $0xF7A;
	s5 =	simm.s32 @!p2 $0x0  }
0x1d: {  	s5 =	simm.s32 @p1 $0x1;
	p0 =	seq.s32 s7, s2  }
0x1e: {  	s7 =	smul.u32 @!p0 $0xF7A, s2;
	p2 =	seq.s32 @!p0 s5, $0x0  }
0x1f: {  	s9 =	smul.u32 $0xF7A, s1;
	s8 =	simm.s32 @!p0 $0x1BF5;
	p2 =	por !p2, p0  }
0x20: {  	[sflag:s8] =	ssyncset.s32 @!p0 $0xFFFFF086;
	s6 =	sadd.s32 @!p0 s3, s7;
	s7 =	simm.s32 @!p0 $0x108  }
0x21: {  	s3 =	sadd.s32 s3, s9;
	s6 =	sadd.s32 @!p0 $0x88, s6;
	s7 =	simm.s32 @p2 $0x1082  }
0x22: {  	[simem:s7], [sflag:s8] =	dma.local @!p0 [hbm:s6], $0xF7A  }
0x23: {  	s9 =	sor.u32 $0xD0000000, s2;
	s6 =	simm.s32 $0x108;
	_ =	swait.ge @!p0 [sflag:s8], $0x0  }
0x24: {  	s3 =	sadd.s32 $0x88, s3;
	s6 =	simm.s32 @!p1 $0x1082;
	[sflag:s4] =	ssyncset.s32 $0xFFFFF086  }
0x25: {  	[simem:s6], [sflag:s4] =	dma.local [hbm:s3], $0xF7A  }
0x26: {  	[smem:$0x3F93] =	sst s1;
	(tag) =	ssettag s2;
	_ =	strace s9  }
0x27: {  	s1 =	sld [smem:$0x3FA3]  }
0x28: {  	s2 =	sld [smem:$0x3FA4]  }
0x29: {  	s4 =	sld [smem:$0x3FA6]  }
0x2a: {  	p0 =	seq.s32 s5, $0x0;
	s5 =	sld [smem:$0x3FA7]  }
0x2b: {  	s6 =	sld [smem:$0x3FA8]  }
0x2c: {  	s7 =	sld [smem:$0x3FA9]  }
0x2d: {  	s3 =	simm.s32 $0x108;
	s8 =	sld [smem:$0x3FAA]  }
0x2e: {  	s3 =	simm.s32 @!p0 $0x1082;
	s9 =	sld [smem:$0x3FAB]  }
0x2f: {  	lr =	sadd.s32 s0, s3;
	s0 =	sld [smem:$0x3FA2]  }
0x30: {  	s3 =	sld [smem:$0x3FA5]  }
0x31: {  	[smem:$0x3FAE] =	sst s10  }
0x32: {  	s10 =	sld [smem:$0x3FAC];
	_ =	sdelay $0x3  }
0x33: {  	p0 =	seq.s32 s10, $0x1;
	s10 =	sld [smem:$0x3FAE];
	_ =	sdelay $0x3  }
0x34: {  	[smem:$0x3FAE] =	sst s10  }
0x35: {  	s10 =	sld [smem:$0x3FAD];
	_ =	sdelay $0x3  }
0x36: {  	p1 =	seq.s32 s10, $0x1;
	s10 =	sld [smem:$0x3FAE];
	_ =	sdelay $0x3  }
0x37: {  	[smem:$0x3FAE] =	sst s10  }
0x38: {  	s10 =	sld [smem:$0x3FAF]  }
0x39: {  	_ = 	snop;
	(pc) =	sbr.ind lr, $3  }
0x3a: {  	_ = 	snop  }
0x3b: {  	_ = 	snop  }
0x3c: {  	p2 =	seq.s32 s10, $0x1;
	s10 =	sld [smem:$0x3FAE]  }
0x3d: {  	_ =	shalt  }
0x3e: {  	_ =	shalt  }
0x3f: {  	_ =	shalt  }
0x40: {  	_ =	shalt  }
0x41: {  	_ =	shalt  }
0x42: {  	_ =	shalt  }
0x43: {  	_ =	shalt  }
0x44: {  	_ =	shalt  }
0x45: {  	_ =	shalt  }
0x46: {  	_ =	shalt  }
0x47: {  	_ =	shalt  }
0x48: {  	_ =	shalt  }
0x49: {  	_ =	shalt  }
0x4a: {  	_ =	shalt  }
0x4b: {  	_ =	shalt  }
0x4c: {  	_ =	shalt  }
0x4d: {  	_ =	shalt  }
0x4e: {  	_ =	shalt  }
0x4f: {  	_ =	shalt  }
0x50: {  	_ =	shalt  }
0x51: {  	_ =	shalt  }
0x52: {  	_ =	shalt  }
0x53: {  	_ =	shalt  }
0x54: {  	_ =	shalt  }
0x55: {  	_ =	shalt  }
0x56: {  	_ =	shalt  }
0x57: {  	_ =	shalt  }
0x58: {  	_ =	shalt  }
0x59: {  	_ =	shalt  }
0x5a: {  	_ =	shalt  }
0x5b: {  	_ =	shalt  }
0x5c: {  	_ =	shalt  }
0x5d: {  	_ =	shalt  }
0x5e: {  	_ =	shalt  }
0x5f: {  	_ =	shalt  }
0x60: {  	_ =	shalt  }
0x61: {  	_ =	shalt  }
0x62: {  	_ =	shalt  }
0x63: {  	_ =	shalt  }
0x64: {  	_ =	shalt  }
0x65: {  	_ =	shalt  }
0x66: {  	_ =	shalt  }
0x67: {  	_ =	shalt  }
0x68: {  	_ =	shalt  }
0x69: {  	_ =	shalt  }
0x6a: {  	_ =	shalt  }
0x6b: {  	_ =	shalt  }
0x6c: {  	_ =	shalt  }
0x6d: {  	_ =	shalt  }
0x6e: {  	_ =	shalt  }
0x6f: {  	_ =	shalt  }
0x70: {  	_ =	shalt  }
0x71: {  	_ =	shalt  }
0x72: {  	_ =	shalt  }
0x73: {  	_ =	shalt  }
0x74: {  	_ =	shalt  }
0x75: {  	_ =	shalt  }
0x76: {  	_ =	shalt  }
0x77: {  	_ =	shalt  }
0x78: {  	_ =	shalt  }
0x79: {  	_ =	shalt  }
0x7a: {  	_ =	shalt  }
0x7b: {  	_ =	shalt  }
0x7c: {  	_ =	shalt  }
0x7d: {  	_ =	shalt  }
0x7e: {  	_ =	shalt  }
0x7f: {  	_ =	shalt  }
0x80: {  	_ =	shalt  }
0x81: {  	_ =	shalt  }
0x82: {  	_ =	shalt  }
0x83: {  	_ =	shalt  }
0x84: {  	_ =	shalt  }
0x85: {  	_ =	shalt  }
0x86: {  	_ =	shalt  }
0x87: {  	_ =	shalt  }
.Lfunc_end0:
.L_simem_size_0:
called_computation.2_lowered:
.L_overlay_start_0:
0x88: {  	s2 =	sld [smem:$0x3FD9]  }
0x89: {  	s3 =	sld [smem:$0x3FFE];
	_ =	sdelay $0x1  }
0x8a: {  	s1 =	srdreg.scid  }
0x8b: {  	s0 =	sand.u32 $0x1, s1  }
0x8c: {  	s16 =	sshll.u32 s0, $0xA;
	s2 =	sadd.s32 s3, s2  }
0x8d: {  	s2 =	sadd.s32 s2, s16  }
0x8e: {  	[smem:$0x3FBA] =	sst s2  }
0x8f: {  	_ = 	snop  }
0x90: {  	(tm) =	ssettm $0x1  }
0x91: {  	s17 =	sld [smem:$0x3FFB];
	_ =	sdelay $0x3  }
0x92: {  	_ =	strace s17  }
0x93: {  	s2 =	sld [smem:$0x3FFC];
	_ =	sdelay $0x3  }
0x94: {  	_ =	strace s2  }
0x95: {  	s2 =	sld [smem:$0x3FFD];
	_ =	sdelay $0x3  }
0x96: {  	_ =	strace s2  }
0x97: {  	_ =	strace $0x8FFFFFFF  }
0x98: {  	s18 =	sld [smem:$0x3FDB];
	_ =	sdelay $0x1  }
0x99: {  	s19 =	simm.s32 $_scs_section_size  }
0x9a: {  	s4 =	simm.s32 $_size__tile_overlayer_lowered;
	s5 =	simm.s32 $_tile_overlayer_lowered  }
0x9b: {  	s22 =	simm.s32 $0x1BFF;
	s21 =	sshll.u32 s5, $0x1;
	s2 =	sadd.s32 s19, s18  }
0x9c: {  	s6 =	simm.s32 $0x0;
	s20 =	sshll.u32 s4, $0x1;
	s4 =	sadd.s32 s21, s2  }
0x9d: {  	[timem:s6], [sflag:s22] =	dma.local [hbm:s4], s20  }
0x9e: {  	_ =	swait.ge [sflag:s22], s20  }
0x9f: {  	s3 =	ssub.s32 $0x0, s20;
	[sflag:s22] =	ssyncset.done $0x0  }
0xa0: {  	[sflag:s22] =	ssyncadd.s32 s3;
	_ =	sdelay $0x1  }
0xa1: {  	s23 =	simm.s32 $0x1B8B  }
0xa2: {  	_ =	swait.ge [sflag:s23], $0x1  }
0xa3: {  	[sflag:s23] =	ssyncset.done $0x0  }
0xa4: {  	s25 =	simm.s32 $0x1B8E;
	s24 =	sld [smem:$0x3FFE];
	[sflag:s23] =	ssyncadd.s32 $0xFFFFFFFF  }
0xa5: {  	s26 =	simm.s32 $execute0_lowered;
	[smem:$0x3FD2] =	sst s25  }
0xa6: {  	s4 =	sshll.u32 s26, $0x1;
	_ =	strace $0x8000004C;
	[dreg:$0x1] =	wrdreg $0xFFFFFFFF  }
0xa7: {  	s28 =	simm.s32 $_size_execute0_lowered;
	s2 =	sadd.s32 s2, s4;
	[dreg:$0x0] =	wrdreg $0x0  }
0xa8: {  	s4 =	sshll.u32 s28, $0x1;
	[dreg:$0x2] =	wrdreg s2  }
0xa9: {  	[dreg:$0x3] =	wrdreg s4  }
0xaa: {  	[dreg:$0x4] =	wrdreg $0xC0  }
0xab: {  	_ =	task [dreg:s6], $0x5FFFF  }
0xac: {  	[dreg:$0x1] =	wrdreg $0xFFFFFFFF  }
0xad: {  	[dreg:$0x0] =	wrdreg $0x60  }
0xae: {  	[dreg:$0x2] =	wrdreg s24  }
0xaf: {  	[dreg:$0x3] =	wrdreg $0x7C000  }
0xb0: {  	[dreg:$0x4] =	wrdreg $0x9  }
0xb1: {  	_ =	task.clear_ibuf [dreg:s6], $0x5FFFF;
	_ =	strace $0x9000004C  }
0xb2: {  	s29 =	simm.s32 $0x9;
	_ =	strace $0x8000004E  }
0xb3: {  	_ =	swait.ge [sflag:s29], $0x1  }
0xb4: {  	[sflag:s29] =	ssyncadd.s32 $0xFFFFFFFF  }
0xb5: {  	_ =	strace $0x9000004E  }
0xb6: {  	_ =	sfence  }
0xb7: {  	s30 =	sld [smem:$0x0];
	_ =	sdelay $0x2  }
0xb8: {  	s31 =	sshll.u32 s1, $0xD;
	s1 =	sshrl.u32 s1, $0x2  }
0xb9: {  	s3 =	sand.u32 $0x4000, s31;
	s1 =	sadd.s32 s1, s30  }
0xba: {  	s0 =	sor.u32 s3, s0;
	s1 =	sshll.u32 s1, $0x11  }
0xbb: {  	s0 =	sor.u32 s1, s0  }
0xbc: {  	s0 =	sadd.s32 $0x8F2B, s0  }
0xbd: {  	[sflag:s0] =	ssyncadd.remote.s32 $0x1  }
0xbe: {  	_ =	sfence.sel $0xFFFF  }
0xbf: {  	[dreg:$0x0] =	wrdreg $0xFFFFFFFF;
	(pc) =	sbr.abs _section_cstart, $3  }
0xc0: {  	[dreg:$0x1] =	wrdreg $0xFFFFFFFF  }
0xc1: {  	_ =	task.clear_ibuf [dreg:s6], $0x2FFFF;
	_ =	strace $0x9FFFFFFF  }
0xc2: {  	(tm) =	ssettm $0x7FFFFFFF  }
0xc3: {  	_ =	shalt  }
tec
execute0_lowered:
.L_overlay_start_1:
0x0: {  	(tag) =	ssettag $0x1  }
0x1: {  	s7 =	rddreg [dreg:$0x0]  }
0x2: {  	s2 =	rddreg [dreg:$0x1];
	s3 =	simm.s32 $0x0  }
0x3: {  	s0 =	stileid.u32;
	s4 =	srdreg.scid;
	s17 =	simm.s32 $0x80  }
0x4: {  	s18 =	simm.s32 $0x280;
	s19 =	simm.s32 $0x50;
	s20 =	simm.s32 $0x400  }
0x5: {  	s21 =	simm.s32 $0x2C00;
	s24 =	simm.s32 $0x1;
	s25 =	simm.s32 $0x2  }
0x6: {  	s26 =	simm.s32 $0x0;
	[smem:$0x7FF] =	sst s3;
	s8 =	smul.u32 $0x14000, s0  }
0x7: {  	s9 =	sand.u32 $0x1, s4;
	s4 =	sadd.s32 $0x3B600, s7;
	s5 =	sadd.s32 $0x8B600, s7  }
0x8: {  	s6 =	sadd.s32 $0x3600, s7;
	s29 =	sshll.u32 s0, $0xE;
	s31 =	smul.u32 $0x50000, s0  }
0x9: {  	s22 =	sshll.u32 s0, $0x6;
	_ =	strace $0x8000004D;
	s10 =	smul.u32 $0x140000, s9  }
0xa: {  	s28 =	sshll.u32 s9, $0x12;
	s30 =	ssub.s32 $0x2, s9;
	s22 =	sor.u32 $0x1C04, s22  }
0xb: {  	s11 =	sshrl.u32 s8, $0x3;
	s9 =	sshrl.u32 s30, $0x1;
	s16 =	sshrl.u32 s31, $0x2  }
0xc: {  	s12 =	sadd.s32 s11, s7;
	s8 =	sadd.s32 s8, s10;
	s14 =	ssub.s32 s30, s9  }
0xd: {  	s23 =	sadd.s32 s16, s2;
	s8 =	sshrl.u32 s8, $0x3;
	s12 =	sadd.s32 $0x13600, s12  }
0xe: {  	s14 =	smax.u32 s14, $0x1;
	s13 =	sadd.s32 s8, s7;
	s7 =	sor.u32 s29, s28  }
0xf: {  	s23 =	sshrl.u32 s23, $0x3;
	s10 =	sshrl.u32 s7, $0x3;
	s13 =	sadd.s32 $0x9B600, s13  }
0x10: {  	s8 =	sadd.s32 s5, s10;
	s15 =	sor.u32 $0x10, s10;
	s9 =	sadd.s32 s6, s10  }
0x11: {  	s10 =	sadd.s32 s5, s15;
	s11 =	sadd.s32 s6, s15;
	s15 =	simm.s32 $0x4  }
.LBB2_1:
0x12: {  	[tilespmem:s3], [sflag:$0x4] =	stream.linear.gather [hbm4b:s8+s3], $0x80, $0x38;
	[tilespmem:$0x1BC00] =	vst v63  }
0x13: {  	_ =	swait.ge [sflag:s15], $0x80  }
0x14: {  	[sflag:s15] =	ssyncset.done $0x0  }
0x15: {  	s0 =	simm.s32 $0x200;
	[sflag:s15] =	ssyncadd.s32 $0xFFFFFF80  }
0x16: {  	[tilespmem:s0], [sflag:$0x4] =	stream.linear.gather [hbm4b:s9+s3], $0x80, $0x38;
	[tilespmem:$0x1BC00] =	vst v63  }
0x17: {  	_ =	swait.ge [sflag:s15], $0x80  }
0x18: {  	[sflag:s15] =	ssyncset.done $0x0  }
0x19: {  	[sflag:s15] =	ssyncadd.s32 $0xFFFFFF80  }
0x1a: {  	[tilespmem:s17], [sflag:$0x4] =	stream.linear.gather [hbm4b:s10+s3], $0x80, $0x38;
	[tilespmem:$0x1BC00] =	vst v63  }
0x1b: {  	_ =	swait.ge [sflag:s15], $0x80  }
0x1c: {  	[sflag:s15] =	ssyncset.done $0x0  }
0x1d: {  	[sflag:s15] =	ssyncadd.s32 $0xFFFFFF80  }
0x1e: {  	[tilespmem:s18], [sflag:$0x4] =	stream.linear.gather [hbm4b:s11+s3], $0x80, $0x38;
	[tilespmem:$0x1BC00] =	vst v63  }
0x1f: {  	_ =	swait.ge [sflag:s15], $0x80  }
0x20: {  	[sflag:s15] =	ssyncset.done $0x0  }
0x21: {  	[sflag:s15] =	ssyncadd.s32 $0xFFFFFF80  }
0x22: {  	[tilespmem:s20], [sflag:$0x1] =	stream.indirect.gather [hbm4b:s4+s19], $0x80, s3, s19, $0xb8;
	[tilespmem:$0x1BC00] =	vst v63  }
0x23: {  	_ = 	snop  }
0x24: {  	[tilespmem:s21], [sflag:$0x1] =	stream.indirect.gather [hbm4b:s4+s19], $0x80, s17, s19, $0xb8;
	[tilespmem:$0x1BC00] =	vst v63  }
0x25: {  	[spmem:s23], [sflag:s22] =	dma.local [hbm:s12], $0x2800  }
0x26: {  	_ =	swait.ge [sflag:s15], $0x2800  }
0x27: {  	[sflag:s15] =	ssyncset.done $0x0  }
0x28: {  	[sflag:s15] =	ssyncadd.s32 $0xFFFFD800  }
0x29: {  	s28 =	simm.s32 $0x100;
	s29 =	simm.s32 $0x0;
	[bflag:$0x0] =	sbarrier.arrive $0xFFFF  }
.LBB2_2:
0x2a: {  	s31 =	smul.u32 $0xAB, s29;
	_ =	sdelay $0x1  }
0x2b: {  	p0 =	seq.s32 s29, $0x0;
	s30 =	sadd.s32 $0x156, s31  }
0x2c: {  	s0 =	simm.s32 @!p0 $0x2;
	s30 =	sshrl.u32 s30, $0x9  }
0x2d: {  	p1 =	sgt.u32 @!p0 s29, $0x7A;
	_ =	swait.ge @!p0 [sflag:s0], $0x2800;
	s30 =	sand.u32 $0x7F, s30  }
0x2e: {  	p1 =	por p0, !p1;
	[sflag:s0] =	ssyncset.done @!p0 $0x0;
	s30 =	smul.u32 $0x3, s30  }
0x2f: {  	[sflag:s0] =	ssyncadd.s32 @!p0 $0xFFFFD800;
	s0 =	sand.u32 @p1 $0x7C00, s28  }
0x30: {  	s1 =	sand.u32 @p1 $0x380, s28;
	s0 =	sadd.s32 @p1 s7, s0;
	s30 =	ssub.s32 s29, s30  }
0x31: {  	s0 =	sor.u32 @p1 s1, s0;
	s30 =	sadd.s32 $0x2, s30  }
0x32: {  	s0 =	sshrl.u32 @p1 s0, $0x3;
	s30 =	sand.u32 $0xFF, s30  }
0x33: {  	s16 =	sadd.s32 @p1 s5, s0;
	s1 =	sshll.u32 @p1 s30, $0x7  }
0x34: {  	[tilespmem:s1], [sflag:$0x3] =	stream.linear.gather @p1 [hbm4b:s16+s3], $0x80, $0x38;
	[tilespmem:$0x1BC00] =	vst v63  }
0x35: {  	s0 =	sadd.s32 @p1 s6, s0;
	s1 =	sadd.s32 @p1 $0x200, s1  }
0x36: {  	[tilespmem:s1], [sflag:$0x3] =	stream.linear.gather @p1 [hbm4b:s0+s3], $0x80, $0x38;
	[tilespmem:$0x1BC00] =	vst v63  }
0x37: {  	p0 =	por @!p0 $0x0, $0x0;
	_ =	swait.ge [sflag:s24], $0x2800  }
0x38: {  	p0 =	por @p1 $0x1, $0x1;
	[sflag:s24] =	ssyncset.done $0x0  }
0x39: {  	s16 =	sshrl.u32 s31, $0x9;
	s1 =	simm.s32 @p0 $0x3;
	[sflag:s24] =	ssyncadd.s32 $0xFFFFD800  }
0x3a: {  	s0 =	sand.u32 $0x7F, s16;
	s16 =	smul.u32 @p0 $0xA000, s30;
	_ =	swait.ge @p0 [sflag:s1], $0x80  }
0x3b: {  	s0 =	smul.u32 $0x3, s0;
	[sflag:s1] =	ssyncset.done @p0 $0x0  }
0x3c: {  	s30 =	sshll.u32 @p0 s30, $0x7;
	[sflag:s1] =	ssyncadd.s32 @p0 $0xFFFFFF80  }
0x3d: {  	s16 =	sshrl.u32 @p0 s16, $0x2;
	s0 =	ssub.s32 s29, s0;
	_ =	swait.ge @p0 [sflag:s1], $0x80  }
0x3e: {  	s29 =	sadd.s32 $0x1, s29;
	s0 =	sand.u32 $0xFF, s0;
	[sflag:s1] =	ssyncset.done @p0 $0x0  }
0x3f: {  	[sflag:s1] =	ssyncadd.s32 @p0 $0xFFFFFF80;
	s1 =	sor.u32 @p0 $0x400, s16;
	s16 =	simm.s32 @p0 $0x50  }
0x40: {  	[tilespmem:s1], [sflag:$0x1] =	stream.indirect.gather @p0 [hbm4b:s4+s16], $0x80, s30, s16, $0xb8;
	[tilespmem:$0x1BC00] =	vst v63  }
0x41: {  	s31 =	smul.u32 $0xA000, s0;
	p0 =	sne.s32 s29, $0x7D  }
.Ltmp0:
0x42: {  	_ = 	snop;
	(pc) =	sbr.rel @p0 .LBB2_2-.Ltmp0, $4  }
0x43: {  	_ = 	snop  }
0x44: {  	s0 =	sshll.u32 s0, $0x7;
	s31 =	sshrl.u32 s31, $0x2  }
0x45: {  	s28 =	sadd.s32 $0x80, s28;
	s0 =	sadd.s32 $0x200, s0;
	s1 =	sor.u32 $0x400, s31  }
0x46: {  	[spmem:s2] =	stream.indirect.scatter.add.f32 [tilespmem:s1], [sflag:$0x2], $0x80, s0, s19, $0xb8;
	[tilespmem:$0x1BC00] =	vst v63  }
0x47: {  	_ =	swait.ge [sflag:s25], $0x2800  }
0x48: {  	s26 =	sadd.s32 $0x1, s26;
	[sflag:s25] =	ssyncset.done $0x0  }
0x49: {  	p0 =	sne.s32 s26, s14;
	[sflag:s25] =	ssyncadd.s32 $0xFFFFD800  }
.Ltmp1:
0x4a: {  	[bflag:$0x0] =	sbarrier.arrive $0xFFFF;
	(pc) =	sbr.rel @p0 .LBB2_1-.Ltmp1, $4  }
0x4b: {  	[hbm:s13], [sflag:s22] =	dma.local [spmem:s23], $0x2800  }
0x4c: {  	_ =	swait.ge [sflag:s15], $0x2800  }
0x4d: {  	[sflag:s15] =	ssyncset.done $0x0  }
0x4e: {  	[sflag:s15] =	ssyncadd.s32 $0xFFFFD800  }
0x4f: {  	_ =	sfence.sel $0x180000  }
0x50: {  	[bflag:$0x0] =	sbarrier.arrive $0xFFFF  }
0x51: {  	_ =	strace $0x9000004D  }
0x52: {  	s0 =	stileid.u32;
	[bflag:$0x2] =	sbarrier.arrive $0xFFFF  }
0x53: {  	p0 =	sne.s32 s0, $0x0;
	s0 =	rddreg [dreg:$0x2]  }
0x54: {  	s0 =	sadd.s32 @!p0 $0x100000, s0  }
0x55: {  	[sflag:s0] =	ssyncadd.tile.s32 @!p0 $0x1;
	_ =	shalt  }
.Lfunc_end2:
_tile_overlayer_lowered:
.L_overlay_start_2:
0x56: {  	(tag) =	ssettag $0x2  }
0x57: {  	s0 =	rddreg [dreg:$0x0];
	s2 =	stileid.u32  }
0x58: {  	s1 =	rddreg [dreg:$0x1];
	p0 =	sne.s32 s2, $0x0  }
0x59: {  	s3 =	rddreg [dreg:$0x2];
	[bflag:$0x3] =	sbarrier.arrive $0xFFFF;
	s2 =	simm.s32 @!p0 $0x1C04  }
0x5a: {  	[timem:s3], [sflag:s2] =	dma.local @!p0 [hbm:s0], s1  }
0x5b: {  	s0 =	simm.s32 @!p0 $0x4  }
0x5c: {  	_ =	swait.ge @!p0 [sflag:s0], s1  }
0x5d: {  	s1 =	ssub.s32 @!p0 $0x0, s1;
	[sflag:s0] =	ssyncset.done @!p0 $0x0  }
0x5e: {  	[sflag:s0] =	ssyncadd.s32 @!p0 s1  }
0x5f: {  	[bflag:$0x3] =	sbarrier.arrive $0xFFFF  }
0x60: {  	_ =	shalt  }

// kernel: kernel.19.cloned.1.call-start
scs
__scs_entry_jumppad:
0x0: {  	(pc) =	sbr.rel $0x88, $3  }
0x1: {  	(tag) =	ssettag $0x0;
	lr =	simm.s32 $0x1  }
0x2: {  	[smem:$0x3F93] =	sst lr;
	_ =	strace $0xD0000000  }
0x3: {  	_ = 	snop  }
0x4: {  	_ = 	snop  }
0x5: {  	_ = 	snop  }
0x6: {  	_ = 	snop  }
0x7: {  	_ = 	snop  }
__scs_overlays_trampoline_lowered:
0x8: {  	[smem:$0x3FA2] =	sst s0  }
0x9: {  	[smem:$0x3FA3] =	sst s1  }
0xa: {  	[smem:$0x3FA4] =	sst s2  }
0xb: {  	[smem:$0x3FA5] =	sst s3  }
0xc: {  	[smem:$0x3FA6] =	sst s4  }
0xd: {  	[smem:$0x3FA7] =	sst s5  }
0xe: {  	[smem:$0x3FA8] =	sst s6  }
0xf: {  	[smem:$0x3FA9] =	sst s7  }
0x10: {  	[smem:$0x3FAA] =	sst s8  }
0x11: {  	[smem:$0x3FAB] =	sst s9;
	s0 =	simm.s32 @!p0 $0x0  }
0x12: {  	s1 =	sld [smem:$0x3F91];
	s0 =	simm.s32 @p0 $0x1  }
0x13: {  	[smem:$0x3FAC] =	sst s0;
	s0 =	simm.s32 @!p1 $0x0  }
0x14: {  	s2 =	sld [smem:$0x3F90];
	s0 =	simm.s32 @p1 $0x1  }
0x15: {  	[smem:$0x3FAD] =	sst s0;
	s0 =	simm.s32 @!p2 $0x0  }
0x16: {  	s3 =	sld [smem:$0x3FDB];
	s0 =	simm.s32 @p2 $0x1  }
0x17: {  	s4 =	simm.s32 $0x1BF5;
	[smem:$0x3FAF] =	sst s0  }
0x18: {  	s0 =	sld [smem:$0x3F92];
	_ =	swait.ge [sflag:s4], $0x0  }
0x19: {  	s7 =	sld [smem:$0x3F93]  }
0x1a: {  	s8 =	sadd.s32 $0xFFFFE003, lr  }
0x1b: {  	s9 =	sadd.s32 $0xFFFFFEF7, lr;
	s5 =	simm.s32 $0xFFFFFFFF;
	p2 =	slt.u32 s8, $0xFFFFF086  }
0x1c: {  	p1 =	slt.u32 s9, $0xF7A;
	s5 =	simm.s32 @!p2 $0x0  }
0x1d: {  	s5 =	simm.s32 @p1 $0x1;
	p0 =	seq.s32 s7, s2  }
0x1e: {  	s7 =	smul.u32 @!p0 $0xF7A, s2;
	p2 =	seq.s32 @!p0 s5, $0x0  }
0x1f: {  	s9 =	smul.u32 $0xF7A, s1;
	s8 =	simm.s32 @!p0 $0x1BF5;
	p2 =	por !p2, p0  }
0x20: {  	[sflag:s8] =	ssyncset.s32 @!p0 $0xFFFFF086;
	s6 =	sadd.s32 @!p0 s3, s7;
	s7 =	simm.s32 @!p0 $0x108  }
0x21: {  	s3 =	sadd.s32 s3, s9;
	s6 =	sadd.s32 @!p0 $0x88, s6;
	s7 =	simm.s32 @p2 $0x1082  }
0x22: {  	[simem:s7], [sflag:s8] =	dma.local @!p0 [hbm:s6], $0xF7A  }
0x23: {  	s9 =	sor.u32 $0xD0000000, s2;
	s6 =	simm.s32 $0x108;
	_ =	swait.ge @!p0 [sflag:s8], $0x0  }
0x24: {  	s3 =	sadd.s32 $0x88, s3;
	s6 =	simm.s32 @!p1 $0x1082;
	[sflag:s4] =	ssyncset.s32 $0xFFFFF086  }
0x25: {  	[simem:s6], [sflag:s4] =	dma.local [hbm:s3], $0xF7A  }
0x26: {  	[smem:$0x3F93] =	sst s1;
	(tag) =	ssettag s2;
	_ =	strace s9  }
0x27: {  	s1 =	sld [smem:$0x3FA3]  }
0x28: {  	s2 =	sld [smem:$0x3FA4]  }
0x29: {  	s4 =	sld [smem:$0x3FA6]  }
0x2a: {  	p0 =	seq.s32 s5, $0x0;
	s5 =	sld [smem:$0x3FA7]  }
0x2b: {  	s6 =	sld [smem:$0x3FA8]  }
0x2c: {  	s7 =	sld [smem:$0x3FA9]  }
0x2d: {  	s3 =	simm.s32 $0x108;
	s8 =	sld [smem:$0x3FAA]  }
0x2e: {  	s3 =	simm.s32 @!p0 $0x1082;
	s9 =	sld [smem:$0x3FAB]  }
0x2f: {  	lr =	sadd.s32 s0, s3;
	s0 =	sld [smem:$0x3FA2]  }
0x30: {  	s3 =	sld [smem:$0x3FA5]  }
0x31: {  	[smem:$0x3FAE] =	sst s10  }
0x32: {  	s10 =	sld [smem:$0x3FAC];
	_ =	sdelay $0x3  }
0x33: {  	p0 =	seq.s32 s10, $0x1;
	s10 =	sld [smem:$0x3FAE];
	_ =	sdelay $0x3  }
0x34: {  	[smem:$0x3FAE] =	sst s10  }
0x35: {  	s10 =	sld [smem:$0x3FAD];
	_ =	sdelay $0x3  }
0x36: {  	p1 =	seq.s32 s10, $0x1;
	s10 =	sld [smem:$0x3FAE];
	_ =	sdelay $0x3  }
0x37: {  	[smem:$0x3FAE] =	sst s10  }
0x38: {  	s10 =	sld [smem:$0x3FAF]  }
0x39: {  	_ = 	snop;
	(pc) =	sbr.ind lr, $3  }
0x3a: {  	_ = 	snop  }
0x3b: {  	_ = 	snop  }
0x3c: {  	p2 =	seq.s32 s10, $0x1;
	s10 =	sld [smem:$0x3FAE]  }
0x3d: {  	_ =	shalt  }
0x3e: {  	_ =	shalt  }
0x3f: {  	_ =	shalt  }
0x40: {  	_ =	shalt  }
0x41: {  	_ =	shalt  }
0x42: {  	_ =	shalt  }
0x43: {  	_ =	shalt  }
0x44: {  	_ =	shalt  }
0x45: {  	_ =	shalt  }
0x46: {  	_ =	shalt  }
0x47: {  	_ =	shalt  }
0x48: {  	_ =	shalt  }
0x49: {  	_ =	shalt  }
0x4a: {  	_ =	shalt  }
0x4b: {  	_ =	shalt  }
0x4c: {  	_ =	shalt  }
0x4d: {  	_ =	shalt  }
0x4e: {  	_ =	shalt  }
0x4f: {  	_ =	shalt  }
0x50: {  	_ =	shalt  }
0x51: {  	_ =	shalt  }
0x52: {  	_ =	shalt  }
0x53: {  	_ =	shalt  }
0x54: {  	_ =	shalt  }
0x55: {  	_ =	shalt  }
0x56: {  	_ =	shalt  }
0x57: {  	_ =	shalt  }
0x58: {  	_ =	shalt  }
0x59: {  	_ =	shalt  }
0x5a: {  	_ =	shalt  }
0x5b: {  	_ =	shalt  }
0x5c: {  	_ =	shalt  }
0x5d: {  	_ =	shalt  }
0x5e: {  	_ =	shalt  }
0x5f: {  	_ =	shalt  }
0x60: {  	_ =	shalt  }
0x61: {  	_ =	shalt  }
0x62: {  	_ =	shalt  }
0x63: {  	_ =	shalt  }
0x64: {  	_ =	shalt  }
0x65: {  	_ =	shalt  }
0x66: {  	_ =	shalt  }
0x67: {  	_ =	shalt  }
0x68: {  	_ =	shalt  }
0x69: {  	_ =	shalt  }
0x6a: {  	_ =	shalt  }
0x6b: {  	_ =	shalt  }
0x6c: {  	_ =	shalt  }
0x6d: {  	_ =	shalt  }
0x6e: {  	_ =	shalt  }
0x6f: {  	_ =	shalt  }
0x70: {  	_ =	shalt  }
0x71: {  	_ =	shalt  }
0x72: {  	_ =	shalt  }
0x73: {  	_ =	shalt  }
0x74: {  	_ =	shalt  }
0x75: {  	_ =	shalt  }
0x76: {  	_ =	shalt  }
0x77: {  	_ =	shalt  }
0x78: {  	_ =	shalt  }
0x79: {  	_ =	shalt  }
0x7a: {  	_ =	shalt  }
0x7b: {  	_ =	shalt  }
0x7c: {  	_ =	shalt  }
0x7d: {  	_ =	shalt  }
0x7e: {  	_ =	shalt  }
0x7f: {  	_ =	shalt  }
0x80: {  	_ =	shalt  }
0x81: {  	_ =	shalt  }
0x82: {  	_ =	shalt  }
0x83: {  	_ =	shalt  }
0x84: {  	_ =	shalt  }
0x85: {  	_ =	shalt  }
0x86: {  	_ =	shalt  }
0x87: {  	_ =	shalt  }
.Lfunc_end0:
.L_simem_size_0:
called_computation.3_lowered:
.L_overlay_start_0:
0x88: {  	s2 =	sld [smem:$0x3FD9]  }
0x89: {  	s3 =	sld [smem:$0x3FFE];
	_ =	sdelay $0x1  }
0x8a: {  	s1 =	srdreg.scid  }
0x8b: {  	s0 =	sand.u32 $0x1, s1  }
0x8c: {  	s16 =	sshll.u32 s0, $0xA;
	s2 =	sadd.s32 s3, s2  }
0x8d: {  	s2 =	sadd.s32 s2, s16  }
0x8e: {  	[smem:$0x3FBA] =	sst s2  }
0x8f: {  	_ = 	snop  }
0x90: {  	(tm) =	ssettm $0x1  }
0x91: {  	s17 =	sld [smem:$0x3FFB];
	_ =	sdelay $0x3  }
0x92: {  	_ =	strace s17  }
0x93: {  	s2 =	sld [smem:$0x3FFC];
	_ =	sdelay $0x3  }
0x94: {  	_ =	strace s2  }
0x95: {  	s2 =	sld [smem:$0x3FFD];
	_ =	sdelay $0x3  }
0x96: {  	_ =	strace s2  }
0x97: {  	_ =	strace $0x8FFFFFFF  }
0x98: {  	s18 =	sld [smem:$0x3FDB];
	_ =	sdelay $0x1  }
0x99: {  	s19 =	simm.s32 $_scs_section_size  }
0x9a: {  	s4 =	simm.s32 $_size__tile_overlayer_lowered;
	s5 =	simm.s32 $_tile_overlayer_lowered  }
0x9b: {  	s22 =	simm.s32 $0x1BFF;
	s21 =	sshll.u32 s5, $0x1;
	s2 =	sadd.s32 s19, s18  }
0x9c: {  	s6 =	simm.s32 $0x0;
	s20 =	sshll.u32 s4, $0x1;
	s4 =	sadd.s32 s21, s2  }
0x9d: {  	[timem:s6], [sflag:s22] =	dma.local [hbm:s4], s20  }
0x9e: {  	_ =	swait.ge [sflag:s22], s20  }
0x9f: {  	s3 =	ssub.s32 $0x0, s20;
	[sflag:s22] =	ssyncset.done $0x0  }
0xa0: {  	[sflag:s22] =	ssyncadd.s32 s3;
	_ =	sdelay $0x1  }
0xa1: {  	s23 =	simm.s32 $0x1B8B  }
0xa2: {  	_ =	swait.ge [sflag:s23], $0x1  }
0xa3: {  	[sflag:s23] =	ssyncset.done $0x0  }
0xa4: {  	s25 =	simm.s32 $0x1B8E;
	s24 =	sld [smem:$0x3FFE];
	[sflag:s23] =	ssyncadd.s32 $0xFFFFFFFF  }
0xa5: {  	s26 =	simm.s32 $execute0_lowered;
	[smem:$0x3FD2] =	sst s25  }
0xa6: {  	s4 =	sshll.u32 s26, $0x1;
	_ =	strace $0x8000004F;
	[dreg:$0x1] =	wrdreg $0xFFFFFFFF  }
0xa7: {  	s28 =	simm.s32 $_size_execute0_lowered;
	s2 =	sadd.s32 s2, s4;
	[dreg:$0x0] =	wrdreg $0x0  }
0xa8: {  	s4 =	sshll.u32 s28, $0x1;
	[dreg:$0x2] =	wrdreg s2  }
0xa9: {  	[dreg:$0x3] =	wrdreg s4  }
0xaa: {  	[dreg:$0x4] =	wrdreg $0xC0  }
0xab: {  	_ =	task [dreg:s6], $0x5FFFF  }
0xac: {  	[dreg:$0x1] =	wrdreg $0xFFFFFFFF  }
0xad: {  	[dreg:$0x0] =	wrdreg $0x60  }
0xae: {  	[dreg:$0x2] =	wrdreg s24  }
0xaf: {  	[dreg:$0x3] =	wrdreg $0x7C000  }
0xb0: {  	[dreg:$0x4] =	wrdreg $0x9  }
0xb1: {  	_ =	task.clear_ibuf [dreg:s6], $0x5FFFF;
	_ =	strace $0x9000004F  }
0xb2: {  	s29 =	simm.s32 $0x9;
	_ =	strace $0x80000051  }
0xb3: {  	_ =	swait.ge [sflag:s29], $0x1  }
0xb4: {  	[sflag:s29] =	ssyncadd.s32 $0xFFFFFFFF  }
0xb5: {  	_ =	strace $0x90000051  }
0xb6: {  	_ =	sfence  }
0xb7: {  	s30 =	sld [smem:$0x0];
	_ =	sdelay $0x2  }
0xb8: {  	s31 =	sshll.u32 s1, $0xD;
	s1 =	sshrl.u32 s1, $0x2  }
0xb9: {  	s3 =	sand.u32 $0x4000, s31;
	s1 =	sadd.s32 s1, s30  }
0xba: {  	s0 =	sor.u32 s3, s0;
	s1 =	sshll.u32 s1, $0x11  }
0xbb: {  	s0 =	sor.u32 s1, s0  }
0xbc: {  	s0 =	sadd.s32 $0x8F2B, s0  }
0xbd: {  	[sflag:s0] =	ssyncadd.remote.s32 $0x1  }
0xbe: {  	_ =	sfence.sel $0xFFFF  }
0xbf: {  	[dreg:$0x0] =	wrdreg $0xFFFFFFFF;
	(pc) =	sbr.abs _section_cstart, $3  }
0xc0: {  	[dreg:$0x1] =	wrdreg $0xFFFFFFFF  }
0xc1: {  	_ =	task.clear_ibuf [dreg:s6], $0x2FFFF;
	_ =	strace $0x9FFFFFFF  }
0xc2: {  	(tm) =	ssettm $0x7FFFFFFF  }
0xc3: {  	_ =	shalt  }
tec
execute0_lowered:
.L_overlay_start_1:
0x0: {  	(tag) =	ssettag $0x1  }
0x1: {  	s7 =	rddreg [dreg:$0x0]  }
0x2: {  	s2 =	rddreg [dreg:$0x1];
	s3 =	simm.s32 $0x0  }
0x3: {  	s0 =	stileid.u32;
	s4 =	srdreg.scid;
	s17 =	simm.s32 $0x80  }
0x4: {  	s18 =	simm.s32 $0x280;
	s19 =	simm.s32 $0x50;
	s20 =	simm.s32 $0x400  }
0x5: {  	s21 =	simm.s32 $0x2C00;
	s24 =	simm.s32 $0x1;
	s25 =	simm.s32 $0x2  }
0x6: {  	s26 =	simm.s32 $0x0;
	[smem:$0x7FF] =	sst s3;
	s8 =	smul.u32 $0x14000, s0  }
0x7: {  	s9 =	sand.u32 $0x1, s4;
	s4 =	sadd.s32 $0x3B600, s7;
	s5 =	sadd.s32 $0x8B600, s7  }
0x8: {  	s6 =	sadd.s32 $0x3600, s7;
	s29 =	sshll.u32 s0, $0xE;
	s31 =	smul.u32 $0x50000, s0  }
0x9: {  	s22 =	sshll.u32 s0, $0x6;
	_ =	strace $0x80000050;
	s10 =	smul.u32 $0x140000, s9  }
0xa: {  	s28 =	sshll.u32 s9, $0x12;
	s30 =	ssub.s32 $0x2, s9;
	s22 =	sor.u32 $0x1C04, s22  }
0xb: {  	s11 =	sshrl.u32 s8, $0x3;
	s9 =	sshrl.u32 s30, $0x1;
	s16 =	sshrl.u32 s31, $0x2  }
0xc: {  	s12 =	sadd.s32 s11, s7;
	s8 =	sadd.s32 s8, s10;
	s14 =	ssub.s32 s30, s9  }
0xd: {  	s23 =	sadd.s32 s16, s2;
	s8 =	sshrl.u32 s8, $0x3;
	s12 =	sadd.s32 $0x13600, s12  }
0xe: {  	s14 =	smax.u32 s14, $0x1;
	s13 =	sadd.s32 s8, s7;
	s7 =	sor.u32 s29, s28  }
0xf: {  	s23 =	sshrl.u32 s23, $0x3;
	s10 =	sshrl.u32 s7, $0x3;
	s13 =	sadd.s32 $0x9B600, s13  }
0x10: {  	s8 =	sadd.s32 s5, s10;
	s15 =	sor.u32 $0x10, s10;
	s9 =	sadd.s32 s6, s10  }
0x11: {  	s10 =	sadd.s32 s5, s15;
	s11 =	sadd.s32 s6, s15;
	s15 =	simm.s32 $0x4  }
.LBB2_1:
0x12: {  	[tilespmem:s3], [sflag:$0x4] =	stream.linear.gather [hbm4b:s8+s3], $0x80, $0x38;
	[tilespmem:$0x1BC00] =	vst v63  }
0x13: {  	_ =	swait.ge [sflag:s15], $0x80  }
0x14: {  	[sflag:s15] =	ssyncset.done $0x0  }
0x15: {  	s0 =	simm.s32 $0x200;
	[sflag:s15] =	ssyncadd.s32 $0xFFFFFF80  }
0x16: {  	[tilespmem:s0], [sflag:$0x4] =	stream.linear.gather [hbm4b:s9+s3], $0x80, $0x38;
	[tilespmem:$0x1BC00] =	vst v63  }
0x17: {  	_ =	swait.ge [sflag:s15], $0x80  }
0x18: {  	[sflag:s15] =	ssyncset.done $0x0  }
0x19: {  	[sflag:s15] =	ssyncadd.s32 $0xFFFFFF80  }
0x1a: {  	[tilespmem:s17], [sflag:$0x4] =	stream.linear.gather [hbm4b:s10+s3], $0x80, $0x38;
	[tilespmem:$0x1BC00] =	vst v63  }
0x1b: {  	_ =	swait.ge [sflag:s15], $0x80  }
0x1c: {  	[sflag:s15] =	ssyncset.done $0x0  }
0x1d: {  	[sflag:s15] =	ssyncadd.s32 $0xFFFFFF80  }
0x1e: {  	[tilespmem:s18], [sflag:$0x4] =	stream.linear.gather [hbm4b:s11+s3], $0x80, $0x38;
	[tilespmem:$0x1BC00] =	vst v63  }
0x1f: {  	_ =	swait.ge [sflag:s15], $0x80  }
0x20: {  	[sflag:s15] =	ssyncset.done $0x0  }
0x21: {  	[sflag:s15] =	ssyncadd.s32 $0xFFFFFF80  }
0x22: {  	[tilespmem:s20], [sflag:$0x1] =	stream.indirect.gather [hbm4b:s4+s19], $0x80, s3, s19, $0xb8;
	[tilespmem:$0x1BC00] =	vst v63  }
0x23: {  	_ = 	snop  }
0x24: {  	[tilespmem:s21], [sflag:$0x1] =	stream.indirect.gather [hbm4b:s4+s19], $0x80, s17, s19, $0xb8;
	[tilespmem:$0x1BC00] =	vst v63  }
0x25: {  	[spmem:s23], [sflag:s22] =	dma.local [hbm:s12], $0x2800  }
0x26: {  	_ =	swait.ge [sflag:s15], $0x2800  }
0x27: {  	[sflag:s15] =	ssyncset.done $0x0  }
0x28: {  	[sflag:s15] =	ssyncadd.s32 $0xFFFFD800  }
0x29: {  	s28 =	simm.s32 $0x100;
	s29 =	simm.s32 $0x0;
	[bflag:$0x0] =	sbarrier.arrive $0xFFFF  }
.LBB2_2:
0x2a: {  	s31 =	smul.u32 $0xAB, s29;
	_ =	sdelay $0x1  }
0x2b: {  	p0 =	seq.s32 s29, $0x0;
	s30 =	sadd.s32 $0x156, s31  }
0x2c: {  	s0 =	simm.s32 @!p0 $0x2;
	s30 =	sshrl.u32 s30, $0x9  }
0x2d: {  	p1 =	sgt.u32 @!p0 s29, $0x7A;
	_ =	swait.ge @!p0 [sflag:s0], $0x2800;
	s30 =	sand.u32 $0x7F, s30  }
0x2e: {  	p1 =	por p0, !p1;
	[sflag:s0] =	ssyncset.done @!p0 $0x0;
	s30 =	smul.u32 $0x3, s30  }
0x2f: {  	[sflag:s0] =	ssyncadd.s32 @!p0 $0xFFFFD800;
	s0 =	sand.u32 @p1 $0x7C00, s28  }
0x30: {  	s1 =	sand.u32 @p1 $0x380, s28;
	s0 =	sadd.s32 @p1 s7, s0;
	s30 =	ssub.s32 s29, s30  }
0x31: {  	s0 =	sor.u32 @p1 s1, s0;
	s30 =	sadd.s32 $0x2, s30  }
0x32: {  	s0 =	sshrl.u32 @p1 s0, $0x3;
	s30 =	sand.u32 $0xFF, s30  }
0x33: {  	s16 =	sadd.s32 @p1 s5, s0;
	s1 =	sshll.u32 @p1 s30, $0x7  }
0x34: {  	[tilespmem:s1], [sflag:$0x3] =	stream.linear.gather @p1 [hbm4b:s16+s3], $0x80, $0x38;
	[tilespmem:$0x1BC00] =	vst v63  }
0x35: {  	s0 =	sadd.s32 @p1 s6, s0;
	s1 =	sadd.s32 @p1 $0x200, s1  }
0x36: {  	[tilespmem:s1], [sflag:$0x3] =	stream.linear.gather @p1 [hbm4b:s0+s3], $0x80, $0x38;
	[tilespmem:$0x1BC00] =	vst v63  }
0x37: {  	p0 =	por @!p0 $0x0, $0x0;
	_ =	swait.ge [sflag:s24], $0x2800  }
0x38: {  	p0 =	por @p1 $0x1, $0x1;
	[sflag:s24] =	ssyncset.done $0x0  }
0x39: {  	s16 =	sshrl.u32 s31, $0x9;
	s1 =	simm.s32 @p0 $0x3;
	[sflag:s24] =	ssyncadd.s32 $0xFFFFD800  }
0x3a: {  	s0 =	sand.u32 $0x7F, s16;
	s16 =	smul.u32 @p0 $0xA000, s30;
	_ =	swait.ge @p0 [sflag:s1], $0x80  }
0x3b: {  	s0 =	smul.u32 $0x3, s0;
	[sflag:s1] =	ssyncset.done @p0 $0x0  }
0x3c: {  	s30 =	sshll.u32 @p0 s30, $0x7;
	[sflag:s1] =	ssyncadd.s32 @p0 $0xFFFFFF80  }
0x3d: {  	s16 =	sshrl.u32 @p0 s16, $0x2;
	s0 =	ssub.s32 s29, s0;
	_ =	swait.ge @p0 [sflag:s1], $0x80  }
0x3e: {  	s29 =	sadd.s32 $0x1, s29;
	s0 =	sand.u32 $0xFF, s0;
	[sflag:s1] =	ssyncset.done @p0 $0x0  }
0x3f: {  	[sflag:s1] =	ssyncadd.s32 @p0 $0xFFFFFF80;
	s1 =	sor.u32 @p0 $0x400, s16;
	s16 =	simm.s32 @p0 $0x50  }
0x40: {  	[tilespmem:s1], [sflag:$0x1] =	stream.indirect.gather @p0 [hbm4b:s4+s16], $0x80, s30, s16, $0xb8;
	[tilespmem:$0x1BC00] =	vst v63  }
0x41: {  	s31 =	smul.u32 $0xA000, s0;
	p0 =	sne.s32 s29, $0x7D  }
.Ltmp0:
0x42: {  	_ = 	snop;
	(pc) =	sbr.rel @p0 .LBB2_2-.Ltmp0, $4  }
0x43: {  	_ = 	snop  }
0x44: {  	s0 =	sshll.u32 s0, $0x7;
	s31 =	sshrl.u32 s31, $0x2  }
0x45: {  	s28 =	sadd.s32 $0x80, s28;
	s0 =	sadd.s32 $0x200, s0;
	s1 =	sor.u32 $0x400, s31  }
0x46: {  	[spmem:s2] =	stream.indirect.scatter.add.f32 [tilespmem:s1], [sflag:$0x2], $0x80, s0, s19, $0xb8;
	[tilespmem:$0x1BC00] =	vst v63  }
0x47: {  	_ =	swait.ge [sflag:s25], $0x2800  }
0x48: {  	s26 =	sadd.s32 $0x1, s26;
	[sflag:s25] =	ssyncset.done $0x0  }
0x49: {  	p0 =	sne.s32 s26, s14;
	[sflag:s25] =	ssyncadd.s32 $0xFFFFD800  }
.Ltmp1:
0x4a: {  	[bflag:$0x0] =	sbarrier.arrive $0xFFFF;
	(pc) =	sbr.rel @p0 .LBB2_1-.Ltmp1, $4  }
0x4b: {  	[hbm:s13], [sflag:s22] =	dma.local [spmem:s23], $0x2800  }
0x4c: {  	_ =	swait.ge [sflag:s15], $0x2800  }
0x4d: {  	[sflag:s15] =	ssyncset.done $0x0  }
0x4e: {  	[sflag:s15] =	ssyncadd.s32 $0xFFFFD800  }
0x4f: {  	_ =	sfence.sel $0x180000  }
0x50: {  	[bflag:$0x0] =	sbarrier.arrive $0xFFFF  }
0x51: {  	_ =	strace $0x90000050  }
0x52: {  	s0 =	stileid.u32;
	[bflag:$0x2] =	sbarrier.arrive $0xFFFF  }
0x53: {  	p0 =	sne.s32 s0, $0x0;
	s0 =	rddreg [dreg:$0x2]  }
0x54: {  	s0 =	sadd.s32 @!p0 $0x100000, s0  }
0x55: {  	[sflag:s0] =	ssyncadd.tile.s32 @!p0 $0x1;
	_ =	shalt  }
.Lfunc_end2:
_tile_overlayer_lowered:
.L_overlay_start_2:
0x56: {  	(tag) =	ssettag $0x2  }
0x57: {  	s0 =	rddreg [dreg:$0x0];
	s2 =	stileid.u32  }
0x58: {  	s1 =	rddreg [dreg:$0x1];
	p0 =	sne.s32 s2, $0x0  }
0x59: {  	s3 =	rddreg [dreg:$0x2];
	[bflag:$0x3] =	sbarrier.arrive $0xFFFF;
	s2 =	simm.s32 @!p0 $0x1C04  }
0x5a: {  	[timem:s3], [sflag:s2] =	dma.local @!p0 [hbm:s0], s1  }
0x5b: {  	s0 =	simm.s32 @!p0 $0x4  }
0x5c: {  	_ =	swait.ge @!p0 [sflag:s0], s1  }
0x5d: {  	s1 =	ssub.s32 @!p0 $0x0, s1;
	[sflag:s0] =	ssyncset.done @!p0 $0x0  }
0x5e: {  	[sflag:s0] =	ssyncadd.s32 @!p0 s1  }
0x5f: {  	[bflag:$0x3] =	sbarrier.arrive $0xFFFF  }
0x60: {  	_ =	shalt  }

</sc_bundles>
